<compile_context>
chip_gen: v7x
topology: tpu7x:2x2x1
jax: 0.10.2.dev20260603
libtpu: 0.0.44.dev20260713+nightly
codegen_flags: <defaults>
</compile_context>

<pallas_src>
import functools

import jax
import jax.numpy as jnp
from jax import lax
from jax.experimental import pallas as pl
from jax.experimental.pallas import tpu as pltpu
from jax.experimental.pallas import tpu_sc as plsc

N = 10000
E = 320000
CAT = 1000

NW = 32
NSUB = 16
NP = 10240
ECH = 128
NCHE = 80
EPW = NCHE * ECH
GCH = 64
NCHG = 5
ROWS_PER_SUB = NP // NSUB

CH0 = 144
CH1 = 16


def _sc_mesh():
    return plsc.VectorSubcoreMesh(core_axis_name="c", subcore_axis_name="s")


def _sc_front(idx_u, idx_c, dst_pad, emb_user, emb_cat, zeros16, ones16):
    @functools.partial(
        pl.kernel,
        mesh=_sc_mesh(),
        compiler_params=pltpu.CompilerParams(use_tc_tiling_on_sc=False),
        out_type=[
            jax.ShapeDtypeStruct((NP, 64), jnp.float32),
            jax.ShapeDtypeStruct((NP, 32), jnp.float32),
            jax.ShapeDtypeStruct((2, NP, 16), jnp.float32),
        ],
        scratch_types=(
            [pltpu.VMEM((GCH,), jnp.int32),
             pltpu.VMEM((GCH, 64), jnp.float32),
             pltpu.VMEM((GCH, 32), jnp.float32)]
            + [pltpu.VMEM((ECH,), jnp.int32) for _ in range(8)]
            + [pltpu.VMEM((ECH, 16), jnp.float32),
               pltpu.VMEM_SHARED((NP, 16), jnp.float32)]
            + [pltpu.SemaphoreType.DMA for _ in range(1 + 8 + 4)]
        ),
    )
    def k(idx_u_hbm, idx_c_hbm, dst_hbm, emb_u_hbm, emb_c_hbm,
          zeros16_hbm, ones16_hbm,
          eu_hbm, ec_hbm, deg_hbm, *scr):
        idxg, bufu, bufc = scr[0], scr[1], scr[2]
        idxe = scr[3:11]
        ones_v = scr[11]
        deg_sh = scr[12]
        sem = scr[13]
        sd = scr[14:22]
        sc = scr[22:26]

        cid = lax.axis_index("c")
        sid = lax.axis_index("s")
        wid = cid * NSUB + sid
        gbase = wid * (NCHG * GCH)
        ebase = wid * EPW

        def start_didx(j, s):
            pltpu.async_copy(dst_hbm.at[pl.ds(ebase + j * ECH, ECH)],
                             idxe[s], sd[s])

        def wait_didx(s):
            pltpu.make_async_copy(dst_hbm.at[pl.ds(ebase, ECH)],
                                  idxe[s], sd[s]).wait()

        def wait_scat(s8, sc4):
            pltpu.make_async_copy(ones_v, deg_sh.at[idxe[s8]],
                                  sc[sc4]).wait()

        for t in range(4):
            start_didx(t, t)
        pltpu.sync_copy(zeros16_hbm.at[pl.ds(sid * ROWS_PER_SUB, ROWS_PER_SUB)],
                        deg_sh.at[pl.ds(sid * ROWS_PER_SUB, ROWS_PER_SUB)])
        pltpu.sync_copy(ones16_hbm, ones_v)
        plsc.subcore_barrier()

        def deg_body(i, carry):
            for kk in range(8):
                j = 8 * i + kk
                s = kk
                wait_didx(s)
                pltpu.async_copy(ones_v, deg_sh.at[idxe[s]], sc[kk % 4],
                                 add=True)
                if kk >= 2:
                    wait_scat((kk + 6) % 8, (kk + 2) % 4)
                else:
                    @pl.when(i > 0)
                    def _():
                        wait_scat((kk + 6) % 8, (kk + 2) % 4)

                @pl.when(j + 4 < NCHE)
                def _():
                    start_didx(j + 4, (kk + 4) % 8)
            return carry

        lax.fori_loop(0, NCHE // 8, deg_body, 0)
        wait_scat(6, 2)
        wait_scat(7, 3)

        def g_body(j, carry):
            base = gbase + j * GCH
            pltpu.sync_copy(idx_u_hbm.at[pl.ds(base, GCH)], idxg)
            pltpu.async_copy(emb_u_hbm.at[idxg], bufu, sem).wait()
            pltpu.sync_copy(bufu, eu_hbm.at[pl.ds(base, GCH)])
            pltpu.sync_copy(idx_c_hbm.at[pl.ds(base, GCH)], idxg)
            pltpu.async_copy(emb_c_hbm.at[idxg], bufc, sem).wait()
            pltpu.sync_copy(bufc, ec_hbm.at[pl.ds(base, GCH)])
            return carry

        lax.fori_loop(0, NCHG, g_body, 0)

        plsc.subcore_barrier()
        pltpu.sync_copy(deg_sh.at[pl.ds(sid * ROWS_PER_SUB, ROWS_PER_SUB)],
                        deg_hbm.at[cid, pl.ds(sid * ROWS_PER_SUB, ROWS_PER_SUB)])

    return k(idx_u, idx_c, dst_pad, emb_user, emb_cat, zeros16, ones16)


def _sc_spmm(y, src_pad, dst_pad, zeros, D):
    @functools.partial(
        pl.kernel,
        mesh=_sc_mesh(),
        compiler_params=pltpu.CompilerParams(use_tc_tiling_on_sc=False),
        out_type=jax.ShapeDtypeStruct((2, NP, D), jnp.float32),
        scratch_types=[
            pltpu.VMEM((ECH,), jnp.int32),
            pltpu.VMEM((ECH,), jnp.int32),
            pltpu.VMEM((ECH,), jnp.int32),
            pltpu.VMEM((ECH,), jnp.int32),
            pltpu.VMEM((ECH, D), jnp.float32),
            pltpu.VMEM((ECH, D), jnp.float32),
            pltpu.VMEM_SHARED((NP, D), jnp.float32),
            pltpu.SemaphoreType.DMA,
            pltpu.SemaphoreType.DMA,
            pltpu.SemaphoreType.DMA,
            pltpu.SemaphoreType.DMA,
            pltpu.SemaphoreType.DMA,
            pltpu.SemaphoreType.DMA,
        ],
    )
    def k(y_hbm, src_hbm, dst_hbm, zeros_hbm, z_hbm,
          sidx0, sidx1, didx0, didx1, buf0, buf1, z_sh,
          ss0, ss1, sd0, sd1, sg0, sg1):
        cid = lax.axis_index("c")
        sid = lax.axis_index("s")
        nche = jnp.where(cid == 0, CH0, CH1)
        ebase = jnp.where(cid == 0, sid * CH0, NSUB * CH0 + sid * CH1) * ECH
        sidx = (sidx0, sidx1)
        didx = (didx0, didx1)
        buf = (buf0, buf1)
        ss = (ss0, ss1)
        sd = (sd0, sd1)
        sg = (sg0, sg1)

        def start_idx(j, b):
            pltpu.async_copy(src_hbm.at[pl.ds(ebase + j * ECH, ECH)],
                             sidx[b], ss[b])
            pltpu.async_copy(dst_hbm.at[pl.ds(ebase + j * ECH, ECH)],
                             didx[b], sd[b])

        def wait_sidx(b):
            pltpu.make_async_copy(src_hbm.at[pl.ds(ebase, ECH)],
                                  sidx[b], ss[b]).wait()

        def wait_didx(b):
            pltpu.make_async_copy(dst_hbm.at[pl.ds(ebase, ECH)],
                                  didx[b], sd[b]).wait()

        start_idx(0, 0)
        start_idx(1, 1)
        pltpu.sync_copy(zeros_hbm.at[pl.ds(sid * ROWS_PER_SUB, ROWS_PER_SUB)],
                        z_sh.at[pl.ds(sid * ROWS_PER_SUB, ROWS_PER_SUB)])
        plsc.subcore_barrier()
        wait_sidx(0)
        pltpu.async_copy(y_hbm.at[sidx[0]], buf[0], sg[0])

        def body(i, carry):
            for b in range(2):
                j = 2 * i + b
                nb = 1 - b
                pltpu.make_async_copy(y_hbm.at[sidx[b]], buf[b], sg[b]).wait()

                @pl.when(j + 1 < nche)
                def _():
                    wait_sidx(nb)
                    pltpu.async_copy(y_hbm.at[sidx[nb]], buf[nb], sg[nb])

                wait_didx(b)
                pltpu.sync_copy(buf[b], z_sh.at[didx[b]], add=True)

                @pl.when(j + 2 < nche)
                def _():
                    start_idx(j + 2, b)
            return carry

        lax.fori_loop(0, nche // 2, body, 0)

        plsc.subcore_barrier()
        pltpu.sync_copy(z_sh.at[pl.ds(sid * ROWS_PER_SUB, ROWS_PER_SUB)],
                        z_hbm.at[cid, pl.ds(sid * ROWS_PER_SUB, ROWS_PER_SUB)])

    return k(y, src_pad, dst_pad, zeros)


_RB = 1280
_NRB = NP // _RB


def _tc_front(eu, ec, kn, fl, lm, degA, degB, emb_known, W_user, b_user,
              emb_mask, W_mask, b_mask, W_cat, b_cat, W0):
    def body(eu_r, ec_r, kn_r, fl_r, lm_r, dA_r, dB_r, ek_r, Wu_r, bu_r,
             em_r, Wm_r, bm_r, Wc_r, bc_r, W0_r, y0_r):
        eu_b = eu_r[...]
        kn_b = kn_r[...]
        ksel = jnp.where(kn_b == 0, ek_r[0:1, :], ek_r[1:2, :])
        uf = jnp.maximum(eu_b + ksel, 0.0) @ Wu_r[...] + bu_r[...]
        cf = jnp.maximum(ec_r[...], 0.0) @ Wc_r[...] + bc_r[...]
        mrows = jax.nn.sigmoid(jnp.maximum(em_r[...], 0.0) @ Wm_r[...] + bm_r[...])
        mf = jnp.where(lm_r[...] == 0, mrows[0:1, :], mrows[1:2, :])
        x = jnp.where(fl_r[...] == 0, uf, cf) * mf
        deg = dA_r[...][:, 0:1] + dB_r[...][:, 0:1] + 1.0
        dinv = lax.rsqrt(deg)
        y0_r[...] = dinv * (x @ W0_r[...])

    full = lambda shape: pl.BlockSpec(shape, lambda i: (0, 0))
    return pl.pallas_call(
        body,
        grid=(_NRB,),
        in_specs=[
            pl.BlockSpec((_RB, 64), lambda i: (i, 0)),
            pl.BlockSpec((_RB, 32), lambda i: (i, 0)),
            pl.BlockSpec((_RB, 1), lambda i: (i, 0)),
            pl.BlockSpec((_RB, 1), lambda i: (i, 0)),
            pl.BlockSpec((_RB, 1), lambda i: (i, 0)),
            pl.BlockSpec((_RB, 16), lambda i: (i, 0)),
            pl.BlockSpec((_RB, 16), lambda i: (i, 0)),
            full((2, 64)),
            full((64, 128)),
            full((1, 128)),
            full((2, 64)),
            full((64, 128)),
            full((1, 128)),
            full((32, 128)),
            full((1, 128)),
            full((128, 128)),
        ],
        out_specs=pl.BlockSpec((_RB, 128), lambda i: (i, 0)),
        out_shape=jax.ShapeDtypeStruct((NP, 128), jnp.float32),
    )(eu, ec, kn, fl, lm, degA, degB, emb_known, W_user, b_user,
      emb_mask, W_mask, b_mask, W_cat, b_cat, W0)


def _tc_mid(z0a, z0b, y0, degA, degB, b0, W2):
    def body(za_r, zb_r, y0_r, dA_r, dB_r, b0_r, W2_r, y2_r):
        deg = dA_r[...][:, 0:1] + dB_r[...][:, 0:1] + 1.0
        dinv = lax.rsqrt(deg)
        out0 = dinv * (za_r[...] + zb_r[...] + y0_r[...]) + b0_r[...]
        x1 = jnp.maximum(out0, 0.0)
        y2_r[...] = dinv * (x1 @ W2_r[...])

    full = lambda shape: pl.BlockSpec(shape, lambda i: (0, 0))
    return pl.pallas_call(
        body,
        grid=(_NRB,),
        in_specs=[
            pl.BlockSpec((_RB, 128), lambda i: (i, 0)),
            pl.BlockSpec((_RB, 128), lambda i: (i, 0)),
            pl.BlockSpec((_RB, 128), lambda i: (i, 0)),
            pl.BlockSpec((_RB, 16), lambda i: (i, 0)),
            pl.BlockSpec((_RB, 16), lambda i: (i, 0)),
            full((1, 128)),
            full((128, 64)),
        ],
        out_specs=pl.BlockSpec((_RB, 64), lambda i: (i, 0)),
        out_shape=jax.ShapeDtypeStruct((NP, 64), jnp.float32),
    )(z0a, z0b, y0, degA, degB, b0, W2)


def _tc_tail(z2a, z2b, y2, degA, degB, b2):
    def body(za_r, zb_r, y2_r, dA_r, dB_r, b2_r, out_r):
        deg = dA_r[...][:, 0:1] + dB_r[...][:, 0:1] + 1.0
        dinv = lax.rsqrt(deg)
        out_r[...] = dinv * (za_r[...] + zb_r[...] + y2_r[...]) + b2_r[...]

    full = lambda shape: pl.BlockSpec(shape, lambda i: (0, 0))
    return pl.pallas_call(
        body,
        grid=(_NRB,),
        in_specs=[
            pl.BlockSpec((_RB, 64), lambda i: (i, 0)),
            pl.BlockSpec((_RB, 64), lambda i: (i, 0)),
            pl.BlockSpec((_RB, 64), lambda i: (i, 0)),
            pl.BlockSpec((_RB, 16), lambda i: (i, 0)),
            pl.BlockSpec((_RB, 16), lambda i: (i, 0)),
            full((1, 64)),
        ],
        out_specs=pl.BlockSpec((_RB, 64), lambda i: (i, 0)),
        out_shape=jax.ShapeDtypeStruct((NP, 64), jnp.float32),
    )(z2a, z2b, y2, degA, degB, b2)


def kernel(edges, features, label_masks, emb_user, emb_known, W_user, b_user,
           emb_mask, W_mask, b_mask, emb_cat, W_cat, b_cat,
           W0, b0, W1, b1, W2, b2):
    idx = features[:, 0]
    known = features[:, 1]
    flag = features[:, 2]

    pad_n = NP - N
    idx_u = jnp.concatenate([idx, jnp.zeros((pad_n,), jnp.int32)])
    idx_c = jnp.concatenate([jnp.clip(idx, 0, CAT - 1),
                             jnp.zeros((pad_n,), jnp.int32)])
    kn = jnp.concatenate([known, jnp.zeros((pad_n,), jnp.int32)]).reshape(NP, 1)
    fl = jnp.concatenate([flag, jnp.zeros((pad_n,), jnp.int32)]).reshape(NP, 1)
    lm = jnp.concatenate([label_masks,
                          jnp.zeros((pad_n,), jnp.int32)]).reshape(NP, 1)

    pad_e = NW * EPW - E
    pad_idx = jnp.full((pad_e,), N, jnp.int32)
    src_pad = jnp.concatenate([edges[0], pad_idx])
    dst_pad = jnp.concatenate([edges[1], pad_idx])

    zeros128 = jnp.zeros((NP, 128), jnp.float32)
    zeros64 = jnp.zeros((NP, 64), jnp.float32)
    zeros16 = jnp.zeros((NP, 16), jnp.float32)
    ones16 = jnp.ones((ECH, 16), jnp.float32)

    eu, ec, degp = _sc_front(idx_u, idx_c, dst_pad, emb_user, emb_cat,
                             zeros16, ones16)
    degA, degB = degp[0], degp[1]

    y0 = _tc_front(eu, ec, kn, fl, lm, degA, degB, emb_known, W_user,
                   b_user.reshape(1, -1), emb_mask, W_mask,
                   b_mask.reshape(1, -1), W_cat, b_cat.reshape(1, -1), W0)

    z0 = _sc_spmm(y0, src_pad, dst_pad, zeros128, 128)
    y2 = _tc_mid(z0[0], z0[1], y0, degA, degB, b0.reshape(1, -1), W2)
    z2 = _sc_spmm(y2, src_pad, dst_pad, zeros64, 64)
    out = _tc_tail(z2[0], z2[1], y2, degA, degB, b2.reshape(1, -1))
    return out[:N]

# --- scband reference (transcript-rebuilt; emitter-appended) ---
"""Pipeline reference for scband-stacked-gcnamazon-v2-72464688218150 (READ-ONLY COPY).

The authoritative reference and input builder live on the scoring server;
editing this copy changes nothing except your own understanding.
"""

import jax, jax.numpy as jnp
import numpy as np

N = 10000
E = 320000
USER = 100000
CAT = 1000
UD = 64
CD = 32
IC = 128
H = 128
OC = 64


def setup_inputs(seed: int = 0) -> dict:
    key = jax.random.key(seed)
    ks = jax.random.split(key, 24)
    inp = {}
    inp["edges"] = jax.random.randint(ks[0], (2, E), 0, N, dtype=jnp.int32)
    inp["features"] = jax.random.randint(ks[1], (N, 3), 0, 2, dtype=jnp.int32)
    inp["label_masks"] = jax.random.randint(ks[2], (N,), 0, 2, dtype=jnp.int32)
    # learned parameters
    inp["emb_user"] = jax.random.normal(ks[3], (USER, UD), dtype=jnp.float32) * 0.02
    inp["emb_known"] = jax.random.normal(ks[4], (2, UD), dtype=jnp.float32) * 0.02
    inp["W_user"] = jax.random.normal(ks[5], (UD, IC), dtype=jnp.float32) * 0.05
    inp["b_user"] = jnp.zeros((IC,), dtype=jnp.float32)
    inp["emb_mask"] = jax.random.normal(ks[6], (2, UD), dtype=jnp.float32) * 0.02
    inp["W_mask"] = jax.random.normal(ks[7], (UD, IC), dtype=jnp.float32) * 0.05
    inp["b_mask"] = jnp.zeros((IC,), dtype=jnp.float32)
    inp["emb_cat"] = jax.random.normal(ks[8], (CAT, CD), dtype=jnp.float32) * 0.02
    inp["W_cat"] = jax.random.normal(ks[9], (CD, IC), dtype=jnp.float32) * 0.05
    inp["b_cat"] = jnp.zeros((IC,), dtype=jnp.float32)
    # GCN layers: dims [IC, 128, 128, OC] -> 3 conv layers (layer 1 unused due to slicing in original forward)
    inp["W0"] = jax.random.normal(ks[10], (IC, H), dtype=jnp.float32) * 0.05
    inp["b0"] = jnp.zeros((H,), dtype=jnp.float32)
    inp["W1"] = jax.random.normal(ks[11], (H, H), dtype=jnp.float32) * 0.05
    inp["b1"] = jnp.zeros((H,), dtype=jnp.float32)
    inp["W2"] = jax.random.normal(ks[12], (H, OC), dtype=jnp.float32) * 0.05
    inp["b2"] = jnp.zeros((OC,), dtype=jnp.float32)
    return inp


def _gcn(x, src, dst, W, b):
    # PyG-style GCNConv: add self-loops, symmetric normalization, linear, scatter-add, bias
    n = x.shape[0]
    loops = jnp.arange(n, dtype=src.dtype)
    s = jnp.concatenate([src, loops])
    d = jnp.concatenate([dst, loops])
    deg = jnp.zeros((n,), x.dtype).at[d].add(1.0)
    dinv = jnp.where(deg > 0, 1.0 / jnp.sqrt(jnp.maximum(deg, 1e-12)), 0.0)
    norm = dinv[s] * dinv[d]
    xw = x @ W
    msg = xw[s] * norm[:, None]
    out = jnp.zeros((n, W.shape[1]), x.dtype).at[d].add(msg)
    return out + b


def reference(edges, features, label_masks, emb_user, emb_known, W_user, b_user,
              emb_mask, W_mask, b_mask, emb_cat, W_cat, b_cat,
              W0, b0, W1, b1, W2, b2):
    flag = features[:, 2]
    idx = features[:, 0]
    known = features[:, 1]
    # user branch: embeddings(idx) + known_embeddings(known) -> ReLU -> Linear
    uf = emb_user[idx] + emb_known[known]
    uf = jax.nn.relu(uf) @ W_user + b_user
    # mask branch: mask_embeddings(label_masks) -> ReLU -> Linear -> Sigmoid
    mf = jax.nn.sigmoid(jax.nn.relu(emb_mask[label_masks]) @ W_mask + b_mask)
    # category branch: category_embeddings(idx) -> ReLU -> Linear
    cf = jax.nn.relu(emb_cat[jnp.clip(idx, 0, CAT - 1)]) @ W_cat + b_cat
    # scatter by type flag (0 -> user, 1 -> category), then gate with mask features
    x = jnp.where((flag == 0)[:, None], uf, cf) * mf
    # original forward: loop over layers[:-2] (only layer 0 here), then layers[-1].
    # layer 1 (W1, b1) is constructed but never used -- replicated faithfully.
    x = jax.nn.relu(_gcn(x, edges[0], edges[1], W0, b0))
    out = _gcn(x, edges[0], edges[1], W2, b2)
    return out

if __name__ == "__main__":
    import jax
    _d = setup_inputs()
    print(jax.jit(kernel)(*tuple(_d.values())))

</pallas_src>

<mosaic_0001>
#map = affine_map<(d0, d1) -> (0, 0)>
#map1 = affine_map<(d0, d1) -> (0)>
#map2 = affine_map<(d0, d1) -> (0, 0, 0)>
module attributes {stable_mosaic.version = 14 : i64} {
  func.func @k(%arg0: i32, %arg1: i32, %arg2: memref<10240x64xf32, #tpu.memory_space<hbm>>, %arg3: memref<327680xi32, #tpu.memory_space<hbm>>, %arg4: memref<327680xi32, #tpu.memory_space<hbm>>, %arg5: memref<10240x64xf32, #tpu.memory_space<hbm>>, %arg6: memref<2x10240x64xf32, #tpu.memory_space<hbm>>, %arg7: memref<128xi32, #tpu.memory_space<vmem>>, %arg8: memref<128xi32, #tpu.memory_space<vmem>>, %arg9: memref<128xi32, #tpu.memory_space<vmem>>, %arg10: memref<128xi32, #tpu.memory_space<vmem>>, %arg11: memref<128x64xf32, #tpu.memory_space<vmem>>, %arg12: memref<128x64xf32, #tpu.memory_space<vmem>>, %arg13: memref<10240x64xf32, #tpu.memory_space<vmem_shared>>, %arg14: memref<!tpu.dma_semaphore, #tpu.memory_space<semaphore_mem>>, %arg15: memref<!tpu.dma_semaphore, #tpu.memory_space<semaphore_mem>>, %arg16: memref<!tpu.dma_semaphore, #tpu.memory_space<semaphore_mem>>, %arg17: memref<!tpu.dma_semaphore, #tpu.memory_space<semaphore_mem>>, %arg18: memref<!tpu.dma_semaphore, #tpu.memory_space<semaphore_mem>>, %arg19: memref<!tpu.dma_semaphore, #tpu.memory_space<semaphore_mem>>) attributes {dimension_semantics = [#tpu.dimension_semantics<core_parallel>, #tpu.dimension_semantics<subcore_parallel>], iteration_bounds = array<i64: 2, 16>, scalar_prefetch = 0 : i64, scratch_operands = 13 : i64, tpu.core_type = #tpu.core_type<sc_vector_subcore>, window_params = [{transform_indices = #map}, {transform_indices = #map1}, {transform_indices = #map1}, {transform_indices = #map}, {transform_indices = #map2}]} {
    %eq3A = arith.constant 0 : i32
    %eq3A_0 = arith.cmpi eq, %arg0, %eq3A : i32
    %jit3A = arith.constant 144 : i32
    %jit3A_1 = arith.constant 16 : i32
    %select_n3A = arith.select %eq3A_0, %jit3A, %jit3A_1 : i32
    %eq3A_2 = arith.constant 0 : i32
    %eq3A_3 = arith.cmpi eq, %arg0, %eq3A_2 : i32
    %mul3A = arith.constant 144 : i32
    %mul3A_4 = arith.muli %arg1, %mul3A : i32
    %mul3A_5 = arith.constant 16 : i32
    %mul3A_6 = arith.muli %arg1, %mul3A_5 : i32
    %add3A = arith.constant 2304 : i32
    %add3A_7 = arith.addi %add3A, %mul3A_6 : i32
    %select_n3A_8 = arith.select %eq3A_3, %mul3A_4, %add3A_7 : i32
    %mul3A_9 = arith.constant 128 : i32
    %mul3A_10 = arith.muli %select_n3A_8, %mul3A_9 : i32
    %add3A_11 = arith.constant 0 : i32
    %add3A_12 = arith.addi %mul3A_10, %add3A_11 : i32
    %dma_start3A = tpu.memref_slice %arg3[%add3A_12] : memref<327680xi32, #tpu.memory_space<hbm>> -> memref<128xi32, #tpu.memory_space<hbm>>
    %dma_start3A_13 = tpu.memref_slice %arg3[%add3A_12] : memref<327680xi32, #tpu.memory_space<hbm>> -> memref<128xi32, #tpu.memory_space<hbm>>
    tpu.enqueue_dma source(%dma_start3A_13 : memref<128xi32, #tpu.memory_space<hbm>>) target(%arg7 : memref<128xi32, #tpu.memory_space<vmem>>) target_semaphore(%arg14 : memref<!tpu.dma_semaphore, #tpu.memory_space<semaphore_mem>>)
    %add3A_14 = arith.constant 0 : i32
    %add3A_15 = arith.addi %mul3A_10, %add3A_14 : i32
    %dma_start3A_16 = tpu.memref_slice %arg4[%add3A_15] : memref<327680xi32, #tpu.memory_space<hbm>> -> memref<128xi32, #tpu.memory_space<hbm>>
    %dma_start3A_17 = tpu.memref_slice %arg4[%add3A_15] : memref<327680xi32, #tpu.memory_space<hbm>> -> memref<128xi32, #tpu.memory_space<hbm>>
    tpu.enqueue_dma source(%dma_start3A_17 : memref<128xi32, #tpu.memory_space<hbm>>) target(%arg9 : memref<128xi32, #tpu.memory_space<vmem>>) target_semaphore(%arg16 : memref<!tpu.dma_semaphore, #tpu.memory_space<semaphore_mem>>)
    %add3A_18 = arith.constant 128 : i32
    %add3A_19 = arith.addi %mul3A_10, %add3A_18 : i32
    %dma_start3A_20 = tpu.memref_slice %arg3[%add3A_19] : memref<327680xi32, #tpu.memory_space<hbm>> -> memref<128xi32, #tpu.memory_space<hbm>>
    %dma_start3A_21 = tpu.memref_slice %arg3[%add3A_19] : memref<327680xi32, #tpu.memory_space<hbm>> -> memref<128xi32, #tpu.memory_space<hbm>>
    tpu.enqueue_dma source(%dma_start3A_21 : memref<128xi32, #tpu.memory_space<hbm>>) target(%arg8 : memref<128xi32, #tpu.memory_space<vmem>>) target_semaphore(%arg15 : memref<!tpu.dma_semaphore, #tpu.memory_space<semaphore_mem>>)
    %add3A_22 = arith.constant 128 : i32
    %add3A_23 = arith.addi %mul3A_10, %add3A_22 : i32
    %dma_start3A_24 = tpu.memref_slice %arg4[%add3A_23] : memref<327680xi32, #tpu.memory_space<hbm>> -> memref<128xi32, #tpu.memory_space<hbm>>
    %dma_start3A_25 = tpu.memref_slice %arg4[%add3A_23] : memref<327680xi32, #tpu.memory_space<hbm>> -> memref<128xi32, #tpu.memory_space<hbm>>
    tpu.enqueue_dma source(%dma_start3A_25 : memref<128xi32, #tpu.memory_space<hbm>>) target(%arg10 : memref<128xi32, #tpu.memory_space<vmem>>) target_semaphore(%arg17 : memref<!tpu.dma_semaphore, #tpu.memory_space<semaphore_mem>>)
    %mul3A_26 = arith.constant 640 : i32
    %mul3A_27 = arith.muli %arg1, %mul3A_26 : i32
    %mul3A_28 = arith.constant 640 : i32
    %mul3A_29 = arith.muli %arg1, %mul3A_28 : i32
    "tpu.region"() ({
      %run_scoped3A = tpu.sem_alloc : memref<!tpu.dma_semaphore, #tpu.memory_space<semaphore_mem>>
      %dma_start3A_66 = arith.constant 0 : i32
      %dma_start3A_67 = tpu.memref_slice %arg13[%mul3A_29, %dma_start3A_66] : memref<10240x64xf32, #tpu.memory_space<vmem_shared>> -> memref<640x64xf32, #tpu.memory_space<vmem_shared>>
      %dma_start3A_68 = arith.constant 0 : i32
      %dma_start3A_69 = tpu.memref_slice %arg5[%mul3A_27, %dma_start3A_68] : memref<10240x64xf32, #tpu.memory_space<hbm>> -> memref<640x64xf32, #tpu.memory_space<hbm>>
      tpu.enqueue_dma source(%dma_start3A_69 : memref<640x64xf32, #tpu.memory_space<hbm>>) target(%dma_start3A_67 : memref<640x64xf32, #tpu.memory_space<vmem_shared>>) target_semaphore(%run_scoped3A : memref<!tpu.dma_semaphore, #tpu.memory_space<semaphore_mem>>)
      %dma_wait3A_70 = arith.constant 0 : i32
      %dma_wait3A_71 = tpu.memref_slice %arg13[%mul3A_29, %dma_wait3A_70] : memref<10240x64xf32, #tpu.memory_space<vmem_shared>> -> memref<640x64xf32, #tpu.memory_space<vmem_shared>>
      %dma_wait3A_72 = arith.constant 0 : i32
      %dma_wait3A_73 = tpu.memref_slice %arg5[%mul3A_27, %dma_wait3A_72] : memref<10240x64xf32, #tpu.memory_space<hbm>> -> memref<640x64xf32, #tpu.memory_space<hbm>>
      tpu.wait_dma2 semaphore(%run_scoped3A : memref<!tpu.dma_semaphore, #tpu.memory_space<semaphore_mem>>) src(%dma_wait3A_73 : memref<640x64xf32, #tpu.memory_space<hbm>>) dst(%dma_wait3A_71 : memref<640x64xf32, #tpu.memory_space<vmem_shared>>)
      tpu.yield
    }) : () -> ()
    %barrier3A = arith.constant 0 : index
    tpu.barrier barrier_id(%barrier3A)
    %dma_wait3A = tpu.memref_slice %arg3[%mul3A_10] : memref<327680xi32, #tpu.memory_space<hbm>> -> memref<128xi32, #tpu.memory_space<hbm>>
    %dma_wait3A_30 = tpu.memref_slice %arg3[%mul3A_10] : memref<327680xi32, #tpu.memory_space<hbm>> -> memref<128xi32, #tpu.memory_space<hbm>>
    tpu.wait_dma2 semaphore(%arg14 : memref<!tpu.dma_semaphore, #tpu.memory_space<semaphore_mem>>) src(%dma_wait3A_30 : memref<128xi32, #tpu.memory_space<hbm>>) dst(%arg7 : memref<128xi32, #tpu.memory_space<vmem>>)
    %dma_start3A_31 = arith.constant 0 : i32
    %dma_start3A_32 = arith.constant 0 : i32
    %dma_start3A_33 = tpu.memref_slice %arg2[%dma_start3A_31, %dma_start3A_32] : memref<10240x64xf32, #tpu.memory_space<hbm>> -> memref<10240x64xf32, #tpu.memory_space<hbm>>
    tpu.enqueue_indirect_dma source(%dma_start3A_33 : memref<10240x64xf32, #tpu.memory_space<hbm>>) target(%arg11 : memref<128x64xf32, #tpu.memory_space<vmem>>) offsets(%arg7 : memref<128xi32, #tpu.memory_space<vmem>>) semaphore(%arg18 : memref<!tpu.dma_semaphore, #tpu.memory_space<semaphore_mem>>)
    %jit3A_34 = arith.constant 2 : i32
    %div3A = arith.divsi %select_n3A, %jit3A_34 : i32
    %sign3A = arith.constant 0 : i32
    %sign3A_35 = arith.cmpi sgt, %select_n3A, %sign3A : i32
    %sign3A_36 = arith.extui %sign3A_35 : i1 to i32
    %sign3A_37 = arith.constant 0 : i32
    %sign3A_38 = arith.cmpi slt, %select_n3A, %sign3A_37 : i32
    %sign3A_39 = arith.extui %sign3A_38 : i1 to i32
    %sign3A_40 = arith.subi %sign3A_36, %sign3A_39 : i32
    %sign3A_41 = arith.constant 0 : i32
    %sign3A_42 = arith.cmpi sgt, %jit3A_34, %sign3A_41 : i32
    %sign3A_43 = arith.extui %sign3A_42 : i1 to i32
    %sign3A_44 = arith.constant 0 : i32
    %sign3A_45 = arith.cmpi slt, %jit3A_34, %sign3A_44 : i32
    %sign3A_46 = arith.extui %sign3A_45 : i1 to i32
    %sign3A_47 = arith.subi %sign3A_43, %sign3A_46 : i32
    %ne3A = arith.cmpi ne, %sign3A_40, %sign3A_47 : i32
    %rem3A = arith.remsi %select_n3A, %jit3A_34 : i32
    %ne3A_48 = arith.constant 0 : i32
    %ne3A_49 = arith.cmpi ne, %rem3A, %ne3A_48 : i32
    %and3A = arith.andi %ne3A, %ne3A_49 : i1
    %sub3A = arith.constant 1 : i32
    %sub3A_50 = arith.subi %div3A, %sub3A : i32
    %select_n3A_51 = arith.select %and3A, %sub3A_50, %div3A : i32
    %while3A = arith.constant 0 : i32
    %while3A_52 = arith.constant 0 : i32
    %while3A_53 = arith.subi %select_n3A_51, %while3A_52 : i32
    %while3A_54 = arith.addi %while3A_52, %while3A_53 : i32
    %while3A_55 = arith.constant 1 : i32
    %while3A_56 = arith.divsi %while3A_53, %while3A_55 : i32
    %while3A_57 = arith.muli %while3A_56, %while3A_55 : i32
    %while3A_58 = arith.addi %while3A_52, %while3A_57 : i32
    %while3A_59 = arith.constant 1 : i32
    scf.for %while3A_66 = %while3A_52 to %while3A_58 step %while3A_59  : i32 {
      %mul3A_67 = arith.constant 2 : i32
      %mul3A_68 = arith.muli %mul3A_67, %while3A_66 : i32
      %add3A_69 = arith.constant 0 : i32
      %add3A_70 = arith.addi %mul3A_68, %add3A_69 : i32
      %dma_wait3A_71 = arith.constant 0 : i32
      %dma_wait3A_72 = arith.constant 0 : i32
      %dma_wait3A_73 = tpu.memref_slice %arg2[%dma_wait3A_71, %dma_wait3A_72] : memref<10240x64xf32, #tpu.memory_space<hbm>> -> memref<10240x64xf32, #tpu.memory_space<hbm>>
      tpu.wait_indirect_dma semaphore(%arg18 : memref<!tpu.dma_semaphore, #tpu.memory_space<semaphore_mem>>) src(%dma_wait3A_73 : memref<10240x64xf32, #tpu.memory_space<hbm>>) dst(%arg11 : memref<128x64xf32, #tpu.memory_space<vmem>>)
      %add3A_74 = arith.constant 1 : i32
      %add3A_75 = arith.addi %add3A_70, %add3A_74 : i32
      %lt3A = arith.cmpi slt, %add3A_75, %select_n3A : i32
      %convert_element_type3A = arith.extui %lt3A : i1 to i32
      %cond3A = arith.constant 0 : i32
      %cond3A_76 = arith.cmpi ne, %convert_element_type3A, %cond3A : i32
      scf.if %cond3A_76 {
        %dma_wait3A_106 = tpu.memref_slice %arg3[%mul3A_10] : memref<327680xi32, #tpu.memory_space<hbm>> -> memref<128xi32, #tpu.memory_space<hbm>>
        %dma_wait3A_107 = tpu.memref_slice %arg3[%mul3A_10] : memref<327680xi32, #tpu.memory_space<hbm>> -> memref<128xi32, #tpu.memory_space<hbm>>
        tpu.wait_dma2 semaphore(%arg15 : memref<!tpu.dma_semaphore, #tpu.memory_space<semaphore_mem>>) src(%dma_wait3A_107 : memref<128xi32, #tpu.memory_space<hbm>>) dst(%arg8 : memref<128xi32, #tpu.memory_space<vmem>>)
        %dma_start3A_108 = arith.constant 0 : i32
        %dma_start3A_109 = arith.constant 0 : i32
        %dma_start3A_110 = tpu.memref_slice %arg2[%dma_start3A_108, %dma_start3A_109] : memref<10240x64xf32, #tpu.memory_space<hbm>> -> memref<10240x64xf32, #tpu.memory_space<hbm>>
        tpu.enqueue_indirect_dma source(%dma_start3A_110 : memref<10240x64xf32, #tpu.memory_space<hbm>>) target(%arg12 : memref<128x64xf32, #tpu.memory_space<vmem>>) offsets(%arg8 : memref<128xi32, #tpu.memory_space<vmem>>) semaphore(%arg19 : memref<!tpu.dma_semaphore, #tpu.memory_space<semaphore_mem>>)
      } else {
      }
      %dma_wait3A_77 = tpu.memref_slice %arg4[%mul3A_10] : memref<327680xi32, #tpu.memory_space<hbm>> -> memref<128xi32, #tpu.memory_space<hbm>>
      %dma_wait3A_78 = tpu.memref_slice %arg4[%mul3A_10] : memref<327680xi32, #tpu.memory_space<hbm>> -> memref<128xi32, #tpu.memory_space<hbm>>
      tpu.wait_dma2 semaphore(%arg16 : memref<!tpu.dma_semaphore, #tpu.memory_space<semaphore_mem>>) src(%dma_wait3A_78 : memref<128xi32, #tpu.memory_space<hbm>>) dst(%arg9 : memref<128xi32, #tpu.memory_space<vmem>>)
      "tpu.region"() ({
        %run_scoped3A = tpu.sem_alloc : memref<!tpu.dma_semaphore, #tpu.memory_space<semaphore_mem>>
        %dma_start3A_106 = arith.constant 0 : i32
        %dma_start3A_107 = arith.constant 0 : i32
        %dma_start3A_108 = tpu.memref_slice %arg13[%dma_start3A_106, %dma_start3A_107] : memref<10240x64xf32, #tpu.memory_space<vmem_shared>> -> memref<10240x64xf32, #tpu.memory_space<vmem_shared>>
        tpu.enqueue_indirect_dma source(%arg11 : memref<128x64xf32, #tpu.memory_space<vmem>>) target(%dma_start3A_108 : memref<10240x64xf32, #tpu.memory_space<vmem_shared>>) offsets(%arg9 : memref<128xi32, #tpu.memory_space<vmem>>) semaphore(%run_scoped3A : memref<!tpu.dma_semaphore, #tpu.memory_space<semaphore_mem>>) {add = true}
        %dma_wait3A_109 = arith.constant 0 : i32
        %dma_wait3A_110 = arith.constant 0 : i32
        %dma_wait3A_111 = tpu.memref_slice %arg13[%dma_wait3A_109, %dma_wait3A_110] : memref<10240x64xf32, #tpu.memory_space<vmem_shared>> -> memref<10240x64xf32, #tpu.memory_space<vmem_shared>>
        tpu.wait_indirect_dma semaphore(%run_scoped3A : memref<!tpu.dma_semaphore, #tpu.memory_space<semaphore_mem>>) src(%arg11 : memref<128x64xf32, #tpu.memory_space<vmem>>) dst(%dma_wait3A_111 : memref<10240x64xf32, #tpu.memory_space<vmem_shared>>)
        tpu.yield
      }) : () -> ()
      %add3A_79 = arith.constant 2 : i32
      %add3A_80 = arith.addi %add3A_70, %add3A_79 : i32
      %lt3A_81 = arith.cmpi slt, %add3A_80, %select_n3A : i32
      %convert_element_type3A_82 = arith.extui %lt3A_81 : i1 to i32
      %cond3A_83 = arith.constant 0 : i32
      %cond3A_84 = arith.cmpi ne, %convert_element_type3A_82, %cond3A_83 : i32
      scf.if %cond3A_84 {
        %add3A_106 = arith.constant 2 : i32
        %add3A_107 = arith.addi %add3A_70, %add3A_106 : i32
        %mul3A_108 = arith.constant 128 : i32
        %mul3A_109 = arith.muli %add3A_107, %mul3A_108 : i32
        %add3A_110 = arith.addi %mul3A_10, %mul3A_109 : i32
        %dma_start3A_111 = tpu.memref_slice %arg3[%add3A_110] : memref<327680xi32, #tpu.memory_space<hbm>> -> memref<128xi32, #tpu.memory_space<hbm>>
        %dma_start3A_112 = tpu.memref_slice %arg3[%add3A_110] : memref<327680xi32, #tpu.memory_space<hbm>> -> memref<128xi32, #tpu.memory_space<hbm>>
        tpu.enqueue_dma source(%dma_start3A_112 : memref<128xi32, #tpu.memory_space<hbm>>) target(%arg7 : memref<128xi32, #tpu.memory_space<vmem>>) target_semaphore(%arg14 : memref<!tpu.dma_semaphore, #tpu.memory_space<semaphore_mem>>)
        %mul3A_113 = arith.constant 128 : i32
        %mul3A_114 = arith.muli %add3A_107, %mul3A_113 : i32
        %add3A_115 = arith.addi %mul3A_10, %mul3A_114 : i32
        %dma_start3A_116 = tpu.memref_slice %arg4[%add3A_115] : memref<327680xi32, #tpu.memory_space<hbm>> -> memref<128xi32, #tpu.memory_space<hbm>>
        %dma_start3A_117 = tpu.memref_slice %arg4[%add3A_115] : memref<327680xi32, #tpu.memory_space<hbm>> -> memref<128xi32, #tpu.memory_space<hbm>>
        tpu.enqueue_dma source(%dma_start3A_117 : memref<128xi32, #tpu.memory_space<hbm>>) target(%arg9 : memref<128xi32, #tpu.memory_space<vmem>>) target_semaphore(%arg16 : memref<!tpu.dma_semaphore, #tpu.memory_space<semaphore_mem>>)
      } else {
      }
      %mul3A_85 = arith.constant 2 : i32
      %mul3A_86 = arith.muli %mul3A_85, %while3A_66 : i32
      %add3A_87 = arith.constant 1 : i32
      %add3A_88 = arith.addi %mul3A_86, %add3A_87 : i32
      %dma_wait3A_89 = arith.constant 0 : i32
      %dma_wait3A_90 = arith.constant 0 : i32
      %dma_wait3A_91 = tpu.memref_slice %arg2[%dma_wait3A_89, %dma_wait3A_90] : memref<10240x64xf32, #tpu.memory_space<hbm>> -> memref<10240x64xf32, #tpu.memory_space<hbm>>
      tpu.wait_indirect_dma semaphore(%arg19 : memref<!tpu.dma_semaphore, #tpu.memory_space<semaphore_mem>>) src(%dma_wait3A_91 : memref<10240x64xf32, #tpu.memory_space<hbm>>) dst(%arg12 : memref<128x64xf32, #tpu.memory_space<vmem>>)
      %add3A_92 = arith.constant 1 : i32
      %add3A_93 = arith.addi %add3A_88, %add3A_92 : i32
      %lt3A_94 = arith.cmpi slt, %add3A_93, %select_n3A : i32
      %convert_element_type3A_95 = arith.extui %lt3A_94 : i1 to i32
      %cond3A_96 = arith.constant 0 : i32
      %cond3A_97 = arith.cmpi ne, %convert_element_type3A_95, %cond3A_96 : i32
      scf.if %cond3A_97 {
        %dma_wait3A_106 = tpu.memref_slice %arg3[%mul3A_10] : memref<327680xi32, #tpu.memory_space<hbm>> -> memref<128xi32, #tpu.memory_space<hbm>>
        %dma_wait3A_107 = tpu.memref_slice %arg3[%mul3A_10] : memref<327680xi32, #tpu.memory_space<hbm>> -> memref<128xi32, #tpu.memory_space<hbm>>
        tpu.wait_dma2 semaphore(%arg14 : memref<!tpu.dma_semaphore, #tpu.memory_space<semaphore_mem>>) src(%dma_wait3A_107 : memref<128xi32, #tpu.memory_space<hbm>>) dst(%arg7 : memref<128xi32, #tpu.memory_space<vmem>>)
        %dma_start3A_108 = arith.constant 0 : i32
        %dma_start3A_109 = arith.constant 0 : i32
        %dma_start3A_110 = tpu.memref_slice %arg2[%dma_start3A_108, %dma_start3A_109] : memref<10240x64xf32, #tpu.memory_space<hbm>> -> memref<10240x64xf32, #tpu.memory_space<hbm>>
        tpu.enqueue_indirect_dma source(%dma_start3A_110 : memref<10240x64xf32, #tpu.memory_space<hbm>>) target(%arg11 : memref<128x64xf32, #tpu.memory_space<vmem>>) offsets(%arg7 : memref<128xi32, #tpu.memory_space<vmem>>) semaphore(%arg18 : memref<!tpu.dma_semaphore, #tpu.memory_space<semaphore_mem>>)
      } else {
      }
      %dma_wait3A_98 = tpu.memref_slice %arg4[%mul3A_10] : memref<327680xi32, #tpu.memory_space<hbm>> -> memref<128xi32, #tpu.memory_space<hbm>>
      %dma_wait3A_99 = tpu.memref_slice %arg4[%mul3A_10] : memref<327680xi32, #tpu.memory_space<hbm>> -> memref<128xi32, #tpu.memory_space<hbm>>
      tpu.wait_dma2 semaphore(%arg17 : memref<!tpu.dma_semaphore, #tpu.memory_space<semaphore_mem>>) src(%dma_wait3A_99 : memref<128xi32, #tpu.memory_space<hbm>>) dst(%arg10 : memref<128xi32, #tpu.memory_space<vmem>>)
      "tpu.region"() ({
        %run_scoped3A = tpu.sem_alloc : memref<!tpu.dma_semaphore, #tpu.memory_space<semaphore_mem>>
        %dma_start3A_106 = arith.constant 0 : i32
        %dma_start3A_107 = arith.constant 0 : i32
        %dma_start3A_108 = tpu.memref_slice %arg13[%dma_start3A_106, %dma_start3A_107] : memref<10240x64xf32, #tpu.memory_space<vmem_shared>> -> memref<10240x64xf32, #tpu.memory_space<vmem_shared>>
        tpu.enqueue_indirect_dma source(%arg12 : memref<128x64xf32, #tpu.memory_space<vmem>>) target(%dma_start3A_108 : memref<10240x64xf32, #tpu.memory_space<vmem_shared>>) offsets(%arg10 : memref<128xi32, #tpu.memory_space<vmem>>) semaphore(%run_scoped3A : memref<!tpu.dma_semaphore, #tpu.memory_space<semaphore_mem>>) {add = true}
        %dma_wait3A_109 = arith.constant 0 : i32
        %dma_wait3A_110 = arith.constant 0 : i32
        %dma_wait3A_111 = tpu.memref_slice %arg13[%dma_wait3A_109, %dma_wait3A_110] : memref<10240x64xf32, #tpu.memory_space<vmem_shared>> -> memref<10240x64xf32, #tpu.memory_space<vmem_shared>>
        tpu.wait_indirect_dma semaphore(%run_scoped3A : memref<!tpu.dma_semaphore, #tpu.memory_space<semaphore_mem>>) src(%arg12 : memref<128x64xf32, #tpu.memory_space<vmem>>) dst(%dma_wait3A_111 : memref<10240x64xf32, #tpu.memory_space<vmem_shared>>)
        tpu.yield
      }) : () -> ()
      %add3A_100 = arith.constant 2 : i32
      %add3A_101 = arith.addi %add3A_88, %add3A_100 : i32
      %lt3A_102 = arith.cmpi slt, %add3A_101, %select_n3A : i32
      %convert_element_type3A_103 = arith.extui %lt3A_102 : i1 to i32
      %cond3A_104 = arith.constant 0 : i32
      %cond3A_105 = arith.cmpi ne, %convert_element_type3A_103, %cond3A_104 : i32
      scf.if %cond3A_105 {
        %add3A_106 = arith.constant 2 : i32
        %add3A_107 = arith.addi %add3A_88, %add3A_106 : i32
        %mul3A_108 = arith.constant 128 : i32
        %mul3A_109 = arith.muli %add3A_107, %mul3A_108 : i32
        %add3A_110 = arith.addi %mul3A_10, %mul3A_109 : i32
        %dma_start3A_111 = tpu.memref_slice %arg3[%add3A_110] : memref<327680xi32, #tpu.memory_space<hbm>> -> memref<128xi32, #tpu.memory_space<hbm>>
        %dma_start3A_112 = tpu.memref_slice %arg3[%add3A_110] : memref<327680xi32, #tpu.memory_space<hbm>> -> memref<128xi32, #tpu.memory_space<hbm>>
        tpu.enqueue_dma source(%dma_start3A_112 : memref<128xi32, #tpu.memory_space<hbm>>) target(%arg8 : memref<128xi32, #tpu.memory_space<vmem>>) target_semaphore(%arg15 : memref<!tpu.dma_semaphore, #tpu.memory_space<semaphore_mem>>)
        %mul3A_113 = arith.constant 128 : i32
        %mul3A_114 = arith.muli %add3A_107, %mul3A_113 : i32
        %add3A_115 = arith.addi %mul3A_10, %mul3A_114 : i32
        %dma_start3A_116 = tpu.memref_slice %arg4[%add3A_115] : memref<327680xi32, #tpu.memory_space<hbm>> -> memref<128xi32, #tpu.memory_space<hbm>>
        %dma_start3A_117 = tpu.memref_slice %arg4[%add3A_115] : memref<327680xi32, #tpu.memory_space<hbm>> -> memref<128xi32, #tpu.memory_space<hbm>>
        tpu.enqueue_dma source(%dma_start3A_117 : memref<128xi32, #tpu.memory_space<hbm>>) target(%arg10 : memref<128xi32, #tpu.memory_space<vmem>>) target_semaphore(%arg17 : memref<!tpu.dma_semaphore, #tpu.memory_space<semaphore_mem>>)
      } else {
      }
    }
    %while3A_60 = arith.constant 1 : i32
    scf.for %while3A_66 = %while3A_58 to %while3A_54 step %while3A_60  : i32 {
      %mul3A_67 = arith.constant 2 : i32
      %mul3A_68 = arith.muli %mul3A_67, %while3A_66 : i32
      %add3A_69 = arith.constant 0 : i32
      %add3A_70 = arith.addi %mul3A_68, %add3A_69 : i32
      %dma_wait3A_71 = arith.constant 0 : i32
      %dma_wait3A_72 = arith.constant 0 : i32
      %dma_wait3A_73 = tpu.memref_slice %arg2[%dma_wait3A_71, %dma_wait3A_72] : memref<10240x64xf32, #tpu.memory_space<hbm>> -> memref<10240x64xf32, #tpu.memory_space<hbm>>
      tpu.wait_indirect_dma semaphore(%arg18 : memref<!tpu.dma_semaphore, #tpu.memory_space<semaphore_mem>>) src(%dma_wait3A_73 : memref<10240x64xf32, #tpu.memory_space<hbm>>) dst(%arg11 : memref<128x64xf32, #tpu.memory_space<vmem>>)
      %add3A_74 = arith.constant 1 : i32
      %add3A_75 = arith.addi %add3A_70, %add3A_74 : i32
      %lt3A = arith.cmpi slt, %add3A_75, %select_n3A : i32
      %convert_element_type3A = arith.extui %lt3A : i1 to i32
      %cond3A = arith.constant 0 : i32
      %cond3A_76 = arith.cmpi ne, %convert_element_type3A, %cond3A : i32
      scf.if %cond3A_76 {
        %dma_wait3A_106 = tpu.memref_slice %arg3[%mul3A_10] : memref<327680xi32, #tpu.memory_space<hbm>> -> memref<128xi32, #tpu.memory_space<hbm>>
        %dma_wait3A_107 = tpu.memref_slice %arg3[%mul3A_10] : memref<327680xi32, #tpu.memory_space<hbm>> -> memref<128xi32, #tpu.memory_space<hbm>>
        tpu.wait_dma2 semaphore(%arg15 : memref<!tpu.dma_semaphore, #tpu.memory_space<semaphore_mem>>) src(%dma_wait3A_107 : memref<128xi32, #tpu.memory_space<hbm>>) dst(%arg8 : memref<128xi32, #tpu.memory_space<vmem>>)
        %dma_start3A_108 = arith.constant 0 : i32
        %dma_start3A_109 = arith.constant 0 : i32
        %dma_start3A_110 = tpu.memref_slice %arg2[%dma_start3A_108, %dma_start3A_109] : memref<10240x64xf32, #tpu.memory_space<hbm>> -> memref<10240x64xf32, #tpu.memory_space<hbm>>
        tpu.enqueue_indirect_dma source(%dma_start3A_110 : memref<10240x64xf32, #tpu.memory_space<hbm>>) target(%arg12 : memref<128x64xf32, #tpu.memory_space<vmem>>) offsets(%arg8 : memref<128xi32, #tpu.memory_space<vmem>>) semaphore(%arg19 : memref<!tpu.dma_semaphore, #tpu.memory_space<semaphore_mem>>)
      } else {
      }
      %dma_wait3A_77 = tpu.memref_slice %arg4[%mul3A_10] : memref<327680xi32, #tpu.memory_space<hbm>> -> memref<128xi32, #tpu.memory_space<hbm>>
      %dma_wait3A_78 = tpu.memref_slice %arg4[%mul3A_10] : memref<327680xi32, #tpu.memory_space<hbm>> -> memref<128xi32, #tpu.memory_space<hbm>>
      tpu.wait_dma2 semaphore(%arg16 : memref<!tpu.dma_semaphore, #tpu.memory_space<semaphore_mem>>) src(%dma_wait3A_78 : memref<128xi32, #tpu.memory_space<hbm>>) dst(%arg9 : memref<128xi32, #tpu.memory_space<vmem>>)
      "tpu.region"() ({
        %run_scoped3A = tpu.sem_alloc : memref<!tpu.dma_semaphore, #tpu.memory_space<semaphore_mem>>
        %dma_start3A_106 = arith.constant 0 : i32
        %dma_start3A_107 = arith.constant 0 : i32
        %dma_start3A_108 = tpu.memref_slice %arg13[%dma_start3A_106, %dma_start3A_107] : memref<10240x64xf32, #tpu.memory_space<vmem_shared>> -> memref<10240x64xf32, #tpu.memory_space<vmem_shared>>
        tpu.enqueue_indirect_dma source(%arg11 : memref<128x64xf32, #tpu.memory_space<vmem>>) target(%dma_start3A_108 : memref<10240x64xf32, #tpu.memory_space<vmem_shared>>) offsets(%arg9 : memref<128xi32, #tpu.memory_space<vmem>>) semaphore(%run_scoped3A : memref<!tpu.dma_semaphore, #tpu.memory_space<semaphore_mem>>) {add = true}
        %dma_wait3A_109 = arith.constant 0 : i32
        %dma_wait3A_110 = arith.constant 0 : i32
        %dma_wait3A_111 = tpu.memref_slice %arg13[%dma_wait3A_109, %dma_wait3A_110] : memref<10240x64xf32, #tpu.memory_space<vmem_shared>> -> memref<10240x64xf32, #tpu.memory_space<vmem_shared>>
        tpu.wait_indirect_dma semaphore(%run_scoped3A : memref<!tpu.dma_semaphore, #tpu.memory_space<semaphore_mem>>) src(%arg11 : memref<128x64xf32, #tpu.memory_space<vmem>>) dst(%dma_wait3A_111 : memref<10240x64xf32, #tpu.memory_space<vmem_shared>>)
        tpu.yield
      }) : () -> ()
      %add3A_79 = arith.constant 2 : i32
      %add3A_80 = arith.addi %add3A_70, %add3A_79 : i32
      %lt3A_81 = arith.cmpi slt, %add3A_80, %select_n3A : i32
      %convert_element_type3A_82 = arith.extui %lt3A_81 : i1 to i32
      %cond3A_83 = arith.constant 0 : i32
      %cond3A_84 = arith.cmpi ne, %convert_element_type3A_82, %cond3A_83 : i32
      scf.if %cond3A_84 {
        %add3A_106 = arith.constant 2 : i32
        %add3A_107 = arith.addi %add3A_70, %add3A_106 : i32
        %mul3A_108 = arith.constant 128 : i32
        %mul3A_109 = arith.muli %add3A_107, %mul3A_108 : i32
        %add3A_110 = arith.addi %mul3A_10, %mul3A_109 : i32
        %dma_start3A_111 = tpu.memref_slice %arg3[%add3A_110] : memref<327680xi32, #tpu.memory_space<hbm>> -> memref<128xi32, #tpu.memory_space<hbm>>
        %dma_start3A_112 = tpu.memref_slice %arg3[%add3A_110] : memref<327680xi32, #tpu.memory_space<hbm>> -> memref<128xi32, #tpu.memory_space<hbm>>
        tpu.enqueue_dma source(%dma_start3A_112 : memref<128xi32, #tpu.memory_space<hbm>>) target(%arg7 : memref<128xi32, #tpu.memory_space<vmem>>) target_semaphore(%arg14 : memref<!tpu.dma_semaphore, #tpu.memory_space<semaphore_mem>>)
        %mul3A_113 = arith.constant 128 : i32
        %mul3A_114 = arith.muli %add3A_107, %mul3A_113 : i32
        %add3A_115 = arith.addi %mul3A_10, %mul3A_114 : i32
        %dma_start3A_116 = tpu.memref_slice %arg4[%add3A_115] : memref<327680xi32, #tpu.memory_space<hbm>> -> memref<128xi32, #tpu.memory_space<hbm>>
        %dma_start3A_117 = tpu.memref_slice %arg4[%add3A_115] : memref<327680xi32, #tpu.memory_space<hbm>> -> memref<128xi32, #tpu.memory_space<hbm>>
        tpu.enqueue_dma source(%dma_start3A_117 : memref<128xi32, #tpu.memory_space<hbm>>) target(%arg9 : memref<128xi32, #tpu.memory_space<vmem>>) target_semaphore(%arg16 : memref<!tpu.dma_semaphore, #tpu.memory_space<semaphore_mem>>)
      } else {
      }
      %mul3A_85 = arith.constant 2 : i32
      %mul3A_86 = arith.muli %mul3A_85, %while3A_66 : i32
      %add3A_87 = arith.constant 1 : i32
      %add3A_88 = arith.addi %mul3A_86, %add3A_87 : i32
      %dma_wait3A_89 = arith.constant 0 : i32
      %dma_wait3A_90 = arith.constant 0 : i32
      %dma_wait3A_91 = tpu.memref_slice %arg2[%dma_wait3A_89, %dma_wait3A_90] : memref<10240x64xf32, #tpu.memory_space<hbm>> -> memref<10240x64xf32, #tpu.memory_space<hbm>>
      tpu.wait_indirect_dma semaphore(%arg19 : memref<!tpu.dma_semaphore, #tpu.memory_space<semaphore_mem>>) src(%dma_wait3A_91 : memref<10240x64xf32, #tpu.memory_space<hbm>>) dst(%arg12 : memref<128x64xf32, #tpu.memory_space<vmem>>)
      %add3A_92 = arith.constant 1 : i32
      %add3A_93 = arith.addi %add3A_88, %add3A_92 : i32
      %lt3A_94 = arith.cmpi slt, %add3A_93, %select_n3A : i32
      %convert_element_type3A_95 = arith.extui %lt3A_94 : i1 to i32
      %cond3A_96 = arith.constant 0 : i32
      %cond3A_97 = arith.cmpi ne, %convert_element_type3A_95, %cond3A_96 : i32
      scf.if %cond3A_97 {
        %dma_wait3A_106 = tpu.memref_slice %arg3[%mul3A_10] : memref<327680xi32, #tpu.memory_space<hbm>> -> memref<128xi32, #tpu.memory_space<hbm>>
        %dma_wait3A_107 = tpu.memref_slice %arg3[%mul3A_10] : memref<327680xi32, #tpu.memory_space<hbm>> -> memref<128xi32, #tpu.memory_space<hbm>>
        tpu.wait_dma2 semaphore(%arg14 : memref<!tpu.dma_semaphore, #tpu.memory_space<semaphore_mem>>) src(%dma_wait3A_107 : memref<128xi32, #tpu.memory_space<hbm>>) dst(%arg7 : memref<128xi32, #tpu.memory_space<vmem>>)
        %dma_start3A_108 = arith.constant 0 : i32
        %dma_start3A_109 = arith.constant 0 : i32
        %dma_start3A_110 = tpu.memref_slice %arg2[%dma_start3A_108, %dma_start3A_109] : memref<10240x64xf32, #tpu.memory_space<hbm>> -> memref<10240x64xf32, #tpu.memory_space<hbm>>
        tpu.enqueue_indirect_dma source(%dma_start3A_110 : memref<10240x64xf32, #tpu.memory_space<hbm>>) target(%arg11 : memref<128x64xf32, #tpu.memory_space<vmem>>) offsets(%arg7 : memref<128xi32, #tpu.memory_space<vmem>>) semaphore(%arg18 : memref<!tpu.dma_semaphore, #tpu.memory_space<semaphore_mem>>)
      } else {
      }
      %dma_wait3A_98 = tpu.memref_slice %arg4[%mul3A_10] : memref<327680xi32, #tpu.memory_space<hbm>> -> memref<128xi32, #tpu.memory_space<hbm>>
      %dma_wait3A_99 = tpu.memref_slice %arg4[%mul3A_10] : memref<327680xi32, #tpu.memory_space<hbm>> -> memref<128xi32, #tpu.memory_space<hbm>>
      tpu.wait_dma2 semaphore(%arg17 : memref<!tpu.dma_semaphore, #tpu.memory_space<semaphore_mem>>) src(%dma_wait3A_99 : memref<128xi32, #tpu.memory_space<hbm>>) dst(%arg10 : memref<128xi32, #tpu.memory_space<vmem>>)
      "tpu.region"() ({
        %run_scoped3A = tpu.sem_alloc : memref<!tpu.dma_semaphore, #tpu.memory_space<semaphore_mem>>
        %dma_start3A_106 = arith.constant 0 : i32
        %dma_start3A_107 = arith.constant 0 : i32
        %dma_start3A_108 = tpu.memref_slice %arg13[%dma_start3A_106, %dma_start3A_107] : memref<10240x64xf32, #tpu.memory_space<vmem_shared>> -> memref<10240x64xf32, #tpu.memory_space<vmem_shared>>
        tpu.enqueue_indirect_dma source(%arg12 : memref<128x64xf32, #tpu.memory_space<vmem>>) target(%dma_start3A_108 : memref<10240x64xf32, #tpu.memory_space<vmem_shared>>) offsets(%arg10 : memref<128xi32, #tpu.memory_space<vmem>>) semaphore(%run_scoped3A : memref<!tpu.dma_semaphore, #tpu.memory_space<semaphore_mem>>) {add = true}
        %dma_wait3A_109 = arith.constant 0 : i32
        %dma_wait3A_110 = arith.constant 0 : i32
        %dma_wait3A_111 = tpu.memref_slice %arg13[%dma_wait3A_109, %dma_wait3A_110] : memref<10240x64xf32, #tpu.memory_space<vmem_shared>> -> memref<10240x64xf32, #tpu.memory_space<vmem_shared>>
        tpu.wait_indirect_dma semaphore(%run_scoped3A : memref<!tpu.dma_semaphore, #tpu.memory_space<semaphore_mem>>) src(%arg12 : memref<128x64xf32, #tpu.memory_space<vmem>>) dst(%dma_wait3A_111 : memref<10240x64xf32, #tpu.memory_space<vmem_shared>>)
        tpu.yield
      }) : () -> ()
      %add3A_100 = arith.constant 2 : i32
      %add3A_101 = arith.addi %add3A_88, %add3A_100 : i32
      %lt3A_102 = arith.cmpi slt, %add3A_101, %select_n3A : i32
      %convert_element_type3A_103 = arith.extui %lt3A_102 : i1 to i32
      %cond3A_104 = arith.constant 0 : i32
      %cond3A_105 = arith.cmpi ne, %convert_element_type3A_103, %cond3A_104 : i32
      scf.if %cond3A_105 {
        %add3A_106 = arith.constant 2 : i32
        %add3A_107 = arith.addi %add3A_88, %add3A_106 : i32
        %mul3A_108 = arith.constant 128 : i32
        %mul3A_109 = arith.muli %add3A_107, %mul3A_108 : i32
        %add3A_110 = arith.addi %mul3A_10, %mul3A_109 : i32
        %dma_start3A_111 = tpu.memref_slice %arg3[%add3A_110] : memref<327680xi32, #tpu.memory_space<hbm>> -> memref<128xi32, #tpu.memory_space<hbm>>
        %dma_start3A_112 = tpu.memref_slice %arg3[%add3A_110] : memref<327680xi32, #tpu.memory_space<hbm>> -> memref<128xi32, #tpu.memory_space<hbm>>
        tpu.enqueue_dma source(%dma_start3A_112 : memref<128xi32, #tpu.memory_space<hbm>>) target(%arg8 : memref<128xi32, #tpu.memory_space<vmem>>) target_semaphore(%arg15 : memref<!tpu.dma_semaphore, #tpu.memory_space<semaphore_mem>>)
        %mul3A_113 = arith.constant 128 : i32
        %mul3A_114 = arith.muli %add3A_107, %mul3A_113 : i32
        %add3A_115 = arith.addi %mul3A_10, %mul3A_114 : i32
        %dma_start3A_116 = tpu.memref_slice %arg4[%add3A_115] : memref<327680xi32, #tpu.memory_space<hbm>> -> memref<128xi32, #tpu.memory_space<hbm>>
        %dma_start3A_117 = tpu.memref_slice %arg4[%add3A_115] : memref<327680xi32, #tpu.memory_space<hbm>> -> memref<128xi32, #tpu.memory_space<hbm>>
        tpu.enqueue_dma source(%dma_start3A_117 : memref<128xi32, #tpu.memory_space<hbm>>) target(%arg10 : memref<128xi32, #tpu.memory_space<vmem>>) target_semaphore(%arg17 : memref<!tpu.dma_semaphore, #tpu.memory_space<semaphore_mem>>)
      } else {
      }
    }
    %barrier3A_61 = arith.constant 0 : index
    tpu.barrier barrier_id(%barrier3A_61)
    %mul3A_62 = arith.constant 640 : i32
    %mul3A_63 = arith.muli %arg1, %mul3A_62 : i32
    %mul3A_64 = arith.constant 640 : i32
    %mul3A_65 = arith.muli %arg1, %mul3A_64 : i32
    "tpu.region"() ({
      %run_scoped3A = tpu.sem_alloc : memref<!tpu.dma_semaphore, #tpu.memory_space<semaphore_mem>>
      %dma_start3A_66 = arith.constant 0 : i32
      %dma_start3A_67 = tpu.memref_slice %arg6[%arg0, %mul3A_65, %dma_start3A_66] : memref<2x10240x64xf32, #tpu.memory_space<hbm>> -> memref<1x640x64xf32, #tpu.memory_space<hbm>>
      %dma_start3A_68 = tpu.memref_squeeze %dma_start3A_67 : memref<1x640x64xf32, #tpu.memory_space<hbm>> -> memref<640x64xf32, #tpu.memory_space<hbm>>
      %dma_start3A_69 = arith.constant 0 : i32
      %dma_start3A_70 = tpu.memref_slice %arg13[%mul3A_63, %dma_start3A_69] : memref<10240x64xf32, #tpu.memory_space<vmem_shared>> -> memref<640x64xf32, #tpu.memory_space<vmem_shared>>
      tpu.enqueue_dma source(%dma_start3A_70 : memref<640x64xf32, #tpu.memory_space<vmem_shared>>) target(%dma_start3A_68 : memref<640x64xf32, #tpu.memory_space<hbm>>) target_semaphore(%run_scoped3A : memref<!tpu.dma_semaphore, #tpu.memory_space<semaphore_mem>>)
      %dma_wait3A_71 = arith.constant 0 : i32
      %dma_wait3A_72 = tpu.memref_slice %arg6[%arg0, %mul3A_65, %dma_wait3A_71] : memref<2x10240x64xf32, #tpu.memory_space<hbm>> -> memref<1x640x64xf32, #tpu.memory_space<hbm>>
      %dma_wait3A_73 = tpu.memref_squeeze %dma_wait3A_72 : memref<1x640x64xf32, #tpu.memory_space<hbm>> -> memref<640x64xf32, #tpu.memory_space<hbm>>
      %dma_wait3A_74 = arith.constant 0 : i32
      %dma_wait3A_75 = tpu.memref_slice %arg13[%mul3A_63, %dma_wait3A_74] : memref<10240x64xf32, #tpu.memory_space<vmem_shared>> -> memref<640x64xf32, #tpu.memory_space<vmem_shared>>
      tpu.wait_dma2 semaphore(%run_scoped3A : memref<!tpu.dma_semaphore, #tpu.memory_space<semaphore_mem>>) src(%dma_wait3A_75 : memref<640x64xf32, #tpu.memory_space<vmem_shared>>) dst(%dma_wait3A_73 : memref<640x64xf32, #tpu.memory_space<hbm>>)
      tpu.yield
    }) : () -> ()
    return
  }
}

#map = affine_map<(d0, d1) -> (0)>
#map1 = affine_map<(d0, d1) -> (0, 0)>
#map2 = affine_map<(d0, d1) -> (0, 0, 0)>
module attributes {stable_mosaic.version = 14 : i64} {
  func.func @k(%arg0: i32, %arg1: i32, %arg2: memref<10240xi32, #tpu.memory_space<hbm>>, %arg3: memref<10240xi32, #tpu.memory_space<hbm>>, %arg4: memref<327680xi32, #tpu.memory_space<hbm>>, %arg5: memref<100000x64xf32, #tpu.memory_space<hbm>>, %arg6: memref<1000x32xf32, #tpu.memory_space<hbm>>, %arg7: memref<10240x16xf32, #tpu.memory_space<hbm>>, %arg8: memref<128x16xf32, #tpu.memory_space<hbm>>, %arg9: memref<10240x64xf32, #tpu.memory_space<hbm>>, %arg10: memref<10240x32xf32, #tpu.memory_space<hbm>>, %arg11: memref<2x10240x16xf32, #tpu.memory_space<hbm>>, %arg12: memref<64xi32, #tpu.memory_space<vmem>>, %arg13: memref<64x64xf32, #tpu.memory_space<vmem>>, %arg14: memref<64x32xf32, #tpu.memory_space<vmem>>, %arg15: memref<128xi32, #tpu.memory_space<vmem>>, %arg16: memref<128xi32, #tpu.memory_space<vmem>>, %arg17: memref<128xi32, #tpu.memory_space<vmem>>, %arg18: memref<128xi32, #tpu.memory_space<vmem>>, %arg19: memref<128xi32, #tpu.memory_space<vmem>>, %arg20: memref<128xi32, #tpu.memory_space<vmem>>, %arg21: memref<128xi32, #tpu.memory_space<vmem>>, %arg22: memref<128xi32, #tpu.memory_space<vmem>>, %arg23: memref<128x16xf32, #tpu.memory_space<vmem>>, %arg24: memref<10240x16xf32, #tpu.memory_space<vmem_shared>>, %arg25: memref<!tpu.dma_semaphore, #tpu.memory_space<semaphore_mem>>, %arg26: memref<!tpu.dma_semaphore, #tpu.memory_space<semaphore_mem>>, %arg27: memref<!tpu.dma_semaphore, #tpu.memory_space<semaphore_mem>>, %arg28: memref<!tpu.dma_semaphore, #tpu.memory_space<semaphore_mem>>, %arg29: memref<!tpu.dma_semaphore, #tpu.memory_space<semaphore_mem>>, %arg30: memref<!tpu.dma_semaphore, #tpu.memory_space<semaphore_mem>>, %arg31: memref<!tpu.dma_semaphore, #tpu.memory_space<semaphore_mem>>, %arg32: memref<!tpu.dma_semaphore, #tpu.memory_space<semaphore_mem>>, %arg33: memref<!tpu.dma_semaphore, #tpu.memory_space<semaphore_mem>>, %arg34: memref<!tpu.dma_semaphore, #tpu.memory_space<semaphore_mem>>, %arg35: memref<!tpu.dma_semaphore, #tpu.memory_space<semaphore_mem>>, %arg36: memref<!tpu.dma_semaphore, #tpu.memory_space<semaphore_mem>>, %arg37: memref<!tpu.dma_semaphore, #tpu.memory_space<semaphore_mem>>) attributes {dimension_semantics = [#tpu.dimension_semantics<core_parallel>, #tpu.dimension_semantics<subcore_parallel>], iteration_bounds = array<i64: 2, 16>, scalar_prefetch = 0 : i64, scratch_operands = 26 : i64, tpu.core_type = #tpu.core_type<sc_vector_subcore>, window_params = [{transform_indices = #map}, {transform_indices = #map}, {transform_indices = #map}, {transform_indices = #map1}, {transform_indices = #map1}, {transform_indices = #map1}, {transform_indices = #map1}, {transform_indices = #map1}, {transform_indices = #map1}, {transform_indices = #map2}]} {
    %mul3A = arith.constant 16 : i32
    %mul3A_0 = arith.muli %arg0, %mul3A : i32
    %add3A = arith.addi %mul3A_0, %arg1 : i32
    %mul3A_1 = arith.constant 320 : i32
    %mul3A_2 = arith.muli %add3A, %mul3A_1 : i32
    %mul3A_3 = arith.constant 10240 : i32
    %mul3A_4 = arith.muli %add3A, %mul3A_3 : i32
    %add3A_5 = arith.constant 0 : i32
    %add3A_6 = arith.addi %mul3A_4, %add3A_5 : i32
    %dma_start3A = tpu.memref_slice %arg4[%add3A_6] : memref<327680xi32, #tpu.memory_space<hbm>> -> memref<128xi32, #tpu.memory_space<hbm>>
    %dma_start3A_7 = tpu.memref_slice %arg4[%add3A_6] : memref<327680xi32, #tpu.memory_space<hbm>> -> memref<128xi32, #tpu.memory_space<hbm>>
    tpu.enqueue_dma source(%dma_start3A_7 : memref<128xi32, #tpu.memory_space<hbm>>) target(%arg15 : memref<128xi32, #tpu.memory_space<vmem>>) target_semaphore(%arg26 : memref<!tpu.dma_semaphore, #tpu.memory_space<semaphore_mem>>)
    %add3A_8 = arith.constant 128 : i32
    %add3A_9 = arith.addi %mul3A_4, %add3A_8 : i32
    %dma_start3A_10 = tpu.memref_slice %arg4[%add3A_9] : memref<327680xi32, #tpu.memory_space<hbm>> -> memref<128xi32, #tpu.memory_space<hbm>>
    %dma_start3A_11 = tpu.memref_slice %arg4[%add3A_9] : memref<327680xi32, #tpu.memory_space<hbm>> -> memref<128xi32, #tpu.memory_space<hbm>>
    tpu.enqueue_dma source(%dma_start3A_11 : memref<128xi32, #tpu.memory_space<hbm>>) target(%arg16 : memref<128xi32, #tpu.memory_space<vmem>>) target_semaphore(%arg27 : memref<!tpu.dma_semaphore, #tpu.memory_space<semaphore_mem>>)
    %add3A_12 = arith.constant 256 : i32
    %add3A_13 = arith.addi %mul3A_4, %add3A_12 : i32
    %dma_start3A_14 = tpu.memref_slice %arg4[%add3A_13] : memref<327680xi32, #tpu.memory_space<hbm>> -> memref<128xi32, #tpu.memory_space<hbm>>
    %dma_start3A_15 = tpu.memref_slice %arg4[%add3A_13] : memref<327680xi32, #tpu.memory_space<hbm>> -> memref<128xi32, #tpu.memory_space<hbm>>
    tpu.enqueue_dma source(%dma_start3A_15 : memref<128xi32, #tpu.memory_space<hbm>>) target(%arg17 : memref<128xi32, #tpu.memory_space<vmem>>) target_semaphore(%arg28 : memref<!tpu.dma_semaphore, #tpu.memory_space<semaphore_mem>>)
    %add3A_16 = arith.constant 384 : i32
    %add3A_17 = arith.addi %mul3A_4, %add3A_16 : i32
    %dma_start3A_18 = tpu.memref_slice %arg4[%add3A_17] : memref<327680xi32, #tpu.memory_space<hbm>> -> memref<128xi32, #tpu.memory_space<hbm>>
    %dma_start3A_19 = tpu.memref_slice %arg4[%add3A_17] : memref<327680xi32, #tpu.memory_space<hbm>> -> memref<128xi32, #tpu.memory_space<hbm>>
    tpu.enqueue_dma source(%dma_start3A_19 : memref<128xi32, #tpu.memory_space<hbm>>) target(%arg18 : memref<128xi32, #tpu.memory_space<vmem>>) target_semaphore(%arg29 : memref<!tpu.dma_semaphore, #tpu.memory_space<semaphore_mem>>)
    %mul3A_20 = arith.constant 640 : i32
    %mul3A_21 = arith.muli %arg1, %mul3A_20 : i32
    %mul3A_22 = arith.constant 640 : i32
    %mul3A_23 = arith.muli %arg1, %mul3A_22 : i32
    "tpu.region"() ({
      %run_scoped3A = tpu.sem_alloc : memref<!tpu.dma_semaphore, #tpu.memory_space<semaphore_mem>>
      %dma_start3A_45 = arith.constant 0 : i32
      %dma_start3A_46 = tpu.memref_slice %arg24[%mul3A_23, %dma_start3A_45] : memref<10240x16xf32, #tpu.memory_space<vmem_shared>> -> memref<640x16xf32, #tpu.memory_space<vmem_shared>>
      %dma_start3A_47 = arith.constant 0 : i32
      %dma_start3A_48 = tpu.memref_slice %arg7[%mul3A_21, %dma_start3A_47] : memref<10240x16xf32, #tpu.memory_space<hbm>> -> memref<640x16xf32, #tpu.memory_space<hbm>>
      tpu.enqueue_dma source(%dma_start3A_48 : memref<640x16xf32, #tpu.memory_space<hbm>>) target(%dma_start3A_46 : memref<640x16xf32, #tpu.memory_space<vmem_shared>>) target_semaphore(%run_scoped3A : memref<!tpu.dma_semaphore, #tpu.memory_space<semaphore_mem>>)
      %dma_wait3A_49 = arith.constant 0 : i32
      %dma_wait3A_50 = tpu.memref_slice %arg24[%mul3A_23, %dma_wait3A_49] : memref<10240x16xf32, #tpu.memory_space<vmem_shared>> -> memref<640x16xf32, #tpu.memory_space<vmem_shared>>
      %dma_wait3A_51 = arith.constant 0 : i32
      %dma_wait3A_52 = tpu.memref_slice %arg7[%mul3A_21, %dma_wait3A_51] : memref<10240x16xf32, #tpu.memory_space<hbm>> -> memref<640x16xf32, #tpu.memory_space<hbm>>
      tpu.wait_dma2 semaphore(%run_scoped3A : memref<!tpu.dma_semaphore, #tpu.memory_space<semaphore_mem>>) src(%dma_wait3A_52 : memref<640x16xf32, #tpu.memory_space<hbm>>) dst(%dma_wait3A_50 : memref<640x16xf32, #tpu.memory_space<vmem_shared>>)
      tpu.yield
    }) : () -> ()
    "tpu.region"() ({
      %run_scoped3A = tpu.sem_alloc : memref<!tpu.dma_semaphore, #tpu.memory_space<semaphore_mem>>
      tpu.enqueue_dma source(%arg8 : memref<128x16xf32, #tpu.memory_space<hbm>>) target(%arg23 : memref<128x16xf32, #tpu.memory_space<vmem>>) target_semaphore(%run_scoped3A : memref<!tpu.dma_semaphore, #tpu.memory_space<semaphore_mem>>)
      tpu.wait_dma2 semaphore(%run_scoped3A : memref<!tpu.dma_semaphore, #tpu.memory_space<semaphore_mem>>) src(%arg8 : memref<128x16xf32, #tpu.memory_space<hbm>>) dst(%arg23 : memref<128x16xf32, #tpu.memory_space<vmem>>)
      tpu.yield
    }) : () -> ()
    %barrier3A = arith.constant 0 : index
    tpu.barrier barrier_id(%barrier3A)
    %scan3A = arith.constant 0 : i32
    %scan3A_24 = arith.constant 0 : i32
    %scan3A_25 = arith.constant 10 : i32
    %scan3A_26 = arith.addi %scan3A_24, %scan3A_25 : i32
    %scan3A_27 = arith.constant 1 : i32
    scf.for %scan3A_45 = %scan3A_24 to %scan3A_26 step %scan3A_27  : i32 {
      %mul3A_46 = arith.constant 8 : i32
      %mul3A_47 = arith.muli %mul3A_46, %scan3A_45 : i32
      %add3A_48 = arith.constant 0 : i32
      %add3A_49 = arith.addi %mul3A_47, %add3A_48 : i32
      %dma_wait3A_50 = tpu.memref_slice %arg4[%mul3A_4] : memref<327680xi32, #tpu.memory_space<hbm>> -> memref<128xi32, #tpu.memory_space<hbm>>
      %dma_wait3A_51 = tpu.memref_slice %arg4[%mul3A_4] : memref<327680xi32, #tpu.memory_space<hbm>> -> memref<128xi32, #tpu.memory_space<hbm>>
      tpu.wait_dma2 semaphore(%arg26 : memref<!tpu.dma_semaphore, #tpu.memory_space<semaphore_mem>>) src(%dma_wait3A_51 : memref<128xi32, #tpu.memory_space<hbm>>) dst(%arg15 : memref<128xi32, #tpu.memory_space<vmem>>)
      %dma_start3A_52 = arith.constant 0 : i32
      %dma_start3A_53 = arith.constant 0 : i32
      %dma_start3A_54 = tpu.memref_slice %arg24[%dma_start3A_52, %dma_start3A_53] : memref<10240x16xf32, #tpu.memory_space<vmem_shared>> -> memref<10240x16xf32, #tpu.memory_space<vmem_shared>>
      tpu.enqueue_indirect_dma source(%arg23 : memref<128x16xf32, #tpu.memory_space<vmem>>) target(%dma_start3A_54 : memref<10240x16xf32, #tpu.memory_space<vmem_shared>>) offsets(%arg15 : memref<128xi32, #tpu.memory_space<vmem>>) semaphore(%arg34 : memref<!tpu.dma_semaphore, #tpu.memory_space<semaphore_mem>>) {add = true}
      %gt3A = arith.constant 0 : i32
      %gt3A_55 = arith.cmpi sgt, %scan3A_45, %gt3A : i32
      %convert_element_type3A = arith.extui %gt3A_55 : i1 to i32
      %cond3A = arith.constant 0 : i32
      %cond3A_56 = arith.cmpi ne, %convert_element_type3A, %cond3A : i32
      scf.if %cond3A_56 {
        %dma_wait3A_198 = arith.constant 0 : i32
        %dma_wait3A_199 = arith.constant 0 : i32
        %dma_wait3A_200 = tpu.memref_slice %arg24[%dma_wait3A_198, %dma_wait3A_199] : memref<10240x16xf32, #tpu.memory_space<vmem_shared>> -> memref<10240x16xf32, #tpu.memory_space<vmem_shared>>
        tpu.wait_indirect_dma semaphore(%arg36 : memref<!tpu.dma_semaphore, #tpu.memory_space<semaphore_mem>>) src(%arg23 : memref<128x16xf32, #tpu.memory_space<vmem>>) dst(%dma_wait3A_200 : memref<10240x16xf32, #tpu.memory_space<vmem_shared>>)
      } else {
      }
      %add3A_57 = arith.constant 4 : i32
      %add3A_58 = arith.addi %add3A_49, %add3A_57 : i32
      %lt3A = arith.constant 80 : i32
      %lt3A_59 = arith.cmpi slt, %add3A_58, %lt3A : i32
      %convert_element_type3A_60 = arith.extui %lt3A_59 : i1 to i32
      %cond3A_61 = arith.constant 0 : i32
      %cond3A_62 = arith.cmpi ne, %convert_element_type3A_60, %cond3A_61 : i32
      scf.if %cond3A_62 {
        %add3A_198 = arith.constant 4 : i32
        %add3A_199 = arith.addi %add3A_49, %add3A_198 : i32
        %mul3A_200 = arith.constant 128 : i32
        %mul3A_201 = arith.muli %add3A_199, %mul3A_200 : i32
        %add3A_202 = arith.addi %mul3A_4, %mul3A_201 : i32
        %dma_start3A_203 = tpu.memref_slice %arg4[%add3A_202] : memref<327680xi32, #tpu.memory_space<hbm>> -> memref<128xi32, #tpu.memory_space<hbm>>
        %dma_start3A_204 = tpu.memref_slice %arg4[%add3A_202] : memref<327680xi32, #tpu.memory_space<hbm>> -> memref<128xi32, #tpu.memory_space<hbm>>
        tpu.enqueue_dma source(%dma_start3A_204 : memref<128xi32, #tpu.memory_space<hbm>>) target(%arg19 : memref<128xi32, #tpu.memory_space<vmem>>) target_semaphore(%arg30 : memref<!tpu.dma_semaphore, #tpu.memory_space<semaphore_mem>>)
      } else {
      }
      %mul3A_63 = arith.constant 8 : i32
      %mul3A_64 = arith.muli %mul3A_63, %scan3A_45 : i32
      %add3A_65 = arith.constant 1 : i32
      %add3A_66 = arith.addi %mul3A_64, %add3A_65 : i32
      %dma_wait3A_67 = tpu.memref_slice %arg4[%mul3A_4] : memref<327680xi32, #tpu.memory_space<hbm>> -> memref<128xi32, #tpu.memory_space<hbm>>
      %dma_wait3A_68 = tpu.memref_slice %arg4[%mul3A_4] : memref<327680xi32, #tpu.memory_space<hbm>> -> memref<128xi32, #tpu.memory_space<hbm>>
      tpu.wait_dma2 semaphore(%arg27 : memref<!tpu.dma_semaphore, #tpu.memory_space<semaphore_mem>>) src(%dma_wait3A_68 : memref<128xi32, #tpu.memory_space<hbm>>) dst(%arg16 : memref<128xi32, #tpu.memory_space<vmem>>)
      %dma_start3A_69 = arith.constant 0 : i32
      %dma_start3A_70 = arith.constant 0 : i32
      %dma_start3A_71 = tpu.memref_slice %arg24[%dma_start3A_69, %dma_start3A_70] : memref<10240x16xf32, #tpu.memory_space<vmem_shared>> -> memref<10240x16xf32, #tpu.memory_space<vmem_shared>>
      tpu.enqueue_indirect_dma source(%arg23 : memref<128x16xf32, #tpu.memory_space<vmem>>) target(%dma_start3A_71 : memref<10240x16xf32, #tpu.memory_space<vmem_shared>>) offsets(%arg16 : memref<128xi32, #tpu.memory_space<vmem>>) semaphore(%arg35 : memref<!tpu.dma_semaphore, #tpu.memory_space<semaphore_mem>>) {add = true}
      %gt3A_72 = arith.constant 0 : i32
      %gt3A_73 = arith.cmpi sgt, %scan3A_45, %gt3A_72 : i32
      %convert_element_type3A_74 = arith.extui %gt3A_73 : i1 to i32
      %cond3A_75 = arith.constant 0 : i32
      %cond3A_76 = arith.cmpi ne, %convert_element_type3A_74, %cond3A_75 : i32
      scf.if %cond3A_76 {
        %dma_wait3A_198 = arith.constant 0 : i32
        %dma_wait3A_199 = arith.constant 0 : i32
        %dma_wait3A_200 = tpu.memref_slice %arg24[%dma_wait3A_198, %dma_wait3A_199] : memref<10240x16xf32, #tpu.memory_space<vmem_shared>> -> memref<10240x16xf32, #tpu.memory_space<vmem_shared>>
        tpu.wait_indirect_dma semaphore(%arg37 : memref<!tpu.dma_semaphore, #tpu.memory_space<semaphore_mem>>) src(%arg23 : memref<128x16xf32, #tpu.memory_space<vmem>>) dst(%dma_wait3A_200 : memref<10240x16xf32, #tpu.memory_space<vmem_shared>>)
      } else {
      }
      %add3A_77 = arith.constant 4 : i32
      %add3A_78 = arith.addi %add3A_66, %add3A_77 : i32
      %lt3A_79 = arith.constant 80 : i32
      %lt3A_80 = arith.cmpi slt, %add3A_78, %lt3A_79 : i32
      %convert_element_type3A_81 = arith.extui %lt3A_80 : i1 to i32
      %cond3A_82 = arith.constant 0 : i32
      %cond3A_83 = arith.cmpi ne, %convert_element_type3A_81, %cond3A_82 : i32
      scf.if %cond3A_83 {
        %add3A_198 = arith.constant 4 : i32
        %add3A_199 = arith.addi %add3A_66, %add3A_198 : i32
        %mul3A_200 = arith.constant 128 : i32
        %mul3A_201 = arith.muli %add3A_199, %mul3A_200 : i32
        %add3A_202 = arith.addi %mul3A_4, %mul3A_201 : i32
        %dma_start3A_203 = tpu.memref_slice %arg4[%add3A_202] : memref<327680xi32, #tpu.memory_space<hbm>> -> memref<128xi32, #tpu.memory_space<hbm>>
        %dma_start3A_204 = tpu.memref_slice %arg4[%add3A_202] : memref<327680xi32, #tpu.memory_space<hbm>> -> memref<128xi32, #tpu.memory_space<hbm>>
        tpu.enqueue_dma source(%dma_start3A_204 : memref<128xi32, #tpu.memory_space<hbm>>) target(%arg20 : memref<128xi32, #tpu.memory_space<vmem>>) target_semaphore(%arg31 : memref<!tpu.dma_semaphore, #tpu.memory_space<semaphore_mem>>)
      } else {
      }
      %mul3A_84 = arith.constant 8 : i32
      %mul3A_85 = arith.muli %mul3A_84, %scan3A_45 : i32
      %add3A_86 = arith.constant 2 : i32
      %add3A_87 = arith.addi %mul3A_85, %add3A_86 : i32
      %dma_wait3A_88 = tpu.memref_slice %arg4[%mul3A_4] : memref<327680xi32, #tpu.memory_space<hbm>> -> memref<128xi32, #tpu.memory_space<hbm>>
      %dma_wait3A_89 = tpu.memref_slice %arg4[%mul3A_4] : memref<327680xi32, #tpu.memory_space<hbm>> -> memref<128xi32, #tpu.memory_space<hbm>>
      tpu.wait_dma2 semaphore(%arg28 : memref<!tpu.dma_semaphore, #tpu.memory_space<semaphore_mem>>) src(%dma_wait3A_89 : memref<128xi32, #tpu.memory_space<hbm>>) dst(%arg17 : memref<128xi32, #tpu.memory_space<vmem>>)
      %dma_start3A_90 = arith.constant 0 : i32
      %dma_start3A_91 = arith.constant 0 : i32
      %dma_start3A_92 = tpu.memref_slice %arg24[%dma_start3A_90, %dma_start3A_91] : memref<10240x16xf32, #tpu.memory_space<vmem_shared>> -> memref<10240x16xf32, #tpu.memory_space<vmem_shared>>
      tpu.enqueue_indirect_dma source(%arg23 : memref<128x16xf32, #tpu.memory_space<vmem>>) target(%dma_start3A_92 : memref<10240x16xf32, #tpu.memory_space<vmem_shared>>) offsets(%arg17 : memref<128xi32, #tpu.memory_space<vmem>>) semaphore(%arg36 : memref<!tpu.dma_semaphore, #tpu.memory_space<semaphore_mem>>) {add = true}
      %dma_wait3A_93 = arith.constant 0 : i32
      %dma_wait3A_94 = arith.constant 0 : i32
      %dma_wait3A_95 = tpu.memref_slice %arg24[%dma_wait3A_93, %dma_wait3A_94] : memref<10240x16xf32, #tpu.memory_space<vmem_shared>> -> memref<10240x16xf32, #tpu.memory_space<vmem_shared>>
      tpu.wait_indirect_dma semaphore(%arg34 : memref<!tpu.dma_semaphore, #tpu.memory_space<semaphore_mem>>) src(%arg23 : memref<128x16xf32, #tpu.memory_space<vmem>>) dst(%dma_wait3A_95 : memref<10240x16xf32, #tpu.memory_space<vmem_shared>>)
      %add3A_96 = arith.constant 4 : i32
      %add3A_97 = arith.addi %add3A_87, %add3A_96 : i32
      %lt3A_98 = arith.constant 80 : i32
      %lt3A_99 = arith.cmpi slt, %add3A_97, %lt3A_98 : i32
      %convert_element_type3A_100 = arith.extui %lt3A_99 : i1 to i32
      %cond3A_101 = arith.constant 0 : i32
      %cond3A_102 = arith.cmpi ne, %convert_element_type3A_100, %cond3A_101 : i32
      scf.if %cond3A_102 {
        %add3A_198 = arith.constant 4 : i32
        %add3A_199 = arith.addi %add3A_87, %add3A_198 : i32
        %mul3A_200 = arith.constant 128 : i32
        %mul3A_201 = arith.muli %add3A_199, %mul3A_200 : i32
        %add3A_202 = arith.addi %mul3A_4, %mul3A_201 : i32
        %dma_start3A_203 = tpu.memref_slice %arg4[%add3A_202] : memref<327680xi32, #tpu.memory_space<hbm>> -> memref<128xi32, #tpu.memory_space<hbm>>
        %dma_start3A_204 = tpu.memref_slice %arg4[%add3A_202] : memref<327680xi32, #tpu.memory_space<hbm>> -> memref<128xi32, #tpu.memory_space<hbm>>
        tpu.enqueue_dma source(%dma_start3A_204 : memref<128xi32, #tpu.memory_space<hbm>>) target(%arg21 : memref<128xi32, #tpu.memory_space<vmem>>) target_semaphore(%arg32 : memref<!tpu.dma_semaphore, #tpu.memory_space<semaphore_mem>>)
      } else {
      }
      %mul3A_103 = arith.constant 8 : i32
      %mul3A_104 = arith.muli %mul3A_103, %scan3A_45 : i32
      %add3A_105 = arith.constant 3 : i32
      %add3A_106 = arith.addi %mul3A_104, %add3A_105 : i32
      %dma_wait3A_107 = tpu.memref_slice %arg4[%mul3A_4] : memref<327680xi32, #tpu.memory_space<hbm>> -> memref<128xi32, #tpu.memory_space<hbm>>
      %dma_wait3A_108 = tpu.memref_slice %arg4[%mul3A_4] : memref<327680xi32, #tpu.memory_space<hbm>> -> memref<128xi32, #tpu.memory_space<hbm>>
      tpu.wait_dma2 semaphore(%arg29 : memref<!tpu.dma_semaphore, #tpu.memory_space<semaphore_mem>>) src(%dma_wait3A_108 : memref<128xi32, #tpu.memory_space<hbm>>) dst(%arg18 : memref<128xi32, #tpu.memory_space<vmem>>)
      %dma_start3A_109 = arith.constant 0 : i32
      %dma_start3A_110 = arith.constant 0 : i32
      %dma_start3A_111 = tpu.memref_slice %arg24[%dma_start3A_109, %dma_start3A_110] : memref<10240x16xf32, #tpu.memory_space<vmem_shared>> -> memref<10240x16xf32, #tpu.memory_space<vmem_shared>>
      tpu.enqueue_indirect_dma source(%arg23 : memref<128x16xf32, #tpu.memory_space<vmem>>) target(%dma_start3A_111 : memref<10240x16xf32, #tpu.memory_space<vmem_shared>>) offsets(%arg18 : memref<128xi32, #tpu.memory_space<vmem>>) semaphore(%arg37 : memref<!tpu.dma_semaphore, #tpu.memory_space<semaphore_mem>>) {add = true}
      %dma_wait3A_112 = arith.constant 0 : i32
      %dma_wait3A_113 = arith.constant 0 : i32
      %dma_wait3A_114 = tpu.memref_slice %arg24[%dma_wait3A_112, %dma_wait3A_113] : memref<10240x16xf32, #tpu.memory_space<vmem_shared>> -> memref<10240x16xf32, #tpu.memory_space<vmem_shared>>
      tpu.wait_indirect_dma semaphore(%arg35 : memref<!tpu.dma_semaphore, #tpu.memory_space<semaphore_mem>>) src(%arg23 : memref<128x16xf32, #tpu.memory_space<vmem>>) dst(%dma_wait3A_114 : memref<10240x16xf32, #tpu.memory_space<vmem_shared>>)
      %add3A_115 = arith.constant 4 : i32
      %add3A_116 = arith.addi %add3A_106, %add3A_115 : i32
      %lt3A_117 = arith.constant 80 : i32
      %lt3A_118 = arith.cmpi slt, %add3A_116, %lt3A_117 : i32
      %convert_element_type3A_119 = arith.extui %lt3A_118 : i1 to i32
      %cond3A_120 = arith.constant 0 : i32
      %cond3A_121 = arith.cmpi ne, %convert_element_type3A_119, %cond3A_120 : i32
      scf.if %cond3A_121 {
        %add3A_198 = arith.constant 4 : i32
        %add3A_199 = arith.addi %add3A_106, %add3A_198 : i32
        %mul3A_200 = arith.constant 128 : i32
        %mul3A_201 = arith.muli %add3A_199, %mul3A_200 : i32
        %add3A_202 = arith.addi %mul3A_4, %mul3A_201 : i32
        %dma_start3A_203 = tpu.memref_slice %arg4[%add3A_202] : memref<327680xi32, #tpu.memory_space<hbm>> -> memref<128xi32, #tpu.memory_space<hbm>>
        %dma_start3A_204 = tpu.memref_slice %arg4[%add3A_202] : memref<327680xi32, #tpu.memory_space<hbm>> -> memref<128xi32, #tpu.memory_space<hbm>>
        tpu.enqueue_dma source(%dma_start3A_204 : memref<128xi32, #tpu.memory_space<hbm>>) target(%arg22 : memref<128xi32, #tpu.memory_space<vmem>>) target_semaphore(%arg33 : memref<!tpu.dma_semaphore, #tpu.memory_space<semaphore_mem>>)
      } else {
      }
      %mul3A_122 = arith.constant 8 : i32
      %mul3A_123 = arith.muli %mul3A_122, %scan3A_45 : i32
      %add3A_124 = arith.constant 4 : i32
      %add3A_125 = arith.addi %mul3A_123, %add3A_124 : i32
      %dma_wait3A_126 = tpu.memref_slice %arg4[%mul3A_4] : memref<327680xi32, #tpu.memory_space<hbm>> -> memref<128xi32, #tpu.memory_space<hbm>>
      %dma_wait3A_127 = tpu.memref_slice %arg4[%mul3A_4] : memref<327680xi32, #tpu.memory_space<hbm>> -> memref<128xi32, #tpu.memory_space<hbm>>
      tpu.wait_dma2 semaphore(%arg30 : memref<!tpu.dma_semaphore, #tpu.memory_space<semaphore_mem>>) src(%dma_wait3A_127 : memref<128xi32, #tpu.memory_space<hbm>>) dst(%arg19 : memref<128xi32, #tpu.memory_space<vmem>>)
      %dma_start3A_128 = arith.constant 0 : i32
      %dma_start3A_129 = arith.constant 0 : i32
      %dma_start3A_130 = tpu.memref_slice %arg24[%dma_start3A_128, %dma_start3A_129] : memref<10240x16xf32, #tpu.memory_space<vmem_shared>> -> memref<10240x16xf32, #tpu.memory_space<vmem_shared>>
      tpu.enqueue_indirect_dma source(%arg23 : memref<128x16xf32, #tpu.memory_space<vmem>>) target(%dma_start3A_130 : memref<10240x16xf32, #tpu.memory_space<vmem_shared>>) offsets(%arg19 : memref<128xi32, #tpu.memory_space<vmem>>) semaphore(%arg34 : memref<!tpu.dma_semaphore, #tpu.memory_space<semaphore_mem>>) {add = true}
      %dma_wait3A_131 = arith.constant 0 : i32
      %dma_wait3A_132 = arith.constant 0 : i32
      %dma_wait3A_133 = tpu.memref_slice %arg24[%dma_wait3A_131, %dma_wait3A_132] : memref<10240x16xf32, #tpu.memory_space<vmem_shared>> -> memref<10240x16xf32, #tpu.memory_space<vmem_shared>>
      tpu.wait_indirect_dma semaphore(%arg36 : memref<!tpu.dma_semaphore, #tpu.memory_space<semaphore_mem>>) src(%arg23 : memref<128x16xf32, #tpu.memory_space<vmem>>) dst(%dma_wait3A_133 : memref<10240x16xf32, #tpu.memory_space<vmem_shared>>)
      %add3A_134 = arith.constant 4 : i32
      %add3A_135 = arith.addi %add3A_125, %add3A_134 : i32
      %lt3A_136 = arith.constant 80 : i32
      %lt3A_137 = arith.cmpi slt, %add3A_135, %lt3A_136 : i32
      %convert_element_type3A_138 = arith.extui %lt3A_137 : i1 to i32
      %cond3A_139 = arith.constant 0 : i32
      %cond3A_140 = arith.cmpi ne, %convert_element_type3A_138, %cond3A_139 : i32
      scf.if %cond3A_140 {
        %add3A_198 = arith.constant 4 : i32
        %add3A_199 = arith.addi %add3A_125, %add3A_198 : i32
        %mul3A_200 = arith.constant 128 : i32
        %mul3A_201 = arith.muli %add3A_199, %mul3A_200 : i32
        %add3A_202 = arith.addi %mul3A_4, %mul3A_201 : i32
        %dma_start3A_203 = tpu.memref_slice %arg4[%add3A_202] : memref<327680xi32, #tpu.memory_space<hbm>> -> memref<128xi32, #tpu.memory_space<hbm>>
        %dma_start3A_204 = tpu.memref_slice %arg4[%add3A_202] : memref<327680xi32, #tpu.memory_space<hbm>> -> memref<128xi32, #tpu.memory_space<hbm>>
        tpu.enqueue_dma source(%dma_start3A_204 : memref<128xi32, #tpu.memory_space<hbm>>) target(%arg15 : memref<128xi32, #tpu.memory_space<vmem>>) target_semaphore(%arg26 : memref<!tpu.dma_semaphore, #tpu.memory_space<semaphore_mem>>)
      } else {
      }
      %mul3A_141 = arith.constant 8 : i32
      %mul3A_142 = arith.muli %mul3A_141, %scan3A_45 : i32
      %add3A_143 = arith.constant 5 : i32
      %add3A_144 = arith.addi %mul3A_142, %add3A_143 : i32
      %dma_wait3A_145 = tpu.memref_slice %arg4[%mul3A_4] : memref<327680xi32, #tpu.memory_space<hbm>> -> memref<128xi32, #tpu.memory_space<hbm>>
      %dma_wait3A_146 = tpu.memref_slice %arg4[%mul3A_4] : memref<327680xi32, #tpu.memory_space<hbm>> -> memref<128xi32, #tpu.memory_space<hbm>>
      tpu.wait_dma2 semaphore(%arg31 : memref<!tpu.dma_semaphore, #tpu.memory_space<semaphore_mem>>) src(%dma_wait3A_146 : memref<128xi32, #tpu.memory_space<hbm>>) dst(%arg20 : memref<128xi32, #tpu.memory_space<vmem>>)
      %dma_start3A_147 = arith.constant 0 : i32
      %dma_start3A_148 = arith.constant 0 : i32
      %dma_start3A_149 = tpu.memref_slice %arg24[%dma_start3A_147, %dma_start3A_148] : memref<10240x16xf32, #tpu.memory_space<vmem_shared>> -> memref<10240x16xf32, #tpu.memory_space<vmem_shared>>
      tpu.enqueue_indirect_dma source(%arg23 : memref<128x16xf32, #tpu.memory_space<vmem>>) target(%dma_start3A_149 : memref<10240x16xf32, #tpu.memory_space<vmem_shared>>) offsets(%arg20 : memref<128xi32, #tpu.memory_space<vmem>>) semaphore(%arg35 : memref<!tpu.dma_semaphore, #tpu.memory_space<semaphore_mem>>) {add = true}
      %dma_wait3A_150 = arith.constant 0 : i32
      %dma_wait3A_151 = arith.constant 0 : i32
      %dma_wait3A_152 = tpu.memref_slice %arg24[%dma_wait3A_150, %dma_wait3A_151] : memref<10240x16xf32, #tpu.memory_space<vmem_shared>> -> memref<10240x16xf32, #tpu.memory_space<vmem_shared>>
      tpu.wait_indirect_dma semaphore(%arg37 : memref<!tpu.dma_semaphore, #tpu.memory_space<semaphore_mem>>) src(%arg23 : memref<128x16xf32, #tpu.memory_space<vmem>>) dst(%dma_wait3A_152 : memref<10240x16xf32, #tpu.memory_space<vmem_shared>>)
      %add3A_153 = arith.constant 4 : i32
      %add3A_154 = arith.addi %add3A_144, %add3A_153 : i32
      %lt3A_155 = arith.constant 80 : i32
      %lt3A_156 = arith.cmpi slt, %add3A_154, %lt3A_155 : i32
      %convert_element_type3A_157 = arith.extui %lt3A_156 : i1 to i32
      %cond3A_158 = arith.constant 0 : i32
      %cond3A_159 = arith.cmpi ne, %convert_element_type3A_157, %cond3A_158 : i32
      scf.if %cond3A_159 {
        %add3A_198 = arith.constant 4 : i32
        %add3A_199 = arith.addi %add3A_144, %add3A_198 : i32
        %mul3A_200 = arith.constant 128 : i32
        %mul3A_201 = arith.muli %add3A_199, %mul3A_200 : i32
        %add3A_202 = arith.addi %mul3A_4, %mul3A_201 : i32
        %dma_start3A_203 = tpu.memref_slice %arg4[%add3A_202] : memref<327680xi32, #tpu.memory_space<hbm>> -> memref<128xi32, #tpu.memory_space<hbm>>
        %dma_start3A_204 = tpu.memref_slice %arg4[%add3A_202] : memref<327680xi32, #tpu.memory_space<hbm>> -> memref<128xi32, #tpu.memory_space<hbm>>
        tpu.enqueue_dma source(%dma_start3A_204 : memref<128xi32, #tpu.memory_space<hbm>>) target(%arg16 : memref<128xi32, #tpu.memory_space<vmem>>) target_semaphore(%arg27 : memref<!tpu.dma_semaphore, #tpu.memory_space<semaphore_mem>>)
      } else {
      }
      %mul3A_160 = arith.constant 8 : i32
      %mul3A_161 = arith.muli %mul3A_160, %scan3A_45 : i32
      %add3A_162 = arith.constant 6 : i32
      %add3A_163 = arith.addi %mul3A_161, %add3A_162 : i32
      %dma_wait3A_164 = tpu.memref_slice %arg4[%mul3A_4] : memref<327680xi32, #tpu.memory_space<hbm>> -> memref<128xi32, #tpu.memory_space<hbm>>
      %dma_wait3A_165 = tpu.memref_slice %arg4[%mul3A_4] : memref<327680xi32, #tpu.memory_space<hbm>> -> memref<128xi32, #tpu.memory_space<hbm>>
      tpu.wait_dma2 semaphore(%arg32 : memref<!tpu.dma_semaphore, #tpu.memory_space<semaphore_mem>>) src(%dma_wait3A_165 : memref<128xi32, #tpu.memory_space<hbm>>) dst(%arg21 : memref<128xi32, #tpu.memory_space<vmem>>)
      %dma_start3A_166 = arith.constant 0 : i32
      %dma_start3A_167 = arith.constant 0 : i32
      %dma_start3A_168 = tpu.memref_slice %arg24[%dma_start3A_166, %dma_start3A_167] : memref<10240x16xf32, #tpu.memory_space<vmem_shared>> -> memref<10240x16xf32, #tpu.memory_space<vmem_shared>>
      tpu.enqueue_indirect_dma source(%arg23 : memref<128x16xf32, #tpu.memory_space<vmem>>) target(%dma_start3A_168 : memref<10240x16xf32, #tpu.memory_space<vmem_shared>>) offsets(%arg21 : memref<128xi32, #tpu.memory_space<vmem>>) semaphore(%arg36 : memref<!tpu.dma_semaphore, #tpu.memory_space<semaphore_mem>>) {add = true}
      %dma_wait3A_169 = arith.constant 0 : i32
      %dma_wait3A_170 = arith.constant 0 : i32
      %dma_wait3A_171 = tpu.memref_slice %arg24[%dma_wait3A_169, %dma_wait3A_170] : memref<10240x16xf32, #tpu.memory_space<vmem_shared>> -> memref<10240x16xf32, #tpu.memory_space<vmem_shared>>
      tpu.wait_indirect_dma semaphore(%arg34 : memref<!tpu.dma_semaphore, #tpu.memory_space<semaphore_mem>>) src(%arg23 : memref<128x16xf32, #tpu.memory_space<vmem>>) dst(%dma_wait3A_171 : memref<10240x16xf32, #tpu.memory_space<vmem_shared>>)
      %add3A_172 = arith.constant 4 : i32
      %add3A_173 = arith.addi %add3A_163, %add3A_172 : i32
      %lt3A_174 = arith.constant 80 : i32
      %lt3A_175 = arith.cmpi slt, %add3A_173, %lt3A_174 : i32
      %convert_element_type3A_176 = arith.extui %lt3A_175 : i1 to i32
      %cond3A_177 = arith.constant 0 : i32
      %cond3A_178 = arith.cmpi ne, %convert_element_type3A_176, %cond3A_177 : i32
      scf.if %cond3A_178 {
        %add3A_198 = arith.constant 4 : i32
        %add3A_199 = arith.addi %add3A_163, %add3A_198 : i32
        %mul3A_200 = arith.constant 128 : i32
        %mul3A_201 = arith.muli %add3A_199, %mul3A_200 : i32
        %add3A_202 = arith.addi %mul3A_4, %mul3A_201 : i32
        %dma_start3A_203 = tpu.memref_slice %arg4[%add3A_202] : memref<327680xi32, #tpu.memory_space<hbm>> -> memref<128xi32, #tpu.memory_space<hbm>>
        %dma_start3A_204 = tpu.memref_slice %arg4[%add3A_202] : memref<327680xi32, #tpu.memory_space<hbm>> -> memref<128xi32, #tpu.memory_space<hbm>>
        tpu.enqueue_dma source(%dma_start3A_204 : memref<128xi32, #tpu.memory_space<hbm>>) target(%arg17 : memref<128xi32, #tpu.memory_space<vmem>>) target_semaphore(%arg28 : memref<!tpu.dma_semaphore, #tpu.memory_space<semaphore_mem>>)
      } else {
      }
      %mul3A_179 = arith.constant 8 : i32
      %mul3A_180 = arith.muli %mul3A_179, %scan3A_45 : i32
      %add3A_181 = arith.constant 7 : i32
      %add3A_182 = arith.addi %mul3A_180, %add3A_181 : i32
      %dma_wait3A_183 = tpu.memref_slice %arg4[%mul3A_4] : memref<327680xi32, #tpu.memory_space<hbm>> -> memref<128xi32, #tpu.memory_space<hbm>>
      %dma_wait3A_184 = tpu.memref_slice %arg4[%mul3A_4] : memref<327680xi32, #tpu.memory_space<hbm>> -> memref<128xi32, #tpu.memory_space<hbm>>
      tpu.wait_dma2 semaphore(%arg33 : memref<!tpu.dma_semaphore, #tpu.memory_space<semaphore_mem>>) src(%dma_wait3A_184 : memref<128xi32, #tpu.memory_space<hbm>>) dst(%arg22 : memref<128xi32, #tpu.memory_space<vmem>>)
      %dma_start3A_185 = arith.constant 0 : i32
      %dma_start3A_186 = arith.constant 0 : i32
      %dma_start3A_187 = tpu.memref_slice %arg24[%dma_start3A_185, %dma_start3A_186] : memref<10240x16xf32, #tpu.memory_space<vmem_shared>> -> memref<10240x16xf32, #tpu.memory_space<vmem_shared>>
      tpu.enqueue_indirect_dma source(%arg23 : memref<128x16xf32, #tpu.memory_space<vmem>>) target(%dma_start3A_187 : memref<10240x16xf32, #tpu.memory_space<vmem_shared>>) offsets(%arg22 : memref<128xi32, #tpu.memory_space<vmem>>) semaphore(%arg37 : memref<!tpu.dma_semaphore, #tpu.memory_space<semaphore_mem>>) {add = true}
      %dma_wait3A_188 = arith.constant 0 : i32
      %dma_wait3A_189 = arith.constant 0 : i32
      %dma_wait3A_190 = tpu.memref_slice %arg24[%dma_wait3A_188, %dma_wait3A_189] : memref<10240x16xf32, #tpu.memory_space<vmem_shared>> -> memref<10240x16xf32, #tpu.memory_space<vmem_shared>>
      tpu.wait_indirect_dma semaphore(%arg35 : memref<!tpu.dma_semaphore, #tpu.memory_space<semaphore_mem>>) src(%arg23 : memref<128x16xf32, #tpu.memory_space<vmem>>) dst(%dma_wait3A_190 : memref<10240x16xf32, #tpu.memory_space<vmem_shared>>)
      %add3A_191 = arith.constant 4 : i32
      %add3A_192 = arith.addi %add3A_182, %add3A_191 : i32
      %lt3A_193 = arith.constant 80 : i32
      %lt3A_194 = arith.cmpi slt, %add3A_192, %lt3A_193 : i32
      %convert_element_type3A_195 = arith.extui %lt3A_194 : i1 to i32
      %cond3A_196 = arith.constant 0 : i32
      %cond3A_197 = arith.cmpi ne, %convert_element_type3A_195, %cond3A_196 : i32
      scf.if %cond3A_197 {
        %add3A_198 = arith.constant 4 : i32
        %add3A_199 = arith.addi %add3A_182, %add3A_198 : i32
        %mul3A_200 = arith.constant 128 : i32
        %mul3A_201 = arith.muli %add3A_199, %mul3A_200 : i32
        %add3A_202 = arith.addi %mul3A_4, %mul3A_201 : i32
        %dma_start3A_203 = tpu.memref_slice %arg4[%add3A_202] : memref<327680xi32, #tpu.memory_space<hbm>> -> memref<128xi32, #tpu.memory_space<hbm>>
        %dma_start3A_204 = tpu.memref_slice %arg4[%add3A_202] : memref<327680xi32, #tpu.memory_space<hbm>> -> memref<128xi32, #tpu.memory_space<hbm>>
        tpu.enqueue_dma source(%dma_start3A_204 : memref<128xi32, #tpu.memory_space<hbm>>) target(%arg18 : memref<128xi32, #tpu.memory_space<vmem>>) target_semaphore(%arg29 : memref<!tpu.dma_semaphore, #tpu.memory_space<semaphore_mem>>)
      } else {
      }
    }
    %scan3A_28 = arith.constant 10 : i32
    %dma_wait3A = arith.constant 0 : i32
    %dma_wait3A_29 = arith.constant 0 : i32
    %dma_wait3A_30 = tpu.memref_slice %arg24[%dma_wait3A, %dma_wait3A_29] : memref<10240x16xf32, #tpu.memory_space<vmem_shared>> -> memref<10240x16xf32, #tpu.memory_space<vmem_shared>>
    tpu.wait_indirect_dma semaphore(%arg36 : memref<!tpu.dma_semaphore, #tpu.memory_space<semaphore_mem>>) src(%arg23 : memref<128x16xf32, #tpu.memory_space<vmem>>) dst(%dma_wait3A_30 : memref<10240x16xf32, #tpu.memory_space<vmem_shared>>)
    %dma_wait3A_31 = arith.constant 0 : i32
    %dma_wait3A_32 = arith.constant 0 : i32
    %dma_wait3A_33 = tpu.memref_slice %arg24[%dma_wait3A_31, %dma_wait3A_32] : memref<10240x16xf32, #tpu.memory_space<vmem_shared>> -> memref<10240x16xf32, #tpu.memory_space<vmem_shared>>
    tpu.wait_indirect_dma semaphore(%arg37 : memref<!tpu.dma_semaphore, #tpu.memory_space<semaphore_mem>>) src(%arg23 : memref<128x16xf32, #tpu.memory_space<vmem>>) dst(%dma_wait3A_33 : memref<10240x16xf32, #tpu.memory_space<vmem_shared>>)
    %scan3A_34 = arith.constant 0 : i32
    %scan3A_35 = arith.constant 0 : i32
    %scan3A_36 = arith.constant 5 : i32
    %scan3A_37 = arith.addi %scan3A_35, %scan3A_36 : i32
    %scan3A_38 = arith.constant 1 : i32
    scf.for %scan3A_45 = %scan3A_35 to %scan3A_37 step %scan3A_38  : i32 {
      %mul3A_46 = arith.constant 64 : i32
      %mul3A_47 = arith.muli %scan3A_45, %mul3A_46 : i32
      %add3A_48 = arith.addi %mul3A_2, %mul3A_47 : i32
      "tpu.region"() ({
        %run_scoped3A = tpu.sem_alloc : memref<!tpu.dma_semaphore, #tpu.memory_space<semaphore_mem>>
        %dma_start3A_61 = tpu.memref_slice %arg2[%add3A_48] : memref<10240xi32, #tpu.memory_space<hbm>> -> memref<64xi32, #tpu.memory_space<hbm>>
        %dma_start3A_62 = tpu.memref_slice %arg2[%add3A_48] : memref<10240xi32, #tpu.memory_space<hbm>> -> memref<64xi32, #tpu.memory_space<hbm>>
        tpu.enqueue_dma source(%dma_start3A_62 : memref<64xi32, #tpu.memory_space<hbm>>) target(%arg12 : memref<64xi32, #tpu.memory_space<vmem>>) target_semaphore(%run_scoped3A : memref<!tpu.dma_semaphore, #tpu.memory_space<semaphore_mem>>)
        %dma_wait3A_63 = tpu.memref_slice %arg2[%add3A_48] : memref<10240xi32, #tpu.memory_space<hbm>> -> memref<64xi32, #tpu.memory_space<hbm>>
        %dma_wait3A_64 = tpu.memref_slice %arg2[%add3A_48] : memref<10240xi32, #tpu.memory_space<hbm>> -> memref<64xi32, #tpu.memory_space<hbm>>
        tpu.wait_dma2 semaphore(%run_scoped3A : memref<!tpu.dma_semaphore, #tpu.memory_space<semaphore_mem>>) src(%dma_wait3A_64 : memref<64xi32, #tpu.memory_space<hbm>>) dst(%arg12 : memref<64xi32, #tpu.memory_space<vmem>>)
        tpu.yield
      }) : () -> ()
      %dma_start3A_49 = arith.constant 0 : i32
      %dma_start3A_50 = arith.constant 0 : i32
      %dma_start3A_51 = tpu.memref_slice %arg5[%dma_start3A_49, %dma_start3A_50] : memref<100000x64xf32, #tpu.memory_space<hbm>> -> memref<100000x64xf32, #tpu.memory_space<hbm>>
      tpu.enqueue_indirect_dma source(%dma_start3A_51 : memref<100000x64xf32, #tpu.memory_space<hbm>>) target(%arg13 : memref<64x64xf32, #tpu.memory_space<vmem>>) offsets(%arg12 : memref<64xi32, #tpu.memory_space<vmem>>) semaphore(%arg25 : memref<!tpu.dma_semaphore, #tpu.memory_space<semaphore_mem>>)
      %dma_wait3A_52 = arith.constant 0 : i32
      %dma_wait3A_53 = arith.constant 0 : i32
      %dma_wait3A_54 = tpu.memref_slice %arg5[%dma_wait3A_52, %dma_wait3A_53] : memref<100000x64xf32, #tpu.memory_space<hbm>> -> memref<100000x64xf32, #tpu.memory_space<hbm>>
      tpu.wait_indirect_dma semaphore(%arg25 : memref<!tpu.dma_semaphore, #tpu.memory_space<semaphore_mem>>) src(%dma_wait3A_54 : memref<100000x64xf32, #tpu.memory_space<hbm>>) dst(%arg13 : memref<64x64xf32, #tpu.memory_space<vmem>>)
      "tpu.region"() ({
        %run_scoped3A = tpu.sem_alloc : memref<!tpu.dma_semaphore, #tpu.memory_space<semaphore_mem>>
        %dma_start3A_61 = arith.constant 0 : i32
        %dma_start3A_62 = tpu.memref_slice %arg9[%add3A_48, %dma_start3A_61] : memref<10240x64xf32, #tpu.memory_space<hbm>> -> memref<64x64xf32, #tpu.memory_space<hbm>>
        %dma_start3A_63 = arith.constant 0 : i32
        %dma_start3A_64 = tpu.memref_slice %arg9[%add3A_48, %dma_start3A_63] : memref<10240x64xf32, #tpu.memory_space<hbm>> -> memref<64x64xf32, #tpu.memory_space<hbm>>
        tpu.enqueue_dma source(%arg13 : memref<64x64xf32, #tpu.memory_space<vmem>>) target(%dma_start3A_64 : memref<64x64xf32, #tpu.memory_space<hbm>>) target_semaphore(%run_scoped3A : memref<!tpu.dma_semaphore, #tpu.memory_space<semaphore_mem>>)
        %dma_wait3A_65 = arith.constant 0 : i32
        %dma_wait3A_66 = tpu.memref_slice %arg9[%add3A_48, %dma_wait3A_65] : memref<10240x64xf32, #tpu.memory_space<hbm>> -> memref<64x64xf32, #tpu.memory_space<hbm>>
        %dma_wait3A_67 = arith.constant 0 : i32
        %dma_wait3A_68 = tpu.memref_slice %arg9[%add3A_48, %dma_wait3A_67] : memref<10240x64xf32, #tpu.memory_space<hbm>> -> memref<64x64xf32, #tpu.memory_space<hbm>>
        tpu.wait_dma2 semaphore(%run_scoped3A : memref<!tpu.dma_semaphore, #tpu.memory_space<semaphore_mem>>) src(%arg13 : memref<64x64xf32, #tpu.memory_space<vmem>>) dst(%dma_wait3A_68 : memref<64x64xf32, #tpu.memory_space<hbm>>)
        tpu.yield
      }) : () -> ()
      "tpu.region"() ({
        %run_scoped3A = tpu.sem_alloc : memref<!tpu.dma_semaphore, #tpu.memory_space<semaphore_mem>>
        %dma_start3A_61 = tpu.memref_slice %arg3[%add3A_48] : memref<10240xi32, #tpu.memory_space<hbm>> -> memref<64xi32, #tpu.memory_space<hbm>>
        %dma_start3A_62 = tpu.memref_slice %arg3[%add3A_48] : memref<10240xi32, #tpu.memory_space<hbm>> -> memref<64xi32, #tpu.memory_space<hbm>>
        tpu.enqueue_dma source(%dma_start3A_62 : memref<64xi32, #tpu.memory_space<hbm>>) target(%arg12 : memref<64xi32, #tpu.memory_space<vmem>>) target_semaphore(%run_scoped3A : memref<!tpu.dma_semaphore, #tpu.memory_space<semaphore_mem>>)
        %dma_wait3A_63 = tpu.memref_slice %arg3[%add3A_48] : memref<10240xi32, #tpu.memory_space<hbm>> -> memref<64xi32, #tpu.memory_space<hbm>>
        %dma_wait3A_64 = tpu.memref_slice %arg3[%add3A_48] : memref<10240xi32, #tpu.memory_space<hbm>> -> memref<64xi32, #tpu.memory_space<hbm>>
        tpu.wait_dma2 semaphore(%run_scoped3A : memref<!tpu.dma_semaphore, #tpu.memory_space<semaphore_mem>>) src(%dma_wait3A_64 : memref<64xi32, #tpu.memory_space<hbm>>) dst(%arg12 : memref<64xi32, #tpu.memory_space<vmem>>)
        tpu.yield
      }) : () -> ()
      %dma_start3A_55 = arith.constant 0 : i32
      %dma_start3A_56 = arith.constant 0 : i32
      %dma_start3A_57 = tpu.memref_slice %arg6[%dma_start3A_55, %dma_start3A_56] : memref<1000x32xf32, #tpu.memory_space<hbm>> -> memref<1000x32xf32, #tpu.memory_space<hbm>>
      tpu.enqueue_indirect_dma source(%dma_start3A_57 : memref<1000x32xf32, #tpu.memory_space<hbm>>) target(%arg14 : memref<64x32xf32, #tpu.memory_space<vmem>>) offsets(%arg12 : memref<64xi32, #tpu.memory_space<vmem>>) semaphore(%arg25 : memref<!tpu.dma_semaphore, #tpu.memory_space<semaphore_mem>>)
      %dma_wait3A_58 = arith.constant 0 : i32
      %dma_wait3A_59 = arith.constant 0 : i32
      %dma_wait3A_60 = tpu.memref_slice %arg6[%dma_wait3A_58, %dma_wait3A_59] : memref<1000x32xf32, #tpu.memory_space<hbm>> -> memref<1000x32xf32, #tpu.memory_space<hbm>>
      tpu.wait_indirect_dma semaphore(%arg25 : memref<!tpu.dma_semaphore, #tpu.memory_space<semaphore_mem>>) src(%dma_wait3A_60 : memref<1000x32xf32, #tpu.memory_space<hbm>>) dst(%arg14 : memref<64x32xf32, #tpu.memory_space<vmem>>)
      "tpu.region"() ({
        %run_scoped3A = tpu.sem_alloc : memref<!tpu.dma_semaphore, #tpu.memory_space<semaphore_mem>>
        %dma_start3A_61 = arith.constant 0 : i32
        %dma_start3A_62 = tpu.memref_slice %arg10[%add3A_48, %dma_start3A_61] : memref<10240x32xf32, #tpu.memory_space<hbm>> -> memref<64x32xf32, #tpu.memory_space<hbm>>
        %dma_start3A_63 = arith.constant 0 : i32
        %dma_start3A_64 = tpu.memref_slice %arg10[%add3A_48, %dma_start3A_63] : memref<10240x32xf32, #tpu.memory_space<hbm>> -> memref<64x32xf32, #tpu.memory_space<hbm>>
        tpu.enqueue_dma source(%arg14 : memref<64x32xf32, #tpu.memory_space<vmem>>) target(%dma_start3A_64 : memref<64x32xf32, #tpu.memory_space<hbm>>) target_semaphore(%run_scoped3A : memref<!tpu.dma_semaphore, #tpu.memory_space<semaphore_mem>>)
        %dma_wait3A_65 = arith.constant 0 : i32
        %dma_wait3A_66 = tpu.memref_slice %arg10[%add3A_48, %dma_wait3A_65] : memref<10240x32xf32, #tpu.memory_space<hbm>> -> memref<64x32xf32, #tpu.memory_space<hbm>>
        %dma_wait3A_67 = arith.constant 0 : i32
        %dma_wait3A_68 = tpu.memref_slice %arg10[%add3A_48, %dma_wait3A_67] : memref<10240x32xf32, #tpu.memory_space<hbm>> -> memref<64x32xf32, #tpu.memory_space<hbm>>
        tpu.wait_dma2 semaphore(%run_scoped3A : memref<!tpu.dma_semaphore, #tpu.memory_space<semaphore_mem>>) src(%arg14 : memref<64x32xf32, #tpu.memory_space<vmem>>) dst(%dma_wait3A_68 : memref<64x32xf32, #tpu.memory_space<hbm>>)
        tpu.yield
      }) : () -> ()
    }
    %scan3A_39 = arith.constant 5 : i32
    %barrier3A_40 = arith.constant 0 : index
    tpu.barrier barrier_id(%barrier3A_40)
    %mul3A_41 = arith.constant 640 : i32
    %mul3A_42 = arith.muli %arg1, %mul3A_41 : i32
    %mul3A_43 = arith.constant 640 : i32
    %mul3A_44 = arith.muli %arg1, %mul3A_43 : i32
    "tpu.region"() ({
      %run_scoped3A = tpu.sem_alloc : memref<!tpu.dma_semaphore, #tpu.memory_space<semaphore_mem>>
      %dma_start3A_45 = arith.constant 0 : i32
      %dma_start3A_46 = tpu.memref_slice %arg11[%arg0, %mul3A_44, %dma_start3A_45] : memref<2x10240x16xf32, #tpu.memory_space<hbm>> -> memref<1x640x16xf32, #tpu.memory_space<hbm>>
      %dma_start3A_47 = tpu.memref_squeeze %dma_start3A_46 : memref<1x640x16xf32, #tpu.memory_space<hbm>> -> memref<640x16xf32, #tpu.memory_space<hbm>>
      %dma_start3A_48 = arith.constant 0 : i32
      %dma_start3A_49 = tpu.memref_slice %arg24[%mul3A_42, %dma_start3A_48] : memref<10240x16xf32, #tpu.memory_space<vmem_shared>> -> memref<640x16xf32, #tpu.memory_space<vmem_shared>>
      tpu.enqueue_dma source(%dma_start3A_49 : memref<640x16xf32, #tpu.memory_space<vmem_shared>>) target(%dma_start3A_47 : memref<640x16xf32, #tpu.memory_space<hbm>>) target_semaphore(%run_scoped3A : memref<!tpu.dma_semaphore, #tpu.memory_space<semaphore_mem>>)
      %dma_wait3A_50 = arith.constant 0 : i32
      %dma_wait3A_51 = tpu.memref_slice %arg11[%arg0, %mul3A_44, %dma_wait3A_50] : memref<2x10240x16xf32, #tpu.memory_space<hbm>> -> memref<1x640x16xf32, #tpu.memory_space<hbm>>
      %dma_wait3A_52 = tpu.memref_squeeze %dma_wait3A_51 : memref<1x640x16xf32, #tpu.memory_space<hbm>> -> memref<640x16xf32, #tpu.memory_space<hbm>>
      %dma_wait3A_53 = arith.constant 0 : i32
      %dma_wait3A_54 = tpu.memref_slice %arg24[%mul3A_42, %dma_wait3A_53] : memref<10240x16xf32, #tpu.memory_space<vmem_shared>> -> memref<640x16xf32, #tpu.memory_space<vmem_shared>>
      tpu.wait_dma2 semaphore(%run_scoped3A : memref<!tpu.dma_semaphore, #tpu.memory_space<semaphore_mem>>) src(%dma_wait3A_54 : memref<640x16xf32, #tpu.memory_space<vmem_shared>>) dst(%dma_wait3A_52 : memref<640x16xf32, #tpu.memory_space<hbm>>)
      tpu.yield
    }) : () -> ()
    return
  }
}

#map = affine_map<(d0, d1) -> (0, 0)>
#map1 = affine_map<(d0, d1) -> (0)>
#map2 = affine_map<(d0, d1) -> (0, 0, 0)>
module attributes {stable_mosaic.version = 14 : i64} {
  func.func @k(%arg0: i32, %arg1: i32, %arg2: memref<10240x128xf32, #tpu.memory_space<hbm>>, %arg3: memref<327680xi32, #tpu.memory_space<hbm>>, %arg4: memref<327680xi32, #tpu.memory_space<hbm>>, %arg5: memref<10240x128xf32, #tpu.memory_space<hbm>>, %arg6: memref<2x10240x128xf32, #tpu.memory_space<hbm>>, %arg7: memref<128xi32, #tpu.memory_space<vmem>>, %arg8: memref<128xi32, #tpu.memory_space<vmem>>, %arg9: memref<128xi32, #tpu.memory_space<vmem>>, %arg10: memref<128xi32, #tpu.memory_space<vmem>>, %arg11: memref<128x128xf32, #tpu.memory_space<vmem>>, %arg12: memref<128x128xf32, #tpu.memory_space<vmem>>, %arg13: memref<10240x128xf32, #tpu.memory_space<vmem_shared>>, %arg14: memref<!tpu.dma_semaphore, #tpu.memory_space<semaphore_mem>>, %arg15: memref<!tpu.dma_semaphore, #tpu.memory_space<semaphore_mem>>, %arg16: memref<!tpu.dma_semaphore, #tpu.memory_space<semaphore_mem>>, %arg17: memref<!tpu.dma_semaphore, #tpu.memory_space<semaphore_mem>>, %arg18: memref<!tpu.dma_semaphore, #tpu.memory_space<semaphore_mem>>, %arg19: memref<!tpu.dma_semaphore, #tpu.memory_space<semaphore_mem>>) attributes {dimension_semantics = [#tpu.dimension_semantics<core_parallel>, #tpu.dimension_semantics<subcore_parallel>], iteration_bounds = array<i64: 2, 16>, scalar_prefetch = 0 : i64, scratch_operands = 13 : i64, tpu.core_type = #tpu.core_type<sc_vector_subcore>, window_params = [{transform_indices = #map}, {transform_indices = #map1}, {transform_indices = #map1}, {transform_indices = #map}, {transform_indices = #map2}]} {
    %eq3A = arith.constant 0 : i32
    %eq3A_0 = arith.cmpi eq, %arg0, %eq3A : i32
    %jit3A = arith.constant 144 : i32
    %jit3A_1 = arith.constant 16 : i32
    %select_n3A = arith.select %eq3A_0, %jit3A, %jit3A_1 : i32
    %eq3A_2 = arith.constant 0 : i32
    %eq3A_3 = arith.cmpi eq, %arg0, %eq3A_2 : i32
    %mul3A = arith.constant 144 : i32
    %mul3A_4 = arith.muli %arg1, %mul3A : i32
    %mul3A_5 = arith.constant 16 : i32
    %mul3A_6 = arith.muli %arg1, %mul3A_5 : i32
    %add3A = arith.constant 2304 : i32
    %add3A_7 = arith.addi %add3A, %mul3A_6 : i32
    %select_n3A_8 = arith.select %eq3A_3, %mul3A_4, %add3A_7 : i32
    %mul3A_9 = arith.constant 128 : i32
    %mul3A_10 = arith.muli %select_n3A_8, %mul3A_9 : i32
    %add3A_11 = arith.constant 0 : i32
    %add3A_12 = arith.addi %mul3A_10, %add3A_11 : i32
    %dma_start3A = tpu.memref_slice %arg3[%add3A_12] : memref<327680xi32, #tpu.memory_space<hbm>> -> memref<128xi32, #tpu.memory_space<hbm>>
    %dma_start3A_13 = tpu.memref_slice %arg3[%add3A_12] : memref<327680xi32, #tpu.memory_space<hbm>> -> memref<128xi32, #tpu.memory_space<hbm>>
    tpu.enqueue_dma source(%dma_start3A_13 : memref<128xi32, #tpu.memory_space<hbm>>) target(%arg7 : memref<128xi32, #tpu.memory_space<vmem>>) target_semaphore(%arg14 : memref<!tpu.dma_semaphore, #tpu.memory_space<semaphore_mem>>)
    %add3A_14 = arith.constant 0 : i32
    %add3A_15 = arith.addi %mul3A_10, %add3A_14 : i32
    %dma_start3A_16 = tpu.memref_slice %arg4[%add3A_15] : memref<327680xi32, #tpu.memory_space<hbm>> -> memref<128xi32, #tpu.memory_space<hbm>>
    %dma_start3A_17 = tpu.memref_slice %arg4[%add3A_15] : memref<327680xi32, #tpu.memory_space<hbm>> -> memref<128xi32, #tpu.memory_space<hbm>>
    tpu.enqueue_dma source(%dma_start3A_17 : memref<128xi32, #tpu.memory_space<hbm>>) target(%arg9 : memref<128xi32, #tpu.memory_space<vmem>>) target_semaphore(%arg16 : memref<!tpu.dma_semaphore, #tpu.memory_space<semaphore_mem>>)
    %add3A_18 = arith.constant 128 : i32
    %add3A_19 = arith.addi %mul3A_10, %add3A_18 : i32
    %dma_start3A_20 = tpu.memref_slice %arg3[%add3A_19] : memref<327680xi32, #tpu.memory_space<hbm>> -> memref<128xi32, #tpu.memory_space<hbm>>
    %dma_start3A_21 = tpu.memref_slice %arg3[%add3A_19] : memref<327680xi32, #tpu.memory_space<hbm>> -> memref<128xi32, #tpu.memory_space<hbm>>
    tpu.enqueue_dma source(%dma_start3A_21 : memref<128xi32, #tpu.memory_space<hbm>>) target(%arg8 : memref<128xi32, #tpu.memory_space<vmem>>) target_semaphore(%arg15 : memref<!tpu.dma_semaphore, #tpu.memory_space<semaphore_mem>>)
    %add3A_22 = arith.constant 128 : i32
    %add3A_23 = arith.addi %mul3A_10, %add3A_22 : i32
    %dma_start3A_24 = tpu.memref_slice %arg4[%add3A_23] : memref<327680xi32, #tpu.memory_space<hbm>> -> memref<128xi32, #tpu.memory_space<hbm>>
    %dma_start3A_25 = tpu.memref_slice %arg4[%add3A_23] : memref<327680xi32, #tpu.memory_space<hbm>> -> memref<128xi32, #tpu.memory_space<hbm>>
    tpu.enqueue_dma source(%dma_start3A_25 : memref<128xi32, #tpu.memory_space<hbm>>) target(%arg10 : memref<128xi32, #tpu.memory_space<vmem>>) target_semaphore(%arg17 : memref<!tpu.dma_semaphore, #tpu.memory_space<semaphore_mem>>)
    %mul3A_26 = arith.constant 640 : i32
    %mul3A_27 = arith.muli %arg1, %mul3A_26 : i32
    %mul3A_28 = arith.constant 640 : i32
    %mul3A_29 = arith.muli %arg1, %mul3A_28 : i32
    "tpu.region"() ({
      %run_scoped3A = tpu.sem_alloc : memref<!tpu.dma_semaphore, #tpu.memory_space<semaphore_mem>>
      %dma_start3A_66 = arith.constant 0 : i32
      %dma_start3A_67 = tpu.memref_slice %arg13[%mul3A_29, %dma_start3A_66] : memref<10240x128xf32, #tpu.memory_space<vmem_shared>> -> memref<640x128xf32, #tpu.memory_space<vmem_shared>>
      %dma_start3A_68 = arith.constant 0 : i32
      %dma_start3A_69 = tpu.memref_slice %arg5[%mul3A_27, %dma_start3A_68] : memref<10240x128xf32, #tpu.memory_space<hbm>> -> memref<640x128xf32, #tpu.memory_space<hbm>>
      tpu.enqueue_dma source(%dma_start3A_69 : memref<640x128xf32, #tpu.memory_space<hbm>>) target(%dma_start3A_67 : memref<640x128xf32, #tpu.memory_space<vmem_shared>>) target_semaphore(%run_scoped3A : memref<!tpu.dma_semaphore, #tpu.memory_space<semaphore_mem>>)
      %dma_wait3A_70 = arith.constant 0 : i32
      %dma_wait3A_71 = tpu.memref_slice %arg13[%mul3A_29, %dma_wait3A_70] : memref<10240x128xf32, #tpu.memory_space<vmem_shared>> -> memref<640x128xf32, #tpu.memory_space<vmem_shared>>
      %dma_wait3A_72 = arith.constant 0 : i32
      %dma_wait3A_73 = tpu.memref_slice %arg5[%mul3A_27, %dma_wait3A_72] : memref<10240x128xf32, #tpu.memory_space<hbm>> -> memref<640x128xf32, #tpu.memory_space<hbm>>
      tpu.wait_dma2 semaphore(%run_scoped3A : memref<!tpu.dma_semaphore, #tpu.memory_space<semaphore_mem>>) src(%dma_wait3A_73 : memref<640x128xf32, #tpu.memory_space<hbm>>) dst(%dma_wait3A_71 : memref<640x128xf32, #tpu.memory_space<vmem_shared>>)
      tpu.yield
    }) : () -> ()
    %barrier3A = arith.constant 0 : index
    tpu.barrier barrier_id(%barrier3A)
    %dma_wait3A = tpu.memref_slice %arg3[%mul3A_10] : memref<327680xi32, #tpu.memory_space<hbm>> -> memref<128xi32, #tpu.memory_space<hbm>>
    %dma_wait3A_30 = tpu.memref_slice %arg3[%mul3A_10] : memref<327680xi32, #tpu.memory_space<hbm>> -> memref<128xi32, #tpu.memory_space<hbm>>
    tpu.wait_dma2 semaphore(%arg14 : memref<!tpu.dma_semaphore, #tpu.memory_space<semaphore_mem>>) src(%dma_wait3A_30 : memref<128xi32, #tpu.memory_space<hbm>>) dst(%arg7 : memref<128xi32, #tpu.memory_space<vmem>>)
    %dma_start3A_31 = arith.constant 0 : i32
    %dma_start3A_32 = arith.constant 0 : i32
    %dma_start3A_33 = tpu.memref_slice %arg2[%dma_start3A_31, %dma_start3A_32] : memref<10240x128xf32, #tpu.memory_space<hbm>> -> memref<10240x128xf32, #tpu.memory_space<hbm>>
    tpu.enqueue_indirect_dma source(%dma_start3A_33 : memref<10240x128xf32, #tpu.memory_space<hbm>>) target(%arg11 : memref<128x128xf32, #tpu.memory_space<vmem>>) offsets(%arg7 : memref<128xi32, #tpu.memory_space<vmem>>) semaphore(%arg18 : memref<!tpu.dma_semaphore, #tpu.memory_space<semaphore_mem>>)
    %jit3A_34 = arith.constant 2 : i32
    %div3A = arith.divsi %select_n3A, %jit3A_34 : i32
    %sign3A = arith.constant 0 : i32
    %sign3A_35 = arith.cmpi sgt, %select_n3A, %sign3A : i32
    %sign3A_36 = arith.extui %sign3A_35 : i1 to i32
    %sign3A_37 = arith.constant 0 : i32
    %sign3A_38 = arith.cmpi slt, %select_n3A, %sign3A_37 : i32
    %sign3A_39 = arith.extui %sign3A_38 : i1 to i32
    %sign3A_40 = arith.subi %sign3A_36, %sign3A_39 : i32
    %sign3A_41 = arith.constant 0 : i32
    %sign3A_42 = arith.cmpi sgt, %jit3A_34, %sign3A_41 : i32
    %sign3A_43 = arith.extui %sign3A_42 : i1 to i32
    %sign3A_44 = arith.constant 0 : i32
    %sign3A_45 = arith.cmpi slt, %jit3A_34, %sign3A_44 : i32
    %sign3A_46 = arith.extui %sign3A_45 : i1 to i32
    %sign3A_47 = arith.subi %sign3A_43, %sign3A_46 : i32
    %ne3A = arith.cmpi ne, %sign3A_40, %sign3A_47 : i32
    %rem3A = arith.remsi %select_n3A, %jit3A_34 : i32
    %ne3A_48 = arith.constant 0 : i32
    %ne3A_49 = arith.cmpi ne, %rem3A, %ne3A_48 : i32
    %and3A = arith.andi %ne3A, %ne3A_49 : i1
    %sub3A = arith.constant 1 : i32
    %sub3A_50 = arith.subi %div3A, %sub3A : i32
    %select_n3A_51 = arith.select %and3A, %sub3A_50, %div3A : i32
    %while3A = arith.constant 0 : i32
    %while3A_52 = arith.constant 0 : i32
    %while3A_53 = arith.subi %select_n3A_51, %while3A_52 : i32
    %while3A_54 = arith.addi %while3A_52, %while3A_53 : i32
    %while3A_55 = arith.constant 1 : i32
    %while3A_56 = arith.divsi %while3A_53, %while3A_55 : i32
    %while3A_57 = arith.muli %while3A_56, %while3A_55 : i32
    %while3A_58 = arith.addi %while3A_52, %while3A_57 : i32
    %while3A_59 = arith.constant 1 : i32
    scf.for %while3A_66 = %while3A_52 to %while3A_58 step %while3A_59  : i32 {
      %mul3A_67 = arith.constant 2 : i32
      %mul3A_68 = arith.muli %mul3A_67, %while3A_66 : i32
      %add3A_69 = arith.constant 0 : i32
      %add3A_70 = arith.addi %mul3A_68, %add3A_69 : i32
      %dma_wait3A_71 = arith.constant 0 : i32
      %dma_wait3A_72 = arith.constant 0 : i32
      %dma_wait3A_73 = tpu.memref_slice %arg2[%dma_wait3A_71, %dma_wait3A_72] : memref<10240x128xf32, #tpu.memory_space<hbm>> -> memref<10240x128xf32, #tpu.memory_space<hbm>>
      tpu.wait_indirect_dma semaphore(%arg18 : memref<!tpu.dma_semaphore, #tpu.memory_space<semaphore_mem>>) src(%dma_wait3A_73 : memref<10240x128xf32, #tpu.memory_space<hbm>>) dst(%arg11 : memref<128x128xf32, #tpu.memory_space<vmem>>)
      %add3A_74 = arith.constant 1 : i32
      %add3A_75 = arith.addi %add3A_70, %add3A_74 : i32
      %lt3A = arith.cmpi slt, %add3A_75, %select_n3A : i32
      %convert_element_type3A = arith.extui %lt3A : i1 to i32
      %cond3A = arith.constant 0 : i32
      %cond3A_76 = arith.cmpi ne, %convert_element_type3A, %cond3A : i32
      scf.if %cond3A_76 {
        %dma_wait3A_106 = tpu.memref_slice %arg3[%mul3A_10] : memref<327680xi32, #tpu.memory_space<hbm>> -> memref<128xi32, #tpu.memory_space<hbm>>
        %dma_wait3A_107 = tpu.memref_slice %arg3[%mul3A_10] : memref<327680xi32, #tpu.memory_space<hbm>> -> memref<128xi32, #tpu.memory_space<hbm>>
        tpu.wait_dma2 semaphore(%arg15 : memref<!tpu.dma_semaphore, #tpu.memory_space<semaphore_mem>>) src(%dma_wait3A_107 : memref<128xi32, #tpu.memory_space<hbm>>) dst(%arg8 : memref<128xi32, #tpu.memory_space<vmem>>)
        %dma_start3A_108 = arith.constant 0 : i32
        %dma_start3A_109 = arith.constant 0 : i32
        %dma_start3A_110 = tpu.memref_slice %arg2[%dma_start3A_108, %dma_start3A_109] : memref<10240x128xf32, #tpu.memory_space<hbm>> -> memref<10240x128xf32, #tpu.memory_space<hbm>>
        tpu.enqueue_indirect_dma source(%dma_start3A_110 : memref<10240x128xf32, #tpu.memory_space<hbm>>) target(%arg12 : memref<128x128xf32, #tpu.memory_space<vmem>>) offsets(%arg8 : memref<128xi32, #tpu.memory_space<vmem>>) semaphore(%arg19 : memref<!tpu.dma_semaphore, #tpu.memory_space<semaphore_mem>>)
      } else {
      }
      %dma_wait3A_77 = tpu.memref_slice %arg4[%mul3A_10] : memref<327680xi32, #tpu.memory_space<hbm>> -> memref<128xi32, #tpu.memory_space<hbm>>
      %dma_wait3A_78 = tpu.memref_slice %arg4[%mul3A_10] : memref<327680xi32, #tpu.memory_space<hbm>> -> memref<128xi32, #tpu.memory_space<hbm>>
      tpu.wait_dma2 semaphore(%arg16 : memref<!tpu.dma_semaphore, #tpu.memory_space<semaphore_mem>>) src(%dma_wait3A_78 : memref<128xi32, #tpu.memory_space<hbm>>) dst(%arg9 : memref<128xi32, #tpu.memory_space<vmem>>)
      "tpu.region"() ({
        %run_scoped3A = tpu.sem_alloc : memref<!tpu.dma_semaphore, #tpu.memory_space<semaphore_mem>>
        %dma_start3A_106 = arith.constant 0 : i32
        %dma_start3A_107 = arith.constant 0 : i32
        %dma_start3A_108 = tpu.memref_slice %arg13[%dma_start3A_106, %dma_start3A_107] : memref<10240x128xf32, #tpu.memory_space<vmem_shared>> -> memref<10240x128xf32, #tpu.memory_space<vmem_shared>>
        tpu.enqueue_indirect_dma source(%arg11 : memref<128x128xf32, #tpu.memory_space<vmem>>) target(%dma_start3A_108 : memref<10240x128xf32, #tpu.memory_space<vmem_shared>>) offsets(%arg9 : memref<128xi32, #tpu.memory_space<vmem>>) semaphore(%run_scoped3A : memref<!tpu.dma_semaphore, #tpu.memory_space<semaphore_mem>>) {add = true}
        %dma_wait3A_109 = arith.constant 0 : i32
        %dma_wait3A_110 = arith.constant 0 : i32
        %dma_wait3A_111 = tpu.memref_slice %arg13[%dma_wait3A_109, %dma_wait3A_110] : memref<10240x128xf32, #tpu.memory_space<vmem_shared>> -> memref<10240x128xf32, #tpu.memory_space<vmem_shared>>
        tpu.wait_indirect_dma semaphore(%run_scoped3A : memref<!tpu.dma_semaphore, #tpu.memory_space<semaphore_mem>>) src(%arg11 : memref<128x128xf32, #tpu.memory_space<vmem>>) dst(%dma_wait3A_111 : memref<10240x128xf32, #tpu.memory_space<vmem_shared>>)
        tpu.yield
      }) : () -> ()
      %add3A_79 = arith.constant 2 : i32
      %add3A_80 = arith.addi %add3A_70, %add3A_79 : i32
      %lt3A_81 = arith.cmpi slt, %add3A_80, %select_n3A : i32
      %convert_element_type3A_82 = arith.extui %lt3A_81 : i1 to i32
      %cond3A_83 = arith.constant 0 : i32
      %cond3A_84 = arith.cmpi ne, %convert_element_type3A_82, %cond3A_83 : i32
      scf.if %cond3A_84 {
        %add3A_106 = arith.constant 2 : i32
        %add3A_107 = arith.addi %add3A_70, %add3A_106 : i32
        %mul3A_108 = arith.constant 128 : i32
        %mul3A_109 = arith.muli %add3A_107, %mul3A_108 : i32
        %add3A_110 = arith.addi %mul3A_10, %mul3A_109 : i32
        %dma_start3A_111 = tpu.memref_slice %arg3[%add3A_110] : memref<327680xi32, #tpu.memory_space<hbm>> -> memref<128xi32, #tpu.memory_space<hbm>>
        %dma_start3A_112 = tpu.memref_slice %arg3[%add3A_110] : memref<327680xi32, #tpu.memory_space<hbm>> -> memref<128xi32, #tpu.memory_space<hbm>>
        tpu.enqueue_dma source(%dma_start3A_112 : memref<128xi32, #tpu.memory_space<hbm>>) target(%arg7 : memref<128xi32, #tpu.memory_space<vmem>>) target_semaphore(%arg14 : memref<!tpu.dma_semaphore, #tpu.memory_space<semaphore_mem>>)
        %mul3A_113 = arith.constant 128 : i32
        %mul3A_114 = arith.muli %add3A_107, %mul3A_113 : i32
        %add3A_115 = arith.addi %mul3A_10, %mul3A_114 : i32
        %dma_start3A_116 = tpu.memref_slice %arg4[%add3A_115] : memref<327680xi32, #tpu.memory_space<hbm>> -> memref<128xi32, #tpu.memory_space<hbm>>
        %dma_start3A_117 = tpu.memref_slice %arg4[%add3A_115] : memref<327680xi32, #tpu.memory_space<hbm>> -> memref<128xi32, #tpu.memory_space<hbm>>
        tpu.enqueue_dma source(%dma_start3A_117 : memref<128xi32, #tpu.memory_space<hbm>>) target(%arg9 : memref<128xi32, #tpu.memory_space<vmem>>) target_semaphore(%arg16 : memref<!tpu.dma_semaphore, #tpu.memory_space<semaphore_mem>>)
      } else {
      }
      %mul3A_85 = arith.constant 2 : i32
      %mul3A_86 = arith.muli %mul3A_85, %while3A_66 : i32
      %add3A_87 = arith.constant 1 : i32
      %add3A_88 = arith.addi %mul3A_86, %add3A_87 : i32
      %dma_wait3A_89 = arith.constant 0 : i32
      %dma_wait3A_90 = arith.constant 0 : i32
      %dma_wait3A_91 = tpu.memref_slice %arg2[%dma_wait3A_89, %dma_wait3A_90] : memref<10240x128xf32, #tpu.memory_space<hbm>> -> memref<10240x128xf32, #tpu.memory_space<hbm>>
      tpu.wait_indirect_dma semaphore(%arg19 : memref<!tpu.dma_semaphore, #tpu.memory_space<semaphore_mem>>) src(%dma_wait3A_91 : memref<10240x128xf32, #tpu.memory_space<hbm>>) dst(%arg12 : memref<128x128xf32, #tpu.memory_space<vmem>>)
      %add3A_92 = arith.constant 1 : i32
      %add3A_93 = arith.addi %add3A_88, %add3A_92 : i32
      %lt3A_94 = arith.cmpi slt, %add3A_93, %select_n3A : i32
      %convert_element_type3A_95 = arith.extui %lt3A_94 : i1 to i32
      %cond3A_96 = arith.constant 0 : i32
      %cond3A_97 = arith.cmpi ne, %convert_element_type3A_95, %cond3A_96 : i32
      scf.if %cond3A_97 {
        %dma_wait3A_106 = tpu.memref_slice %arg3[%mul3A_10] : memref<327680xi32, #tpu.memory_space<hbm>> -> memref<128xi32, #tpu.memory_space<hbm>>
        %dma_wait3A_107 = tpu.memref_slice %arg3[%mul3A_10] : memref<327680xi32, #tpu.memory_space<hbm>> -> memref<128xi32, #tpu.memory_space<hbm>>
        tpu.wait_dma2 semaphore(%arg14 : memref<!tpu.dma_semaphore, #tpu.memory_space<semaphore_mem>>) src(%dma_wait3A_107 : memref<128xi32, #tpu.memory_space<hbm>>) dst(%arg7 : memref<128xi32, #tpu.memory_space<vmem>>)
        %dma_start3A_108 = arith.constant 0 : i32
        %dma_start3A_109 = arith.constant 0 : i32
        %dma_start3A_110 = tpu.memref_slice %arg2[%dma_start3A_108, %dma_start3A_109] : memref<10240x128xf32, #tpu.memory_space<hbm>> -> memref<10240x128xf32, #tpu.memory_space<hbm>>
        tpu.enqueue_indirect_dma source(%dma_start3A_110 : memref<10240x128xf32, #tpu.memory_space<hbm>>) target(%arg11 : memref<128x128xf32, #tpu.memory_space<vmem>>) offsets(%arg7 : memref<128xi32, #tpu.memory_space<vmem>>) semaphore(%arg18 : memref<!tpu.dma_semaphore, #tpu.memory_space<semaphore_mem>>)
      } else {
      }
      %dma_wait3A_98 = tpu.memref_slice %arg4[%mul3A_10] : memref<327680xi32, #tpu.memory_space<hbm>> -> memref<128xi32, #tpu.memory_space<hbm>>
      %dma_wait3A_99 = tpu.memref_slice %arg4[%mul3A_10] : memref<327680xi32, #tpu.memory_space<hbm>> -> memref<128xi32, #tpu.memory_space<hbm>>
      tpu.wait_dma2 semaphore(%arg17 : memref<!tpu.dma_semaphore, #tpu.memory_space<semaphore_mem>>) src(%dma_wait3A_99 : memref<128xi32, #tpu.memory_space<hbm>>) dst(%arg10 : memref<128xi32, #tpu.memory_space<vmem>>)
      "tpu.region"() ({
        %run_scoped3A = tpu.sem_alloc : memref<!tpu.dma_semaphore, #tpu.memory_space<semaphore_mem>>
        %dma_start3A_106 = arith.constant 0 : i32
        %dma_start3A_107 = arith.constant 0 : i32
        %dma_start3A_108 = tpu.memref_slice %arg13[%dma_start3A_106, %dma_start3A_107] : memref<10240x128xf32, #tpu.memory_space<vmem_shared>> -> memref<10240x128xf32, #tpu.memory_space<vmem_shared>>
        tpu.enqueue_indirect_dma source(%arg12 : memref<128x128xf32, #tpu.memory_space<vmem>>) target(%dma_start3A_108 : memref<10240x128xf32, #tpu.memory_space<vmem_shared>>) offsets(%arg10 : memref<128xi32, #tpu.memory_space<vmem>>) semaphore(%run_scoped3A : memref<!tpu.dma_semaphore, #tpu.memory_space<semaphore_mem>>) {add = true}
        %dma_wait3A_109 = arith.constant 0 : i32
        %dma_wait3A_110 = arith.constant 0 : i32
        %dma_wait3A_111 = tpu.memref_slice %arg13[%dma_wait3A_109, %dma_wait3A_110] : memref<10240x128xf32, #tpu.memory_space<vmem_shared>> -> memref<10240x128xf32, #tpu.memory_space<vmem_shared>>
        tpu.wait_indirect_dma semaphore(%run_scoped3A : memref<!tpu.dma_semaphore, #tpu.memory_space<semaphore_mem>>) src(%arg12 : memref<128x128xf32, #tpu.memory_space<vmem>>) dst(%dma_wait3A_111 : memref<10240x128xf32, #tpu.memory_space<vmem_shared>>)
        tpu.yield
      }) : () -> ()
      %add3A_100 = arith.constant 2 : i32
      %add3A_101 = arith.addi %add3A_88, %add3A_100 : i32
      %lt3A_102 = arith.cmpi slt, %add3A_101, %select_n3A : i32
      %convert_element_type3A_103 = arith.extui %lt3A_102 : i1 to i32
      %cond3A_104 = arith.constant 0 : i32
      %cond3A_105 = arith.cmpi ne, %convert_element_type3A_103, %cond3A_104 : i32
      scf.if %cond3A_105 {
        %add3A_106 = arith.constant 2 : i32
        %add3A_107 = arith.addi %add3A_88, %add3A_106 : i32
        %mul3A_108 = arith.constant 128 : i32
        %mul3A_109 = arith.muli %add3A_107, %mul3A_108 : i32
        %add3A_110 = arith.addi %mul3A_10, %mul3A_109 : i32
        %dma_start3A_111 = tpu.memref_slice %arg3[%add3A_110] : memref<327680xi32, #tpu.memory_space<hbm>> -> memref<128xi32, #tpu.memory_space<hbm>>
        %dma_start3A_112 = tpu.memref_slice %arg3[%add3A_110] : memref<327680xi32, #tpu.memory_space<hbm>> -> memref<128xi32, #tpu.memory_space<hbm>>
        tpu.enqueue_dma source(%dma_start3A_112 : memref<128xi32, #tpu.memory_space<hbm>>) target(%arg8 : memref<128xi32, #tpu.memory_space<vmem>>) target_semaphore(%arg15 : memref<!tpu.dma_semaphore, #tpu.memory_space<semaphore_mem>>)
        %mul3A_113 = arith.constant 128 : i32
        %mul3A_114 = arith.muli %add3A_107, %mul3A_113 : i32
        %add3A_115 = arith.addi %mul3A_10, %mul3A_114 : i32
        %dma_start3A_116 = tpu.memref_slice %arg4[%add3A_115] : memref<327680xi32, #tpu.memory_space<hbm>> -> memref<128xi32, #tpu.memory_space<hbm>>
        %dma_start3A_117 = tpu.memref_slice %arg4[%add3A_115] : memref<327680xi32, #tpu.memory_space<hbm>> -> memref<128xi32, #tpu.memory_space<hbm>>
        tpu.enqueue_dma source(%dma_start3A_117 : memref<128xi32, #tpu.memory_space<hbm>>) target(%arg10 : memref<128xi32, #tpu.memory_space<vmem>>) target_semaphore(%arg17 : memref<!tpu.dma_semaphore, #tpu.memory_space<semaphore_mem>>)
      } else {
      }
    }
    %while3A_60 = arith.constant 1 : i32
    scf.for %while3A_66 = %while3A_58 to %while3A_54 step %while3A_60  : i32 {
      %mul3A_67 = arith.constant 2 : i32
      %mul3A_68 = arith.muli %mul3A_67, %while3A_66 : i32
      %add3A_69 = arith.constant 0 : i32
      %add3A_70 = arith.addi %mul3A_68, %add3A_69 : i32
      %dma_wait3A_71 = arith.constant 0 : i32
      %dma_wait3A_72 = arith.constant 0 : i32
      %dma_wait3A_73 = tpu.memref_slice %arg2[%dma_wait3A_71, %dma_wait3A_72] : memref<10240x128xf32, #tpu.memory_space<hbm>> -> memref<10240x128xf32, #tpu.memory_space<hbm>>
      tpu.wait_indirect_dma semaphore(%arg18 : memref<!tpu.dma_semaphore, #tpu.memory_space<semaphore_mem>>) src(%dma_wait3A_73 : memref<10240x128xf32, #tpu.memory_space<hbm>>) dst(%arg11 : memref<128x128xf32, #tpu.memory_space<vmem>>)
      %add3A_74 = arith.constant 1 : i32
      %add3A_75 = arith.addi %add3A_70, %add3A_74 : i32
      %lt3A = arith.cmpi slt, %add3A_75, %select_n3A : i32
      %convert_element_type3A = arith.extui %lt3A : i1 to i32
      %cond3A = arith.constant 0 : i32
      %cond3A_76 = arith.cmpi ne, %convert_element_type3A, %cond3A : i32
      scf.if %cond3A_76 {
        %dma_wait3A_106 = tpu.memref_slice %arg3[%mul3A_10] : memref<327680xi32, #tpu.memory_space<hbm>> -> memref<128xi32, #tpu.memory_space<hbm>>
        %dma_wait3A_107 = tpu.memref_slice %arg3[%mul3A_10] : memref<327680xi32, #tpu.memory_space<hbm>> -> memref<128xi32, #tpu.memory_space<hbm>>
        tpu.wait_dma2 semaphore(%arg15 : memref<!tpu.dma_semaphore, #tpu.memory_space<semaphore_mem>>) src(%dma_wait3A_107 : memref<128xi32, #tpu.memory_space<hbm>>) dst(%arg8 : memref<128xi32, #tpu.memory_space<vmem>>)
        %dma_start3A_108 = arith.constant 0 : i32
        %dma_start3A_109 = arith.constant 0 : i32
        %dma_start3A_110 = tpu.memref_slice %arg2[%dma_start3A_108, %dma_start3A_109] : memref<10240x128xf32, #tpu.memory_space<hbm>> -> memref<10240x128xf32, #tpu.memory_space<hbm>>
        tpu.enqueue_indirect_dma source(%dma_start3A_110 : memref<10240x128xf32, #tpu.memory_space<hbm>>) target(%arg12 : memref<128x128xf32, #tpu.memory_space<vmem>>) offsets(%arg8 : memref<128xi32, #tpu.memory_space<vmem>>) semaphore(%arg19 : memref<!tpu.dma_semaphore, #tpu.memory_space<semaphore_mem>>)
      } else {
      }
      %dma_wait3A_77 = tpu.memref_slice %arg4[%mul3A_10] : memref<327680xi32, #tpu.memory_space<hbm>> -> memref<128xi32, #tpu.memory_space<hbm>>
      %dma_wait3A_78 = tpu.memref_slice %arg4[%mul3A_10] : memref<327680xi32, #tpu.memory_space<hbm>> -> memref<128xi32, #tpu.memory_space<hbm>>
      tpu.wait_dma2 semaphore(%arg16 : memref<!tpu.dma_semaphore, #tpu.memory_space<semaphore_mem>>) src(%dma_wait3A_78 : memref<128xi32, #tpu.memory_space<hbm>>) dst(%arg9 : memref<128xi32, #tpu.memory_space<vmem>>)
      "tpu.region"() ({
        %run_scoped3A = tpu.sem_alloc : memref<!tpu.dma_semaphore, #tpu.memory_space<semaphore_mem>>
        %dma_start3A_106 = arith.constant 0 : i32
        %dma_start3A_107 = arith.constant 0 : i32
        %dma_start3A_108 = tpu.memref_slice %arg13[%dma_start3A_106, %dma_start3A_107] : memref<10240x128xf32, #tpu.memory_space<vmem_shared>> -> memref<10240x128xf32, #tpu.memory_space<vmem_shared>>
        tpu.enqueue_indirect_dma source(%arg11 : memref<128x128xf32, #tpu.memory_space<vmem>>) target(%dma_start3A_108 : memref<10240x128xf32, #tpu.memory_space<vmem_shared>>) offsets(%arg9 : memref<128xi32, #tpu.memory_space<vmem>>) semaphore(%run_scoped3A : memref<!tpu.dma_semaphore, #tpu.memory_space<semaphore_mem>>) {add = true}
        %dma_wait3A_109 = arith.constant 0 : i32
        %dma_wait3A_110 = arith.constant 0 : i32
        %dma_wait3A_111 = tpu.memref_slice %arg13[%dma_wait3A_109, %dma_wait3A_110] : memref<10240x128xf32, #tpu.memory_space<vmem_shared>> -> memref<10240x128xf32, #tpu.memory_space<vmem_shared>>
        tpu.wait_indirect_dma semaphore(%run_scoped3A : memref<!tpu.dma_semaphore, #tpu.memory_space<semaphore_mem>>) src(%arg11 : memref<128x128xf32, #tpu.memory_space<vmem>>) dst(%dma_wait3A_111 : memref<10240x128xf32, #tpu.memory_space<vmem_shared>>)
        tpu.yield
      }) : () -> ()
      %add3A_79 = arith.constant 2 : i32
      %add3A_80 = arith.addi %add3A_70, %add3A_79 : i32
      %lt3A_81 = arith.cmpi slt, %add3A_80, %select_n3A : i32
      %convert_element_type3A_82 = arith.extui %lt3A_81 : i1 to i32
      %cond3A_83 = arith.constant 0 : i32
      %cond3A_84 = arith.cmpi ne, %convert_element_type3A_82, %cond3A_83 : i32
      scf.if %cond3A_84 {
        %add3A_106 = arith.constant 2 : i32
        %add3A_107 = arith.addi %add3A_70, %add3A_106 : i32
        %mul3A_108 = arith.constant 128 : i32
        %mul3A_109 = arith.muli %add3A_107, %mul3A_108 : i32
        %add3A_110 = arith.addi %mul3A_10, %mul3A_109 : i32
        %dma_start3A_111 = tpu.memref_slice %arg3[%add3A_110] : memref<327680xi32, #tpu.memory_space<hbm>> -> memref<128xi32, #tpu.memory_space<hbm>>
        %dma_start3A_112 = tpu.memref_slice %arg3[%add3A_110] : memref<327680xi32, #tpu.memory_space<hbm>> -> memref<128xi32, #tpu.memory_space<hbm>>
        tpu.enqueue_dma source(%dma_start3A_112 : memref<128xi32, #tpu.memory_space<hbm>>) target(%arg7 : memref<128xi32, #tpu.memory_space<vmem>>) target_semaphore(%arg14 : memref<!tpu.dma_semaphore, #tpu.memory_space<semaphore_mem>>)
        %mul3A_113 = arith.constant 128 : i32
        %mul3A_114 = arith.muli %add3A_107, %mul3A_113 : i32
        %add3A_115 = arith.addi %mul3A_10, %mul3A_114 : i32
        %dma_start3A_116 = tpu.memref_slice %arg4[%add3A_115] : memref<327680xi32, #tpu.memory_space<hbm>> -> memref<128xi32, #tpu.memory_space<hbm>>
        %dma_start3A_117 = tpu.memref_slice %arg4[%add3A_115] : memref<327680xi32, #tpu.memory_space<hbm>> -> memref<128xi32, #tpu.memory_space<hbm>>
        tpu.enqueue_dma source(%dma_start3A_117 : memref<128xi32, #tpu.memory_space<hbm>>) target(%arg9 : memref<128xi32, #tpu.memory_space<vmem>>) target_semaphore(%arg16 : memref<!tpu.dma_semaphore, #tpu.memory_space<semaphore_mem>>)
      } else {
      }
      %mul3A_85 = arith.constant 2 : i32
      %mul3A_86 = arith.muli %mul3A_85, %while3A_66 : i32
      %add3A_87 = arith.constant 1 : i32
      %add3A_88 = arith.addi %mul3A_86, %add3A_87 : i32
      %dma_wait3A_89 = arith.constant 0 : i32
      %dma_wait3A_90 = arith.constant 0 : i32
      %dma_wait3A_91 = tpu.memref_slice %arg2[%dma_wait3A_89, %dma_wait3A_90] : memref<10240x128xf32, #tpu.memory_space<hbm>> -> memref<10240x128xf32, #tpu.memory_space<hbm>>
      tpu.wait_indirect_dma semaphore(%arg19 : memref<!tpu.dma_semaphore, #tpu.memory_space<semaphore_mem>>) src(%dma_wait3A_91 : memref<10240x128xf32, #tpu.memory_space<hbm>>) dst(%arg12 : memref<128x128xf32, #tpu.memory_space<vmem>>)
      %add3A_92 = arith.constant 1 : i32
      %add3A_93 = arith.addi %add3A_88, %add3A_92 : i32
      %lt3A_94 = arith.cmpi slt, %add3A_93, %select_n3A : i32
      %convert_element_type3A_95 = arith.extui %lt3A_94 : i1 to i32
      %cond3A_96 = arith.constant 0 : i32
      %cond3A_97 = arith.cmpi ne, %convert_element_type3A_95, %cond3A_96 : i32
      scf.if %cond3A_97 {
        %dma_wait3A_106 = tpu.memref_slice %arg3[%mul3A_10] : memref<327680xi32, #tpu.memory_space<hbm>> -> memref<128xi32, #tpu.memory_space<hbm>>
        %dma_wait3A_107 = tpu.memref_slice %arg3[%mul3A_10] : memref<327680xi32, #tpu.memory_space<hbm>> -> memref<128xi32, #tpu.memory_space<hbm>>
        tpu.wait_dma2 semaphore(%arg14 : memref<!tpu.dma_semaphore, #tpu.memory_space<semaphore_mem>>) src(%dma_wait3A_107 : memref<128xi32, #tpu.memory_space<hbm>>) dst(%arg7 : memref<128xi32, #tpu.memory_space<vmem>>)
        %dma_start3A_108 = arith.constant 0 : i32
        %dma_start3A_109 = arith.constant 0 : i32
        %dma_start3A_110 = tpu.memref_slice %arg2[%dma_start3A_108, %dma_start3A_109] : memref<10240x128xf32, #tpu.memory_space<hbm>> -> memref<10240x128xf32, #tpu.memory_space<hbm>>
        tpu.enqueue_indirect_dma source(%dma_start3A_110 : memref<10240x128xf32, #tpu.memory_space<hbm>>) target(%arg11 : memref<128x128xf32, #tpu.memory_space<vmem>>) offsets(%arg7 : memref<128xi32, #tpu.memory_space<vmem>>) semaphore(%arg18 : memref<!tpu.dma_semaphore, #tpu.memory_space<semaphore_mem>>)
      } else {
      }
      %dma_wait3A_98 = tpu.memref_slice %arg4[%mul3A_10] : memref<327680xi32, #tpu.memory_space<hbm>> -> memref<128xi32, #tpu.memory_space<hbm>>
      %dma_wait3A_99 = tpu.memref_slice %arg4[%mul3A_10] : memref<327680xi32, #tpu.memory_space<hbm>> -> memref<128xi32, #tpu.memory_space<hbm>>
      tpu.wait_dma2 semaphore(%arg17 : memref<!tpu.dma_semaphore, #tpu.memory_space<semaphore_mem>>) src(%dma_wait3A_99 : memref<128xi32, #tpu.memory_space<hbm>>) dst(%arg10 : memref<128xi32, #tpu.memory_space<vmem>>)
      "tpu.region"() ({
        %run_scoped3A = tpu.sem_alloc : memref<!tpu.dma_semaphore, #tpu.memory_space<semaphore_mem>>
        %dma_start3A_106 = arith.constant 0 : i32
        %dma_start3A_107 = arith.constant 0 : i32
        %dma_start3A_108 = tpu.memref_slice %arg13[%dma_start3A_106, %dma_start3A_107] : memref<10240x128xf32, #tpu.memory_space<vmem_shared>> -> memref<10240x128xf32, #tpu.memory_space<vmem_shared>>
        tpu.enqueue_indirect_dma source(%arg12 : memref<128x128xf32, #tpu.memory_space<vmem>>) target(%dma_start3A_108 : memref<10240x128xf32, #tpu.memory_space<vmem_shared>>) offsets(%arg10 : memref<128xi32, #tpu.memory_space<vmem>>) semaphore(%run_scoped3A : memref<!tpu.dma_semaphore, #tpu.memory_space<semaphore_mem>>) {add = true}
        %dma_wait3A_109 = arith.constant 0 : i32
        %dma_wait3A_110 = arith.constant 0 : i32
        %dma_wait3A_111 = tpu.memref_slice %arg13[%dma_wait3A_109, %dma_wait3A_110] : memref<10240x128xf32, #tpu.memory_space<vmem_shared>> -> memref<10240x128xf32, #tpu.memory_space<vmem_shared>>
        tpu.wait_indirect_dma semaphore(%run_scoped3A : memref<!tpu.dma_semaphore, #tpu.memory_space<semaphore_mem>>) src(%arg12 : memref<128x128xf32, #tpu.memory_space<vmem>>) dst(%dma_wait3A_111 : memref<10240x128xf32, #tpu.memory_space<vmem_shared>>)
        tpu.yield
      }) : () -> ()
      %add3A_100 = arith.constant 2 : i32
      %add3A_101 = arith.addi %add3A_88, %add3A_100 : i32
      %lt3A_102 = arith.cmpi slt, %add3A_101, %select_n3A : i32
      %convert_element_type3A_103 = arith.extui %lt3A_102 : i1 to i32
      %cond3A_104 = arith.constant 0 : i32
      %cond3A_105 = arith.cmpi ne, %convert_element_type3A_103, %cond3A_104 : i32
      scf.if %cond3A_105 {
        %add3A_106 = arith.constant 2 : i32
        %add3A_107 = arith.addi %add3A_88, %add3A_106 : i32
        %mul3A_108 = arith.constant 128 : i32
        %mul3A_109 = arith.muli %add3A_107, %mul3A_108 : i32
        %add3A_110 = arith.addi %mul3A_10, %mul3A_109 : i32
        %dma_start3A_111 = tpu.memref_slice %arg3[%add3A_110] : memref<327680xi32, #tpu.memory_space<hbm>> -> memref<128xi32, #tpu.memory_space<hbm>>
        %dma_start3A_112 = tpu.memref_slice %arg3[%add3A_110] : memref<327680xi32, #tpu.memory_space<hbm>> -> memref<128xi32, #tpu.memory_space<hbm>>
        tpu.enqueue_dma source(%dma_start3A_112 : memref<128xi32, #tpu.memory_space<hbm>>) target(%arg8 : memref<128xi32, #tpu.memory_space<vmem>>) target_semaphore(%arg15 : memref<!tpu.dma_semaphore, #tpu.memory_space<semaphore_mem>>)
        %mul3A_113 = arith.constant 128 : i32
        %mul3A_114 = arith.muli %add3A_107, %mul3A_113 : i32
        %add3A_115 = arith.addi %mul3A_10, %mul3A_114 : i32
        %dma_start3A_116 = tpu.memref_slice %arg4[%add3A_115] : memref<327680xi32, #tpu.memory_space<hbm>> -> memref<128xi32, #tpu.memory_space<hbm>>
        %dma_start3A_117 = tpu.memref_slice %arg4[%add3A_115] : memref<327680xi32, #tpu.memory_space<hbm>> -> memref<128xi32, #tpu.memory_space<hbm>>
        tpu.enqueue_dma source(%dma_start3A_117 : memref<128xi32, #tpu.memory_space<hbm>>) target(%arg10 : memref<128xi32, #tpu.memory_space<vmem>>) target_semaphore(%arg17 : memref<!tpu.dma_semaphore, #tpu.memory_space<semaphore_mem>>)
      } else {
      }
    }
    %barrier3A_61 = arith.constant 0 : index
    tpu.barrier barrier_id(%barrier3A_61)
    %mul3A_62 = arith.constant 640 : i32
    %mul3A_63 = arith.muli %arg1, %mul3A_62 : i32
    %mul3A_64 = arith.constant 640 : i32
    %mul3A_65 = arith.muli %arg1, %mul3A_64 : i32
    "tpu.region"() ({
      %run_scoped3A = tpu.sem_alloc : memref<!tpu.dma_semaphore, #tpu.memory_space<semaphore_mem>>
      %dma_start3A_66 = arith.constant 0 : i32
      %dma_start3A_67 = tpu.memref_slice %arg6[%arg0, %mul3A_65, %dma_start3A_66] : memref<2x10240x128xf32, #tpu.memory_space<hbm>> -> memref<1x640x128xf32, #tpu.memory_space<hbm>>
      %dma_start3A_68 = tpu.memref_squeeze %dma_start3A_67 : memref<1x640x128xf32, #tpu.memory_space<hbm>> -> memref<640x128xf32, #tpu.memory_space<hbm>>
      %dma_start3A_69 = arith.constant 0 : i32
      %dma_start3A_70 = tpu.memref_slice %arg13[%mul3A_63, %dma_start3A_69] : memref<10240x128xf32, #tpu.memory_space<vmem_shared>> -> memref<640x128xf32, #tpu.memory_space<vmem_shared>>
      tpu.enqueue_dma source(%dma_start3A_70 : memref<640x128xf32, #tpu.memory_space<vmem_shared>>) target(%dma_start3A_68 : memref<640x128xf32, #tpu.memory_space<hbm>>) target_semaphore(%run_scoped3A : memref<!tpu.dma_semaphore, #tpu.memory_space<semaphore_mem>>)
      %dma_wait3A_71 = arith.constant 0 : i32
      %dma_wait3A_72 = tpu.memref_slice %arg6[%arg0, %mul3A_65, %dma_wait3A_71] : memref<2x10240x128xf32, #tpu.memory_space<hbm>> -> memref<1x640x128xf32, #tpu.memory_space<hbm>>
      %dma_wait3A_73 = tpu.memref_squeeze %dma_wait3A_72 : memref<1x640x128xf32, #tpu.memory_space<hbm>> -> memref<640x128xf32, #tpu.memory_space<hbm>>
      %dma_wait3A_74 = arith.constant 0 : i32
      %dma_wait3A_75 = tpu.memref_slice %arg13[%mul3A_63, %dma_wait3A_74] : memref<10240x128xf32, #tpu.memory_space<vmem_shared>> -> memref<640x128xf32, #tpu.memory_space<vmem_shared>>
      tpu.wait_dma2 semaphore(%run_scoped3A : memref<!tpu.dma_semaphore, #tpu.memory_space<semaphore_mem>>) src(%dma_wait3A_75 : memref<640x128xf32, #tpu.memory_space<vmem_shared>>) dst(%dma_wait3A_73 : memref<640x128xf32, #tpu.memory_space<hbm>>)
      tpu.yield
    }) : () -> ()
    return
  }
}

module attributes {stable_mosaic.version = 14 : i64} {
  func.func @body(%arg0: i32, %arg1: memref<1280x64xf32, #tpu.memory_space<vmem>>, %arg2: memref<1280x32xf32, #tpu.memory_space<vmem>>, %arg3: memref<1280x1xi32, #tpu.memory_space<vmem>>, %arg4: memref<1280x1xi32, #tpu.memory_space<vmem>>, %arg5: memref<1280x1xi32, #tpu.memory_space<vmem>>, %arg6: memref<1280x16xf32, #tpu.memory_space<vmem>>, %arg7: memref<1280x16xf32, #tpu.memory_space<vmem>>, %arg8: memref<2x64xf32, #tpu.memory_space<vmem>>, %arg9: memref<64x128xf32, #tpu.memory_space<vmem>>, %arg10: memref<1x128xf32, #tpu.memory_space<vmem>>, %arg11: memref<2x64xf32, #tpu.memory_space<vmem>>, %arg12: memref<64x128xf32, #tpu.memory_space<vmem>>, %arg13: memref<1x128xf32, #tpu.memory_space<vmem>>, %arg14: memref<32x128xf32, #tpu.memory_space<vmem>>, %arg15: memref<1x128xf32, #tpu.memory_space<vmem>>, %arg16: memref<128x128xf32, #tpu.memory_space<vmem>>, %arg17: memref<1280x128xf32, #tpu.memory_space<vmem>>) attributes {dimension_semantics = [#tpu.dimension_semantics<arbitrary>], iteration_bounds = array<i64: 8>, scalar_prefetch = 0 : i64, scratch_operands = 0 : i64, tpu.core_type = #tpu.core_type<tc>, window_params = [{transform_indices = @transform_0, window_bounds = array<i64: 1280, 64>}, {transform_indices = @transform_1, window_bounds = array<i64: 1280, 32>}, {transform_indices = @transform_2, window_bounds = array<i64: 1280, 1>}, {transform_indices = @transform_3, window_bounds = array<i64: 1280, 1>}, {transform_indices = @transform_4, window_bounds = array<i64: 1280, 1>}, {transform_indices = @transform_5, window_bounds = array<i64: 1280, 16>}, {transform_indices = @transform_6, window_bounds = array<i64: 1280, 16>}, {pipeline_mode = #tpu.pipeline_mode<synchronous>, transform_indices = @transform_7, window_bounds = array<i64: 2, 64>}, {pipeline_mode = #tpu.pipeline_mode<synchronous>, transform_indices = @transform_8, window_bounds = array<i64: 64, 128>}, {pipeline_mode = #tpu.pipeline_mode<synchronous>, transform_indices = @transform_9, window_bounds = array<i64: 1, 128>}, {pipeline_mode = #tpu.pipeline_mode<synchronous>, transform_indices = @transform_10, window_bounds = array<i64: 2, 64>}, {pipeline_mode = #tpu.pipeline_mode<synchronous>, transform_indices = @transform_11, window_bounds = array<i64: 64, 128>}, {pipeline_mode = #tpu.pipeline_mode<synchronous>, transform_indices = @transform_12, window_bounds = array<i64: 1, 128>}, {pipeline_mode = #tpu.pipeline_mode<synchronous>, transform_indices = @transform_13, window_bounds = array<i64: 32, 128>}, {pipeline_mode = #tpu.pipeline_mode<synchronous>, transform_indices = @transform_14, window_bounds = array<i64: 1, 128>}, {pipeline_mode = #tpu.pipeline_mode<synchronous>, transform_indices = @transform_15, window_bounds = array<i64: 128, 128>}, {transform_indices = @transform_16, window_bounds = array<i64: 1280, 128>}]} {
    %get3A = arith.constant 0 : index
    %get3A_0 = arith.constant 0 : index
    %get3A_1 = vector.load %arg1[%get3A, %get3A_0] : memref<1280x64xf32, #tpu.memory_space<vmem>>, vector<1280x64xf32>
    %get3A_2 = arith.constant 0 : index
    %get3A_3 = arith.constant 0 : index
    %get3A_4 = vector.load %arg3[%get3A_2, %get3A_3] : memref<1280x1xi32, #tpu.memory_space<vmem>>, vector<1280x1xi32>
    %eq3A = arith.constant 0 : i32
    %eq3A_5 = vector.broadcast %eq3A : i32 to vector<1280x1xi32>
    %eq3A_6 = arith.cmpi eq, %get3A_4, %eq3A_5 : vector<1280x1xi32>
    %get3A_7 = arith.constant 0 : index
    %get3A_8 = arith.constant 0 : index
    %get3A_9 = vector.load %arg8[%get3A_7, %get3A_8] : memref<2x64xf32, #tpu.memory_space<vmem>>, vector<1x64xf32>
    %get3A_10 = arith.constant 1 : index
    %get3A_11 = arith.constant 0 : index
    %get3A_12 = vector.load %arg8[%get3A_10, %get3A_11] : memref<2x64xf32, #tpu.memory_space<vmem>>, vector<1x64xf32>
    %broadcast_in_dim3A = vector.shape_cast %eq3A_6 : vector<1280x1xi1> to vector<1280x1xi1>
    %broadcast_in_dim3A_13 = vector.broadcast %broadcast_in_dim3A : vector<1280x1xi1> to vector<1280x64xi1>
    %broadcast_in_dim3A_14 = vector.shape_cast %get3A_9 : vector<1x64xf32> to vector<1x64xf32>
    %broadcast_in_dim3A_15 = vector.broadcast %broadcast_in_dim3A_14 : vector<1x64xf32> to vector<1280x64xf32>
    %broadcast_in_dim3A_16 = vector.shape_cast %get3A_12 : vector<1x64xf32> to vector<1x64xf32>
    %broadcast_in_dim3A_17 = vector.broadcast %broadcast_in_dim3A_16 : vector<1x64xf32> to vector<1280x64xf32>
    %select_n3A = arith.select %broadcast_in_dim3A_13, %broadcast_in_dim3A_15, %broadcast_in_dim3A_17 : vector<1280x64xi1>, vector<1280x64xf32>
    %add3A = arith.addf %get3A_1, %select_n3A : vector<1280x64xf32>
    %max3A = arith.constant 0.000000e+00 : f32
    %max3A_18 = vector.broadcast %max3A : f32 to vector<1280x64xf32>
    %max3A_19 = arith.maximumf %add3A, %max3A_18 : vector<1280x64xf32>
    %get3A_20 = arith.constant 0 : index
    %get3A_21 = arith.constant 0 : index
    %get3A_22 = vector.load %arg9[%get3A_20, %get3A_21] : memref<64x128xf32, #tpu.memory_space<vmem>>, vector<64x128xf32>
    %dot_general3A = arith.constant dense<0.000000e+00> : vector<1280x128xf32>
    %dot_general3A_23 = tpu.matmul %max3A_19, %get3A_22, %dot_general3A {dimension_numbers = #tpu.dot_dimension_numbers<[1], [0], [0], [1], [0, 0, 1, 1], [], []>, transpose_lhs_hint = false} : vector<1280x64xf32>, vector<64x128xf32>, vector<1280x128xf32> -> vector<1280x128xf32>
    %get3A_24 = arith.constant 0 : index
    %get3A_25 = arith.constant 0 : index
    %get3A_26 = vector.load %arg10[%get3A_24, %get3A_25] : memref<1x128xf32, #tpu.memory_space<vmem>>, vector<1x128xf32>
    %add3A_27 = vector.broadcast %get3A_26 : vector<1x128xf32> to vector<1280x128xf32>
    %add3A_28 = arith.addf %dot_general3A_23, %add3A_27 : vector<1280x128xf32>
    %get3A_29 = arith.constant 0 : index
    %get3A_30 = arith.constant 0 : index
    %get3A_31 = vector.load %arg2[%get3A_29, %get3A_30] : memref<1280x32xf32, #tpu.memory_space<vmem>>, vector<1280x32xf32>
    %max3A_32 = arith.constant 0.000000e+00 : f32
    %max3A_33 = vector.broadcast %max3A_32 : f32 to vector<1280x32xf32>
    %max3A_34 = arith.maximumf %get3A_31, %max3A_33 : vector<1280x32xf32>
    %get3A_35 = arith.constant 0 : index
    %get3A_36 = arith.constant 0 : index
    %get3A_37 = vector.load %arg14[%get3A_35, %get3A_36] : memref<32x128xf32, #tpu.memory_space<vmem>>, vector<32x128xf32>
    %dot_general3A_38 = arith.constant dense<0.000000e+00> : vector<1280x128xf32>
    %dot_general3A_39 = tpu.matmul %max3A_34, %get3A_37, %dot_general3A_38 {dimension_numbers = #tpu.dot_dimension_numbers<[1], [0], [0], [1], [0, 0, 1, 1], [], []>, transpose_lhs_hint = false} : vector<1280x32xf32>, vector<32x128xf32>, vector<1280x128xf32> -> vector<1280x128xf32>
    %get3A_40 = arith.constant 0 : index
    %get3A_41 = arith.constant 0 : index
    %get3A_42 = vector.load %arg15[%get3A_40, %get3A_41] : memref<1x128xf32, #tpu.memory_space<vmem>>, vector<1x128xf32>
    %add3A_43 = vector.broadcast %get3A_42 : vector<1x128xf32> to vector<1280x128xf32>
    %add3A_44 = arith.addf %dot_general3A_39, %add3A_43 : vector<1280x128xf32>
    %get3A_45 = arith.constant 0 : index
    %get3A_46 = arith.constant 0 : index
    %get3A_47 = vector.load %arg11[%get3A_45, %get3A_46] : memref<2x64xf32, #tpu.memory_space<vmem>>, vector<2x64xf32>
    %max3A_48 = arith.constant 0.000000e+00 : f32
    %max3A_49 = vector.broadcast %max3A_48 : f32 to vector<2x64xf32>
    %max3A_50 = arith.maximumf %get3A_47, %max3A_49 : vector<2x64xf32>
    %get3A_51 = arith.constant 0 : index
    %get3A_52 = arith.constant 0 : index
    %get3A_53 = vector.load %arg12[%get3A_51, %get3A_52] : memref<64x128xf32, #tpu.memory_space<vmem>>, vector<64x128xf32>
    %dot_general3A_54 = arith.constant dense<0.000000e+00> : vector<2x128xf32>
    %dot_general3A_55 = tpu.matmul %max3A_50, %get3A_53, %dot_general3A_54 {dimension_numbers = #tpu.dot_dimension_numbers<[1], [0], [0], [1], [0, 0, 1, 1], [], []>, transpose_lhs_hint = false} : vector<2x64xf32>, vector<64x128xf32>, vector<2x128xf32> -> vector<2x128xf32>
    %get3A_56 = arith.constant 0 : index
    %get3A_57 = arith.constant 0 : index
    %get3A_58 = vector.load %arg13[%get3A_56, %get3A_57] : memref<1x128xf32, #tpu.memory_space<vmem>>, vector<1x128xf32>
    %add3A_59 = vector.broadcast %get3A_58 : vector<1x128xf32> to vector<2x128xf32>
    %add3A_60 = arith.addf %dot_general3A_55, %add3A_59 : vector<2x128xf32>
    %logistic3A = arith.negf %add3A_60 : vector<2x128xf32>
    %logistic3A_61 = math.exp %logistic3A : vector<2x128xf32>
    %logistic3A_62 = arith.constant 1.000000e+00 : f32
    %logistic3A_63 = vector.broadcast %logistic3A_62 : f32 to vector<2x128xf32>
    %logistic3A_64 = arith.addf %logistic3A_63, %logistic3A_61 : vector<2x128xf32>
    %logistic3A_65 = arith.divf %logistic3A_63, %logistic3A_64 : vector<2x128xf32>
    %get3A_66 = arith.constant 0 : index
    %get3A_67 = arith.constant 0 : index
    %get3A_68 = vector.load %arg5[%get3A_66, %get3A_67] : memref<1280x1xi32, #tpu.memory_space<vmem>>, vector<1280x1xi32>
    %eq3A_69 = arith.constant 0 : i32
    %eq3A_70 = vector.broadcast %eq3A_69 : i32 to vector<1280x1xi32>
    %eq3A_71 = arith.cmpi eq, %get3A_68, %eq3A_70 : vector<1280x1xi32>
    %slice3A = vector.extract_strided_slice %logistic3A_65 {offsets = [0, 0], sizes = [1, 128], strides = [1, 1]} : vector<2x128xf32> to vector<1x128xf32>
    %slice3A_72 = vector.extract_strided_slice %logistic3A_65 {offsets = [1, 0], sizes = [1, 128], strides = [1, 1]} : vector<2x128xf32> to vector<1x128xf32>
    %broadcast_in_dim3A_73 = vector.shape_cast %eq3A_71 : vector<1280x1xi1> to vector<1280x1xi1>
    %broadcast_in_dim3A_74 = vector.broadcast %broadcast_in_dim3A_73 : vector<1280x1xi1> to vector<1280x128xi1>
    %broadcast_in_dim3A_75 = vector.shape_cast %slice3A : vector<1x128xf32> to vector<1x128xf32>
    %broadcast_in_dim3A_76 = vector.broadcast %broadcast_in_dim3A_75 : vector<1x128xf32> to vector<1280x128xf32>
    %broadcast_in_dim3A_77 = vector.shape_cast %slice3A_72 : vector<1x128xf32> to vector<1x128xf32>
    %broadcast_in_dim3A_78 = vector.broadcast %broadcast_in_dim3A_77 : vector<1x128xf32> to vector<1280x128xf32>
    %select_n3A_79 = arith.select %broadcast_in_dim3A_74, %broadcast_in_dim3A_76, %broadcast_in_dim3A_78 : vector<1280x128xi1>, vector<1280x128xf32>
    %get3A_80 = arith.constant 0 : index
    %get3A_81 = arith.constant 0 : index
    %get3A_82 = vector.load %arg4[%get3A_80, %get3A_81] : memref<1280x1xi32, #tpu.memory_space<vmem>>, vector<1280x1xi32>
    %eq3A_83 = arith.constant 0 : i32
    %eq3A_84 = vector.broadcast %eq3A_83 : i32 to vector<1280x1xi32>
    %eq3A_85 = arith.cmpi eq, %get3A_82, %eq3A_84 : vector<1280x1xi32>
    %broadcast_in_dim3A_86 = vector.shape_cast %eq3A_85 : vector<1280x1xi1> to vector<1280x1xi1>
    %broadcast_in_dim3A_87 = vector.broadcast %broadcast_in_dim3A_86 : vector<1280x1xi1> to vector<1280x128xi1>
    %select_n3A_88 = arith.select %broadcast_in_dim3A_87, %add3A_28, %add3A_44 : vector<1280x128xi1>, vector<1280x128xf32>
    %mul3A = arith.mulf %select_n3A_88, %select_n3A_79 : vector<1280x128xf32>
    %get3A_89 = arith.constant 0 : index
    %get3A_90 = arith.constant 0 : index
    %get3A_91 = vector.load %arg6[%get3A_89, %get3A_90] : memref<1280x16xf32, #tpu.memory_space<vmem>>, vector<1280x16xf32>
    %slice3A_92 = vector.extract_strided_slice %get3A_91 {offsets = [0, 0], sizes = [1280, 1], strides = [1, 1]} : vector<1280x16xf32> to vector<1280x1xf32>
    %get3A_93 = arith.constant 0 : index
    %get3A_94 = arith.constant 0 : index
    %get3A_95 = vector.load %arg7[%get3A_93, %get3A_94] : memref<1280x16xf32, #tpu.memory_space<vmem>>, vector<1280x16xf32>
    %slice3A_96 = vector.extract_strided_slice %get3A_95 {offsets = [0, 0], sizes = [1280, 1], strides = [1, 1]} : vector<1280x16xf32> to vector<1280x1xf32>
    %add3A_97 = arith.addf %slice3A_92, %slice3A_96 : vector<1280x1xf32>
    %add3A_98 = arith.constant 1.000000e+00 : f32
    %add3A_99 = vector.broadcast %add3A_98 : f32 to vector<1280x1xf32>
    %add3A_100 = arith.addf %add3A_97, %add3A_99 : vector<1280x1xf32>
    %rsqrt3A = math.rsqrt %add3A_100 : vector<1280x1xf32>
    %get3A_101 = arith.constant 0 : index
    %get3A_102 = arith.constant 0 : index
    %get3A_103 = vector.load %arg16[%get3A_101, %get3A_102] : memref<128x128xf32, #tpu.memory_space<vmem>>, vector<128x128xf32>
    %dot_general3A_104 = arith.constant dense<0.000000e+00> : vector<1280x128xf32>
    %dot_general3A_105 = tpu.matmul %mul3A, %get3A_103, %dot_general3A_104 {dimension_numbers = #tpu.dot_dimension_numbers<[1], [0], [0], [1], [0, 0, 1, 1], [], []>, transpose_lhs_hint = false} : vector<1280x128xf32>, vector<128x128xf32>, vector<1280x128xf32> -> vector<1280x128xf32>
    %mul3A_106 = vector.broadcast %rsqrt3A : vector<1280x1xf32> to vector<1280x128xf32>
    %mul3A_107 = arith.mulf %mul3A_106, %dot_general3A_105 : vector<1280x128xf32>
    %swap3A = arith.constant 0 : index
    %swap3A_108 = arith.constant 0 : index
    %swap3A_109 = vector.load %arg17[%swap3A, %swap3A_108] : memref<1280x128xf32, #tpu.memory_space<vmem>>, vector<1280x128xf32>
    tpu.vector_store %arg17[%swap3A, %swap3A_108], %mul3A_107 {strides = array<i32>} : memref<1280x128xf32, #tpu.memory_space<vmem>>, vector<1280x128xf32>,
    return
  }
  func.func @transform_0(%arg0: i32) -> (i32, i32) {
    %c0_i32 = arith.constant 0 : i32
    %c0_i32_0 = arith.constant 0 : i32
    return %arg0, %c0_i32 : i32, i32
  }
  func.func @transform_1(%arg0: i32) -> (i32, i32) {
    %c0_i32 = arith.constant 0 : i32
    %c0_i32_0 = arith.constant 0 : i32
    return %arg0, %c0_i32 : i32, i32
  }
  func.func @transform_2(%arg0: i32) -> (i32, i32) {
    %c0_i32 = arith.constant 0 : i32
    %c0_i32_0 = arith.constant 0 : i32
    return %arg0, %c0_i32 : i32, i32
  }
  func.func @transform_3(%arg0: i32) -> (i32, i32) {
    %c0_i32 = arith.constant 0 : i32
    %c0_i32_0 = arith.constant 0 : i32
    return %arg0, %c0_i32 : i32, i32
  }
  func.func @transform_4(%arg0: i32) -> (i32, i32) {
    %c0_i32 = arith.constant 0 : i32
    %c0_i32_0 = arith.constant 0 : i32
    return %arg0, %c0_i32 : i32, i32
  }
  func.func @transform_5(%arg0: i32) -> (i32, i32) {
    %c0_i32 = arith.constant 0 : i32
    %c0_i32_0 = arith.constant 0 : i32
    return %arg0, %c0_i32 : i32, i32
  }
  func.func @transform_6(%arg0: i32) -> (i32, i32) {
    %c0_i32 = arith.constant 0 : i32
    %c0_i32_0 = arith.constant 0 : i32
    return %arg0, %c0_i32 : i32, i32
  }
  func.func @transform_7(%arg0: i32) -> (i32, i32) {
    %c0_i32 = arith.constant 0 : i32
    %c0_i32_0 = arith.constant 0 : i32
    %c0_i32_1 = arith.constant 0 : i32
    return %c0_i32, %c0_i32_0 : i32, i32
  }
  func.func @transform_8(%arg0: i32) -> (i32, i32) {
    %c0_i32 = arith.constant 0 : i32
    %c0_i32_0 = arith.constant 0 : i32
    %c0_i32_1 = arith.constant 0 : i32
    return %c0_i32, %c0_i32_0 : i32, i32
  }
  func.func @transform_9(%arg0: i32) -> (i32, i32) {
    %c0_i32 = arith.constant 0 : i32
    %c0_i32_0 = arith.constant 0 : i32
    %c0_i32_1 = arith.constant 0 : i32
    return %c0_i32, %c0_i32_0 : i32, i32
  }
  func.func @transform_10(%arg0: i32) -> (i32, i32) {
    %c0_i32 = arith.constant 0 : i32
    %c0_i32_0 = arith.constant 0 : i32
    %c0_i32_1 = arith.constant 0 : i32
    return %c0_i32, %c0_i32_0 : i32, i32
  }
  func.func @transform_11(%arg0: i32) -> (i32, i32) {
    %c0_i32 = arith.constant 0 : i32
    %c0_i32_0 = arith.constant 0 : i32
    %c0_i32_1 = arith.constant 0 : i32
    return %c0_i32, %c0_i32_0 : i32, i32
  }
  func.func @transform_12(%arg0: i32) -> (i32, i32) {
    %c0_i32 = arith.constant 0 : i32
    %c0_i32_0 = arith.constant 0 : i32
    %c0_i32_1 = arith.constant 0 : i32
    return %c0_i32, %c0_i32_0 : i32, i32
  }
  func.func @transform_13(%arg0: i32) -> (i32, i32) {
    %c0_i32 = arith.constant 0 : i32
    %c0_i32_0 = arith.constant 0 : i32
    %c0_i32_1 = arith.constant 0 : i32
    return %c0_i32, %c0_i32_0 : i32, i32
  }
  func.func @transform_14(%arg0: i32) -> (i32, i32) {
    %c0_i32 = arith.constant 0 : i32
    %c0_i32_0 = arith.constant 0 : i32
    %c0_i32_1 = arith.constant 0 : i32
    return %c0_i32, %c0_i32_0 : i32, i32
  }
  func.func @transform_15(%arg0: i32) -> (i32, i32) {
    %c0_i32 = arith.constant 0 : i32
    %c0_i32_0 = arith.constant 0 : i32
    %c0_i32_1 = arith.constant 0 : i32
    return %c0_i32, %c0_i32_0 : i32, i32
  }
  func.func @transform_16(%arg0: i32) -> (i32, i32) {
    %c0_i32 = arith.constant 0 : i32
    %c0_i32_0 = arith.constant 0 : i32
    return %arg0, %c0_i32 : i32, i32
  }
}

module attributes {stable_mosaic.version = 14 : i64} {
  func.func @body(%arg0: i32, %arg1: memref<1280x128xf32, #tpu.memory_space<vmem>>, %arg2: memref<1280x128xf32, #tpu.memory_space<vmem>>, %arg3: memref<1280x128xf32, #tpu.memory_space<vmem>>, %arg4: memref<1280x16xf32, #tpu.memory_space<vmem>>, %arg5: memref<1280x16xf32, #tpu.memory_space<vmem>>, %arg6: memref<1x128xf32, #tpu.memory_space<vmem>>, %arg7: memref<128x64xf32, #tpu.memory_space<vmem>>, %arg8: memref<1280x64xf32, #tpu.memory_space<vmem>>) attributes {dimension_semantics = [#tpu.dimension_semantics<arbitrary>], iteration_bounds = array<i64: 8>, scalar_prefetch = 0 : i64, scratch_operands = 0 : i64, tpu.core_type = #tpu.core_type<tc>, window_params = [{transform_indices = @transform_0, window_bounds = array<i64: 1280, 128>}, {transform_indices = @transform_1, window_bounds = array<i64: 1280, 128>}, {transform_indices = @transform_2, window_bounds = array<i64: 1280, 128>}, {transform_indices = @transform_3, window_bounds = array<i64: 1280, 16>}, {transform_indices = @transform_4, window_bounds = array<i64: 1280, 16>}, {pipeline_mode = #tpu.pipeline_mode<synchronous>, transform_indices = @transform_5, window_bounds = array<i64: 1, 128>}, {pipeline_mode = #tpu.pipeline_mode<synchronous>, transform_indices = @transform_6, window_bounds = array<i64: 128, 64>}, {transform_indices = @transform_7, window_bounds = array<i64: 1280, 64>}]} {
    %get3A = arith.constant 0 : index
    %get3A_0 = arith.constant 0 : index
    %get3A_1 = vector.load %arg4[%get3A, %get3A_0] : memref<1280x16xf32, #tpu.memory_space<vmem>>, vector<1280x16xf32>
    %slice3A = vector.extract_strided_slice %get3A_1 {offsets = [0, 0], sizes = [1280, 1], strides = [1, 1]} : vector<1280x16xf32> to vector<1280x1xf32>
    %get3A_2 = arith.constant 0 : index
    %get3A_3 = arith.constant 0 : index
    %get3A_4 = vector.load %arg5[%get3A_2, %get3A_3] : memref<1280x16xf32, #tpu.memory_space<vmem>>, vector<1280x16xf32>
    %slice3A_5 = vector.extract_strided_slice %get3A_4 {offsets = [0, 0], sizes = [1280, 1], strides = [1, 1]} : vector<1280x16xf32> to vector<1280x1xf32>
    %add3A = arith.addf %slice3A, %slice3A_5 : vector<1280x1xf32>
    %add3A_6 = arith.constant 1.000000e+00 : f32
    %add3A_7 = vector.broadcast %add3A_6 : f32 to vector<1280x1xf32>
    %add3A_8 = arith.addf %add3A, %add3A_7 : vector<1280x1xf32>
    %rsqrt3A = math.rsqrt %add3A_8 : vector<1280x1xf32>
    %get3A_9 = arith.constant 0 : index
    %get3A_10 = arith.constant 0 : index
    %get3A_11 = vector.load %arg1[%get3A_9, %get3A_10] : memref<1280x128xf32, #tpu.memory_space<vmem>>, vector<1280x128xf32>
    %get3A_12 = arith.constant 0 : index
    %get3A_13 = arith.constant 0 : index
    %get3A_14 = vector.load %arg2[%get3A_12, %get3A_13] : memref<1280x128xf32, #tpu.memory_space<vmem>>, vector<1280x128xf32>
    %add3A_15 = arith.addf %get3A_11, %get3A_14 : vector<1280x128xf32>
    %get3A_16 = arith.constant 0 : index
    %get3A_17 = arith.constant 0 : index
    %get3A_18 = vector.load %arg3[%get3A_16, %get3A_17] : memref<1280x128xf32, #tpu.memory_space<vmem>>, vector<1280x128xf32>
    %add3A_19 = arith.addf %add3A_15, %get3A_18 : vector<1280x128xf32>
    %mul3A = vector.broadcast %rsqrt3A : vector<1280x1xf32> to vector<1280x128xf32>
    %mul3A_20 = arith.mulf %mul3A, %add3A_19 : vector<1280x128xf32>
    %get3A_21 = arith.constant 0 : index
    %get3A_22 = arith.constant 0 : index
    %get3A_23 = vector.load %arg6[%get3A_21, %get3A_22] : memref<1x128xf32, #tpu.memory_space<vmem>>, vector<1x128xf32>
    %add3A_24 = vector.broadcast %get3A_23 : vector<1x128xf32> to vector<1280x128xf32>
    %add3A_25 = arith.addf %mul3A_20, %add3A_24 : vector<1280x128xf32>
    %max3A = arith.constant 0.000000e+00 : f32
    %max3A_26 = vector.broadcast %max3A : f32 to vector<1280x128xf32>
    %max3A_27 = arith.maximumf %add3A_25, %max3A_26 : vector<1280x128xf32>
    %get3A_28 = arith.constant 0 : index
    %get3A_29 = arith.constant 0 : index
    %get3A_30 = vector.load %arg7[%get3A_28, %get3A_29] : memref<128x64xf32, #tpu.memory_space<vmem>>, vector<128x64xf32>
    %dot_general3A = arith.constant dense<0.000000e+00> : vector<1280x64xf32>
    %dot_general3A_31 = tpu.matmul %max3A_27, %get3A_30, %dot_general3A {dimension_numbers = #tpu.dot_dimension_numbers<[1], [0], [0], [1], [0, 0, 1, 1], [], []>, transpose_lhs_hint = false} : vector<1280x128xf32>, vector<128x64xf32>, vector<1280x64xf32> -> vector<1280x64xf32>
    %mul3A_32 = vector.broadcast %rsqrt3A : vector<1280x1xf32> to vector<1280x64xf32>
    %mul3A_33 = arith.mulf %mul3A_32, %dot_general3A_31 : vector<1280x64xf32>
    %swap3A = arith.constant 0 : index
    %swap3A_34 = arith.constant 0 : index
    %swap3A_35 = vector.load %arg8[%swap3A, %swap3A_34] : memref<1280x64xf32, #tpu.memory_space<vmem>>, vector<1280x64xf32>
    tpu.vector_store %arg8[%swap3A, %swap3A_34], %mul3A_33 {strides = array<i32>} : memref<1280x64xf32, #tpu.memory_space<vmem>>, vector<1280x64xf32>,
    return
  }
  func.func @transform_0(%arg0: i32) -> (i32, i32) {
    %c0_i32 = arith.constant 0 : i32
    %c0_i32_0 = arith.constant 0 : i32
    return %arg0, %c0_i32 : i32, i32
  }
  func.func @transform_1(%arg0: i32) -> (i32, i32) {
    %c0_i32 = arith.constant 0 : i32
    %c0_i32_0 = arith.constant 0 : i32
    return %arg0, %c0_i32 : i32, i32
  }
  func.func @transform_2(%arg0: i32) -> (i32, i32) {
    %c0_i32 = arith.constant 0 : i32
    %c0_i32_0 = arith.constant 0 : i32
    return %arg0, %c0_i32 : i32, i32
  }
  func.func @transform_3(%arg0: i32) -> (i32, i32) {
    %c0_i32 = arith.constant 0 : i32
    %c0_i32_0 = arith.constant 0 : i32
    return %arg0, %c0_i32 : i32, i32
  }
  func.func @transform_4(%arg0: i32) -> (i32, i32) {
    %c0_i32 = arith.constant 0 : i32
    %c0_i32_0 = arith.constant 0 : i32
    return %arg0, %c0_i32 : i32, i32
  }
  func.func @transform_5(%arg0: i32) -> (i32, i32) {
    %c0_i32 = arith.constant 0 : i32
    %c0_i32_0 = arith.constant 0 : i32
    %c0_i32_1 = arith.constant 0 : i32
    return %c0_i32, %c0_i32_0 : i32, i32
  }
  func.func @transform_6(%arg0: i32) -> (i32, i32) {
    %c0_i32 = arith.constant 0 : i32
    %c0_i32_0 = arith.constant 0 : i32
    %c0_i32_1 = arith.constant 0 : i32
    return %c0_i32, %c0_i32_0 : i32, i32
  }
  func.func @transform_7(%arg0: i32) -> (i32, i32) {
    %c0_i32 = arith.constant 0 : i32
    %c0_i32_0 = arith.constant 0 : i32
    return %arg0, %c0_i32 : i32, i32
  }
}

module attributes {stable_mosaic.version = 14 : i64} {
  func.func @body(%arg0: i32, %arg1: memref<1280x64xf32, #tpu.memory_space<vmem>>, %arg2: memref<1280x64xf32, #tpu.memory_space<vmem>>, %arg3: memref<1280x64xf32, #tpu.memory_space<vmem>>, %arg4: memref<1280x16xf32, #tpu.memory_space<vmem>>, %arg5: memref<1280x16xf32, #tpu.memory_space<vmem>>, %arg6: memref<1x64xf32, #tpu.memory_space<vmem>>, %arg7: memref<1280x64xf32, #tpu.memory_space<vmem>>) attributes {dimension_semantics = [#tpu.dimension_semantics<arbitrary>], iteration_bounds = array<i64: 8>, scalar_prefetch = 0 : i64, scratch_operands = 0 : i64, tpu.core_type = #tpu.core_type<tc>, window_params = [{transform_indices = @transform_0, window_bounds = array<i64: 1280, 64>}, {transform_indices = @transform_1, window_bounds = array<i64: 1280, 64>}, {transform_indices = @transform_2, window_bounds = array<i64: 1280, 64>}, {transform_indices = @transform_3, window_bounds = array<i64: 1280, 16>}, {transform_indices = @transform_4, window_bounds = array<i64: 1280, 16>}, {pipeline_mode = #tpu.pipeline_mode<synchronous>, transform_indices = @transform_5, window_bounds = array<i64: 1, 64>}, {transform_indices = @transform_6, window_bounds = array<i64: 1280, 64>}]} {
    %get3A = arith.constant 0 : index
    %get3A_0 = arith.constant 0 : index
    %get3A_1 = vector.load %arg4[%get3A, %get3A_0] : memref<1280x16xf32, #tpu.memory_space<vmem>>, vector<1280x16xf32>
    %slice3A = vector.extract_strided_slice %get3A_1 {offsets = [0, 0], sizes = [1280, 1], strides = [1, 1]} : vector<1280x16xf32> to vector<1280x1xf32>
    %get3A_2 = arith.constant 0 : index
    %get3A_3 = arith.constant 0 : index
    %get3A_4 = vector.load %arg5[%get3A_2, %get3A_3] : memref<1280x16xf32, #tpu.memory_space<vmem>>, vector<1280x16xf32>
    %slice3A_5 = vector.extract_strided_slice %get3A_4 {offsets = [0, 0], sizes = [1280, 1], strides = [1, 1]} : vector<1280x16xf32> to vector<1280x1xf32>
    %add3A = arith.addf %slice3A, %slice3A_5 : vector<1280x1xf32>
    %add3A_6 = arith.constant 1.000000e+00 : f32
    %add3A_7 = vector.broadcast %add3A_6 : f32 to vector<1280x1xf32>
    %add3A_8 = arith.addf %add3A, %add3A_7 : vector<1280x1xf32>
    %rsqrt3A = math.rsqrt %add3A_8 : vector<1280x1xf32>
    %get3A_9 = arith.constant 0 : index
    %get3A_10 = arith.constant 0 : index
    %get3A_11 = vector.load %arg1[%get3A_9, %get3A_10] : memref<1280x64xf32, #tpu.memory_space<vmem>>, vector<1280x64xf32>
    %get3A_12 = arith.constant 0 : index
    %get3A_13 = arith.constant 0 : index
    %get3A_14 = vector.load %arg2[%get3A_12, %get3A_13] : memref<1280x64xf32, #tpu.memory_space<vmem>>, vector<1280x64xf32>
    %add3A_15 = arith.addf %get3A_11, %get3A_14 : vector<1280x64xf32>
    %get3A_16 = arith.constant 0 : index
    %get3A_17 = arith.constant 0 : index
    %get3A_18 = vector.load %arg3[%get3A_16, %get3A_17] : memref<1280x64xf32, #tpu.memory_space<vmem>>, vector<1280x64xf32>
    %add3A_19 = arith.addf %add3A_15, %get3A_18 : vector<1280x64xf32>
    %mul3A = vector.broadcast %rsqrt3A : vector<1280x1xf32> to vector<1280x64xf32>
    %mul3A_20 = arith.mulf %mul3A, %add3A_19 : vector<1280x64xf32>
    %get3A_21 = arith.constant 0 : index
    %get3A_22 = arith.constant 0 : index
    %get3A_23 = vector.load %arg6[%get3A_21, %get3A_22] : memref<1x64xf32, #tpu.memory_space<vmem>>, vector<1x64xf32>
    %add3A_24 = vector.broadcast %get3A_23 : vector<1x64xf32> to vector<1280x64xf32>
    %add3A_25 = arith.addf %mul3A_20, %add3A_24 : vector<1280x64xf32>
    %swap3A = arith.constant 0 : index
    %swap3A_26 = arith.constant 0 : index
    %swap3A_27 = vector.load %arg7[%swap3A, %swap3A_26] : memref<1280x64xf32, #tpu.memory_space<vmem>>, vector<1280x64xf32>
    tpu.vector_store %arg7[%swap3A, %swap3A_26], %add3A_25 {strides = array<i32>} : memref<1280x64xf32, #tpu.memory_space<vmem>>, vector<1280x64xf32>,
    return
  }
  func.func @transform_0(%arg0: i32) -> (i32, i32) {
    %c0_i32 = arith.constant 0 : i32
    %c0_i32_0 = arith.constant 0 : i32
    return %arg0, %c0_i32 : i32, i32
  }
  func.func @transform_1(%arg0: i32) -> (i32, i32) {
    %c0_i32 = arith.constant 0 : i32
    %c0_i32_0 = arith.constant 0 : i32
    return %arg0, %c0_i32 : i32, i32
  }
  func.func @transform_2(%arg0: i32) -> (i32, i32) {
    %c0_i32 = arith.constant 0 : i32
    %c0_i32_0 = arith.constant 0 : i32
    return %arg0, %c0_i32 : i32, i32
  }
  func.func @transform_3(%arg0: i32) -> (i32, i32) {
    %c0_i32 = arith.constant 0 : i32
    %c0_i32_0 = arith.constant 0 : i32
    return %arg0, %c0_i32 : i32, i32
  }
  func.func @transform_4(%arg0: i32) -> (i32, i32) {
    %c0_i32 = arith.constant 0 : i32
    %c0_i32_0 = arith.constant 0 : i32
    return %arg0, %c0_i32 : i32, i32
  }
  func.func @transform_5(%arg0: i32) -> (i32, i32) {
    %c0_i32 = arith.constant 0 : i32
    %c0_i32_0 = arith.constant 0 : i32
    %c0_i32_1 = arith.constant 0 : i32
    return %c0_i32, %c0_i32_0 : i32, i32
  }
  func.func @transform_6(%arg0: i32) -> (i32, i32) {
    %c0_i32 = arith.constant 0 : i32
    %c0_i32_0 = arith.constant 0 : i32
    return %arg0, %c0_i32 : i32, i32
  }
}

</mosaic_0001>

<sc_bundles>
// kernel: kernel.11.cloned.1.call-start
scs
__scs_entry_jumppad:
0x0: {  	(pc) =	sbr.rel $0x88, $3  }
0x1: {  	(tag) =	ssettag $0x0;
	lr =	simm.s32 $0x1  }
0x2: {  	[smem:$0x3F90] =	sst lr;
	_ =	strace $0xD0000000  }
0x3: {  	_ = 	snop  }
0x4: {  	_ = 	snop  }
0x5: {  	_ = 	snop  }
0x6: {  	_ = 	snop  }
0x7: {  	_ = 	snop  }
__scs_overlays_trampoline_lowered:
0x8: {  	[smem:$0x3F9F] =	sst s0  }
0x9: {  	[smem:$0x3FA0] =	sst s1  }
0xa: {  	[smem:$0x3FA1] =	sst s2  }
0xb: {  	[smem:$0x3FA2] =	sst s3  }
0xc: {  	[smem:$0x3FA3] =	sst s4  }
0xd: {  	[smem:$0x3FA4] =	sst s5  }
0xe: {  	[smem:$0x3FA5] =	sst s6  }
0xf: {  	[smem:$0x3FA6] =	sst s7  }
0x10: {  	[smem:$0x3FA7] =	sst s8  }
0x11: {  	[smem:$0x3FA8] =	sst s9;
	s0 =	simm.s32 @!p0 $0x0  }
0x12: {  	s1 =	sld [smem:$0x3F8E];
	s0 =	simm.s32 @p0 $0x1  }
0x13: {  	[smem:$0x3FA9] =	sst s0;
	s0 =	simm.s32 @!p1 $0x0  }
0x14: {  	s2 =	sld [smem:$0x3F8D];
	s0 =	simm.s32 @p1 $0x1  }
0x15: {  	[smem:$0x3FAA] =	sst s0;
	s0 =	simm.s32 @!p2 $0x0  }
0x16: {  	s3 =	sld [smem:$0x3FDB];
	s0 =	simm.s32 @p2 $0x1  }
0x17: {  	s4 =	simm.s32 $0x1BF5;
	[smem:$0x3FAC] =	sst s0  }
0x18: {  	s0 =	sld [smem:$0x3F8F];
	_ =	swait.ge [sflag:s4], $0x0  }
0x19: {  	s7 =	sld [smem:$0x3F90]  }
0x1a: {  	s8 =	sadd.s32 $0xFFFFE003, lr  }
0x1b: {  	s9 =	sadd.s32 $0xFFFFFEF7, lr;
	s5 =	simm.s32 $0xFFFFFFFF;
	p2 =	slt.u32 s8, $0xFFFFF086  }
0x1c: {  	p1 =	slt.u32 s9, $0xF7A;
	s5 =	simm.s32 @!p2 $0x0  }
0x1d: {  	s5 =	simm.s32 @p1 $0x1;
	p0 =	seq.s32 s7, s2  }
0x1e: {  	s7 =	smul.u32 @!p0 $0xF7A, s2;
	p2 =	seq.s32 @!p0 s5, $0x0  }
0x1f: {  	s9 =	smul.u32 $0xF7A, s1;
	s8 =	simm.s32 @!p0 $0x1BF5;
	p2 =	por !p2, p0  }
0x20: {  	[sflag:s8] =	ssyncset.s32 @!p0 $0xFFFFF086;
	s6 =	sadd.s32 @!p0 s3, s7;
	s7 =	simm.s32 @!p0 $0x108  }
0x21: {  	s3 =	sadd.s32 s3, s9;
	s6 =	sadd.s32 @!p0 $0x88, s6;
	s7 =	simm.s32 @p2 $0x1082  }
0x22: {  	[simem:s7], [sflag:s8] =	dma.local @!p0 [hbm:s6], $0xF7A  }
0x23: {  	s9 =	sor.u32 $0xD0000000, s2;
	s6 =	simm.s32 $0x108;
	_ =	swait.ge @!p0 [sflag:s8], $0x0  }
0x24: {  	s3 =	sadd.s32 $0x88, s3;
	s6 =	simm.s32 @!p1 $0x1082;
	[sflag:s4] =	ssyncset.s32 $0xFFFFF086  }
0x25: {  	[simem:s6], [sflag:s4] =	dma.local [hbm:s3], $0xF7A  }
0x26: {  	[smem:$0x3F90] =	sst s1;
	(tag) =	ssettag s2;
	_ =	strace s9  }
0x27: {  	s1 =	sld [smem:$0x3FA0]  }
0x28: {  	s2 =	sld [smem:$0x3FA1]  }
0x29: {  	s4 =	sld [smem:$0x3FA3]  }
0x2a: {  	p0 =	seq.s32 s5, $0x0;
	s5 =	sld [smem:$0x3FA4]  }
0x2b: {  	s6 =	sld [smem:$0x3FA5]  }
0x2c: {  	s7 =	sld [smem:$0x3FA6]  }
0x2d: {  	s3 =	simm.s32 $0x108;
	s8 =	sld [smem:$0x3FA7]  }
0x2e: {  	s3 =	simm.s32 @!p0 $0x1082;
	s9 =	sld [smem:$0x3FA8]  }
0x2f: {  	lr =	sadd.s32 s0, s3;
	s0 =	sld [smem:$0x3F9F]  }
0x30: {  	s3 =	sld [smem:$0x3FA2]  }
0x31: {  	[smem:$0x3FAB] =	sst s10  }
0x32: {  	s10 =	sld [smem:$0x3FA9];
	_ =	sdelay $0x3  }
0x33: {  	p0 =	seq.s32 s10, $0x1;
	s10 =	sld [smem:$0x3FAB];
	_ =	sdelay $0x3  }
0x34: {  	[smem:$0x3FAB] =	sst s10  }
0x35: {  	s10 =	sld [smem:$0x3FAA];
	_ =	sdelay $0x3  }
0x36: {  	p1 =	seq.s32 s10, $0x1;
	s10 =	sld [smem:$0x3FAB];
	_ =	sdelay $0x3  }
0x37: {  	[smem:$0x3FAB] =	sst s10  }
0x38: {  	s10 =	sld [smem:$0x3FAC]  }
0x39: {  	_ = 	snop;
	(pc) =	sbr.ind lr, $3  }
0x3a: {  	_ = 	snop  }
0x3b: {  	_ = 	snop  }
0x3c: {  	p2 =	seq.s32 s10, $0x1;
	s10 =	sld [smem:$0x3FAB]  }
0x3d: {  	_ =	shalt  }
0x3e: {  	_ =	shalt  }
0x3f: {  	_ =	shalt  }
0x40: {  	_ =	shalt  }
0x41: {  	_ =	shalt  }
0x42: {  	_ =	shalt  }
0x43: {  	_ =	shalt  }
0x44: {  	_ =	shalt  }
0x45: {  	_ =	shalt  }
0x46: {  	_ =	shalt  }
0x47: {  	_ =	shalt  }
0x48: {  	_ =	shalt  }
0x49: {  	_ =	shalt  }
0x4a: {  	_ =	shalt  }
0x4b: {  	_ =	shalt  }
0x4c: {  	_ =	shalt  }
0x4d: {  	_ =	shalt  }
0x4e: {  	_ =	shalt  }
0x4f: {  	_ =	shalt  }
0x50: {  	_ =	shalt  }
0x51: {  	_ =	shalt  }
0x52: {  	_ =	shalt  }
0x53: {  	_ =	shalt  }
0x54: {  	_ =	shalt  }
0x55: {  	_ =	shalt  }
0x56: {  	_ =	shalt  }
0x57: {  	_ =	shalt  }
0x58: {  	_ =	shalt  }
0x59: {  	_ =	shalt  }
0x5a: {  	_ =	shalt  }
0x5b: {  	_ =	shalt  }
0x5c: {  	_ =	shalt  }
0x5d: {  	_ =	shalt  }
0x5e: {  	_ =	shalt  }
0x5f: {  	_ =	shalt  }
0x60: {  	_ =	shalt  }
0x61: {  	_ =	shalt  }
0x62: {  	_ =	shalt  }
0x63: {  	_ =	shalt  }
0x64: {  	_ =	shalt  }
0x65: {  	_ =	shalt  }
0x66: {  	_ =	shalt  }
0x67: {  	_ =	shalt  }
0x68: {  	_ =	shalt  }
0x69: {  	_ =	shalt  }
0x6a: {  	_ =	shalt  }
0x6b: {  	_ =	shalt  }
0x6c: {  	_ =	shalt  }
0x6d: {  	_ =	shalt  }
0x6e: {  	_ =	shalt  }
0x6f: {  	_ =	shalt  }
0x70: {  	_ =	shalt  }
0x71: {  	_ =	shalt  }
0x72: {  	_ =	shalt  }
0x73: {  	_ =	shalt  }
0x74: {  	_ =	shalt  }
0x75: {  	_ =	shalt  }
0x76: {  	_ =	shalt  }
0x77: {  	_ =	shalt  }
0x78: {  	_ =	shalt  }
0x79: {  	_ =	shalt  }
0x7a: {  	_ =	shalt  }
0x7b: {  	_ =	shalt  }
0x7c: {  	_ =	shalt  }
0x7d: {  	_ =	shalt  }
0x7e: {  	_ =	shalt  }
0x7f: {  	_ =	shalt  }
0x80: {  	_ =	shalt  }
0x81: {  	_ =	shalt  }
0x82: {  	_ =	shalt  }
0x83: {  	_ =	shalt  }
0x84: {  	_ =	shalt  }
0x85: {  	_ =	shalt  }
0x86: {  	_ =	shalt  }
0x87: {  	_ =	shalt  }
.Lfunc_end0:
.L_simem_size_0:
called_computation.1_lowered:
.L_overlay_start_0:
0x88: {  	s2 =	sld [smem:$0x3FD9]  }
0x89: {  	s3 =	sld [smem:$0x3FFE];
	_ =	sdelay $0x1  }
0x8a: {  	s1 =	srdreg.scid  }
0x8b: {  	s0 =	sand.u32 $0x1, s1  }
0x8c: {  	s17 =	sshll.u32 s0, $0xA;
	s2 =	sadd.s32 s3, s2  }
0x8d: {  	s2 =	sadd.s32 s2, s17  }
0x8e: {  	[smem:$0x3FB7] =	sst s2  }
0x8f: {  	_ = 	snop  }
0x90: {  	s2 =	sld [smem:$0x3FD0];
	(tm) =	ssettm $0x1  }
0x91: {  	s18 =	sld [smem:$0x3FFB];
	_ =	sdelay $0x3  }
0x92: {  	_ =	strace s18  }
0x93: {  	s3 =	sld [smem:$0x3FFC];
	_ =	sdelay $0x3  }
0x94: {  	_ =	strace s3  }
0x95: {  	s3 =	sld [smem:$0x3FFD];
	_ =	sdelay $0x3  }
0x96: {  	_ =	strace s3  }
0x97: {  	_ =	strace $0x8FFFFFFF  }
0x98: {  	s19 =	sld [smem:$0x3FDB];
	_ =	sdelay $0x1  }
0x99: {  	s4 =	simm.s32 $_scs_section_size  }
0x9a: {  	s5 =	simm.s32 $_size__tile_overlayer_lowered;
	s6 =	simm.s32 $_tile_overlayer_lowered  }
0x9b: {  	s22 =	simm.s32 $0x1BFF;
	s21 =	sshll.u32 s6, $0x1;
	s3 =	sadd.s32 s4, s19  }
0x9c: {  	s7 =	simm.s32 $0x0;
	s20 =	sshll.u32 s5, $0x1;
	s5 =	sadd.s32 s21, s3  }
0x9d: {  	[timem:s7], [sflag:s22] =	dma.local [hbm:s5], s20  }
0x9e: {  	_ =	swait.ge [sflag:s22], s20  }
0x9f: {  	s4 =	ssub.s32 $0x0, s20;
	[sflag:s22] =	ssyncset.done $0x0  }
0xa0: {  	[sflag:s22] =	ssyncadd.s32 s4;
	_ =	sdelay $0x1  }
0xa1: {  	s23 =	simm.s32 $0x1B8B  }
0xa2: {  	_ =	swait.ge [sflag:s23], $0x1  }
0xa3: {  	[sflag:s23] =	ssyncset.done $0x0  }
0xa4: {  	s25 =	simm.s32 $0x1B8E;
	s24 =	sld [smem:$0x3FFE];
	[sflag:s23] =	ssyncadd.s32 $0xFFFFFFFF  }
0xa5: {  	s26 =	simm.s32 $execute0_lowered;
	[smem:$0x3FD2] =	sst s25  }
0xa6: {  	s5 =	sshll.u32 s26, $0x1;
	_ =	strace $0x80000049;
	[dreg:$0x1] =	wrdreg $0xFFFFFFFF  }
0xa7: {  	s28 =	simm.s32 $_size_execute0_lowered;
	s3 =	sadd.s32 s3, s5;
	[dreg:$0x0] =	wrdreg $0x0  }
0xa8: {  	s5 =	sshll.u32 s28, $0x1;
	[dreg:$0x2] =	wrdreg s3  }
0xa9: {  	[dreg:$0x3] =	wrdreg s5  }
0xaa: {  	[dreg:$0x4] =	wrdreg $0xC0  }
0xab: {  	_ =	task [dreg:s7], $0x5FFFF  }
0xac: {  	[dreg:$0x1] =	wrdreg $0xFFFFFFFF  }
0xad: {  	[dreg:$0x0] =	wrdreg $0x60  }
0xae: {  	[dreg:$0x2] =	wrdreg s24  }
0xaf: {  	[dreg:$0x3] =	wrdreg s2  }
0xb0: {  	[dreg:$0x4] =	wrdreg $0x82000  }
0xb1: {  	[dreg:$0x5] =	wrdreg $0x9  }
0xb2: {  	_ =	task.clear_ibuf [dreg:s7], $0x6FFFF;
	_ =	strace $0x90000049  }
0xb3: {  	s29 =	simm.s32 $0x9;
	_ =	strace $0x8000004B  }
0xb4: {  	_ =	swait.ge [sflag:s29], $0x1  }
0xb5: {  	[sflag:s29] =	ssyncadd.s32 $0xFFFFFFFF  }
0xb6: {  	_ =	strace $0x9000004B  }
0xb7: {  	_ =	sfence  }
0xb8: {  	s30 =	sld [smem:$0x0];
	_ =	sdelay $0x2  }
0xb9: {  	s31 =	sshll.u32 s1, $0xD;
	s1 =	sshrl.u32 s1, $0x2  }
0xba: {  	s3 =	sand.u32 $0x4000, s31;
	s1 =	sadd.s32 s1, s30  }
0xbb: {  	s0 =	sor.u32 s3, s0;
	s1 =	sshll.u32 s1, $0x11  }
0xbc: {  	s0 =	sor.u32 s1, s0  }
0xbd: {  	s0 =	sadd.s32 $0x8F2B, s0  }
0xbe: {  	[sflag:s0] =	ssyncadd.remote.s32 $0x1  }
0xbf: {  	_ =	sfence.sel $0xFFFF  }
0xc0: {  	[dreg:$0x0] =	wrdreg $0xFFFFFFFF;
	(pc) =	sbr.abs _section_cstart, $3  }
0xc1: {  	[dreg:$0x1] =	wrdreg $0xFFFFFFFF  }
0xc2: {  	_ =	task.clear_ibuf [dreg:s7], $0x2FFFF;
	_ =	strace $0x9FFFFFFF  }
0xc3: {  	(tm) =	ssettm $0x7FFFFFFF  }
tec
execute0_lowered:
.L_overlay_start_1:
0x0: {  	(tag) =	ssettag $0x1  }
0x1: {  	s0 =	rddreg [dreg:$0x0]  }
0x2: {  	s1 =	rddreg [dreg:$0x1]  }
0x3: {  	s2 =	rddreg [dreg:$0x2]  }
0x4: {  	s13 =	stileid.u32;
	s4 =	srdreg.scid  }
0x5: {  	s3 =	simm.s32 $0x0;
	s15 =	simm.s32 $0x100;
	s16 =	simm.s32 $0x80  }
0x6: {  	s17 =	simm.s32 $0x180;
	s19 =	simm.s32 $0x7;
	s20 =	simm.s32 $0x1  }
0x7: {  	s21 =	simm.s32 $0x200;
	s22 =	simm.s32 $0x5;
	s23 =	simm.s32 $0x3  }
0x8: {  	s8 =	smul.u32 $0x14000, s13;
	s5 =	sand.u32 $0x1, s4;
	[smem:$0x7FF] =	sst s3  }
0x9: {  	s4 =	sadd.s32 $0x2200, s0;
	s9 =	sadd.s32 $0x81000, s0;
	s24 =	sshll.u32 s13, $0x4  }
0xa: {  	s29 =	sshll.u32 s13, $0x6;
	s6 =	smul.u32 $0x140000, s5;
	_ =	strace $0x8000004A  }
0xb: {  	s11 =	ssub.s32 $0x2, s5;
	p0 =	seq.s32 s5, $0x0;
	s5 =	simm.s32 $0x90  }
0xc: {  	s7 =	sshrl.u32 s8, $0x3;
	s12 =	sshrl.u32 s11, $0x1;
	s5 =	simm.s32 @!p0 $0x10  }
0xd: {  	s26 =	sadd.s32 s8, s2;
	s6 =	sadd.s32 s8, s6;
	s10 =	sadd.s32 s7, s0  }
0xe: {  	s7 =	sor.u32 $0x900, s24;
	s14 =	ssub.s32 s11, s12;
	s6 =	sshrl.u32 s6, $0x3  }
0xf: {  	s30 =	sshll.u32 s5, $0x4;
	s0 =	sadd.s32 s6, s0;
	s6 =	smul.u32 $0x90, s13  }
0x10: {  	s12 =	sadd.s32 $0xFFFFFFFF, s5;
	s18 =	sshrl.u32 s26, $0x3;
	s24 =	simm.s32 $0x4  }
0x11: {  	s26 =	simm.s32 $0x0;
	s28 =	sadd.s32 $0x2A200, s10;
	s7 =	smov.u32 @p0 s6  }
0x12: {  	s31 =	sadd.s32 $0xFFFFFFE0, s30;
	[dreg:$0x7] =	wrdreg s28;
	s25 =	sshll.u32 s7, $0x4  }
0x13: {  	s14 =	smax.u32 s14, $0x1;
	[dreg:$0x4] =	wrdreg s31;
	s11 =	sor.u32 $0x10, s25  }
0x14: {  	s13 =	sadd.s32 $0xDB000, s0;
	s6 =	sadd.s32 s9, s25;
	s9 =	sadd.s32 s9, s11  }
0x15: {  	s7 =	sadd.s32 s1, s25;
	s1 =	sadd.s32 s1, s11;
	[dreg:$0x5] =	wrdreg s9  }
0x16: {  	s25 =	simm.s32 $0x4200;
	s11 =	sor.u32 $0x1C07, s29;
	[dreg:$0x6] =	wrdreg s1  }
.LBB2_1:
0x17: {  	[tilespmem:s3], [sflag:$0x1] =	stream.linear.gather [hbm4b:s6+s3], $0x80, $0x38;
	[tilespmem:$0x1C200] =	vst v63  }
0x18: {  	s0 =	rddreg [dreg:$0x5]  }
0x19: {  	[tilespmem:s15], [sflag:$0x3] =	stream.linear.gather [hbm4b:s7+s3], $0x80, $0x38;
	[tilespmem:$0x1C200] =	vst v63  }
0x1a: {  	s9 =	rddreg [dreg:$0x6]  }
0x1b: {  	[tilespmem:s16], [sflag:$0x2] =	stream.linear.gather [hbm4b:s0+s3], $0x80, $0x38;
	[tilespmem:$0x1C200] =	vst v63  }
0x1c: {  	s10 =	rddreg [dreg:$0x7]  }
0x1d: {  	[tilespmem:s17], [sflag:$0x4] =	stream.linear.gather [hbm4b:s9+s3], $0x80, $0x38;
	[tilespmem:$0x1C200] =	vst v63  }
0x1e: {  	[spmem:s18], [sflag:s11] =	dma.local [hbm:s10], $0x2800  }
0x1f: {  	_ =	swait.ge [sflag:s19], $0x2800  }
0x20: {  	[sflag:s19] =	ssyncset.done $0x0  }
0x21: {  	[sflag:s19] =	ssyncadd.s32 $0xFFFFD800  }
0x22: {  	[bflag:$0x0] =	sbarrier.arrive $0xFFFF  }
0x23: {  	_ =	swait.ge [sflag:s20], $0x80  }
0x24: {  	[sflag:s20] =	ssyncset.done $0x0  }
0x25: {  	[sflag:s20] =	ssyncadd.s32 $0xFFFFFF80  }
0x26: {  	[tilespmem:s21], [sflag:$0x5] =	stream.indirect.gather [hbm4b:s4+s16], $0x80, s3, s16, $0xb8;
	[tilespmem:$0x1C200] =	vst v63  }
0x27: {  	_ =	swait.ge [sflag:s22], $0x4000  }
0x28: {  	p0 =	sle.u32 s12, $0x0;
	[sflag:s22] =	ssyncset.done $0x0  }
0x29: {  	s0 =	simm.s32 @!p0 $0x2;
	[sflag:s22] =	ssyncadd.s32 $0xFFFFC000  }
0x2a: {  	_ =	swait.ge @!p0 [sflag:s0], $0x80  }
0x2b: {  	[sflag:s0] =	ssyncset.done @!p0 $0x0  }
0x2c: {  	s1 =	simm.s32 @!p0 $0x4200;
	[sflag:s0] =	ssyncadd.s32 @!p0 $0xFFFFFF80;
	s0 =	simm.s32 @!p0 $0x80  }
0x2d: {  	[tilespmem:s1], [sflag:$0x6] =	stream.indirect.gather @!p0 [hbm4b:s4+s0], $0x80, s0, s0, $0xb8;
	[tilespmem:$0x1C200] =	vst v63  }
0x2e: {  	_ =	swait.ge [sflag:s23], $0x80  }
0x2f: {  	[sflag:s23] =	ssyncset.done $0x0  }
0x30: {  	[sflag:s23] =	ssyncadd.s32 $0xFFFFFF80  }
0x31: {  	[spmem:s2] =	stream.indirect.scatter.add.f32 [tilespmem:s21], [sflag:$0x7], $0x80, s15, s16, $0xb8;
	[tilespmem:$0x1C200] =	vst v63  }
0x32: {  	_ =	swait.ge [sflag:s19], $0x4000  }
0x33: {  	p0 =	sle.u32 s5, $0x2;
	[sflag:s19] =	ssyncset.done $0x0  }
0x34: {  	s0 =	simm.s32 @p0 $0x6;
	[sflag:s19] =	ssyncadd.s32 $0xFFFFC000  }
0x35: {  	_ =	swait.ge @p0 [sflag:s0], $0x4000  }
0x36: {  	s1 =	sadd.s32 @!p0 $0x0, s6;
	s8 =	sadd.s32 @!p0 $0x0, s7;
	[sflag:s0] =	ssyncset.done @p0 $0x0  }
0x37: {  	s1 =	sadd.s32 @!p0 $0x20, s1;
	[sflag:s0] =	ssyncadd.s32 @p0 $0xFFFFC000;
	s0 =	simm.s32 @!p0 $0x0  }
0x38: {  	[tilespmem:s0], [sflag:$0x1] =	stream.linear.gather @!p0 [hbm4b:s1+s0], $0x80, $0x38;
	[tilespmem:$0x1C200] =	vst v63  }
0x39: {  	s9 =	simm.s32 @!p0 $0x6;
	s1 =	sadd.s32 @!p0 $0x20, s8;
	s8 =	simm.s32 @!p0 $0x100  }
0x3a: {  	[tilespmem:s8], [sflag:$0x3] =	stream.linear.gather @!p0 [hbm4b:s1+s0], $0x80, $0x38;
	[tilespmem:$0x1C200] =	vst v63  }
0x3b: {  	_ =	swait.ge @!p0 [sflag:s9], $0x4000  }
0x3c: {  	[sflag:s9] =	ssyncset.done @!p0 $0x0  }
0x3d: {  	s1 =	simm.s32 @!p0 $0x1;
	[sflag:s9] =	ssyncadd.s32 @!p0 $0xFFFFC000  }
0x3e: {  	_ =	swait.ge @!p0 [sflag:s1], $0x80  }
0x3f: {  	[sflag:s1] =	ssyncset.done @!p0 $0x0  }
0x40: {  	s8 =	simm.s32 @!p0 $0x200;
	[sflag:s1] =	ssyncadd.s32 @!p0 $0xFFFFFF80;
	s1 =	simm.s32 @!p0 $0x80  }
0x41: {  	[tilespmem:s8], [sflag:$0x5] =	stream.indirect.gather @!p0 [hbm4b:s4+s1], $0x80, s0, s1, $0xb8;
	[tilespmem:$0x1C200] =	vst v63  }
0x42: {  	_ =	swait.ge [sflag:s24], $0x80  }
0x43: {  	[sflag:s24] =	ssyncset.done $0x0  }
0x44: {  	[sflag:s24] =	ssyncadd.s32 $0xFFFFFF80  }
0x45: {  	[spmem:s2] =	stream.indirect.scatter.add.f32 [tilespmem:s25], [sflag:$0x7], $0x80, s17, s16, $0xb8;
	[tilespmem:$0x1C200] =	vst v63  }
0x46: {  	_ =	swait.ge [sflag:s19], $0x4000  }
0x47: {  	s30 =	rddreg [dreg:$0x4]  }
0x48: {  	p1 =	sne.s32 s30, $0x20  }
.Ltmp0:
0x49: {  	_ = 	snop;
	(pc) =	sbr.rel @!p1 .LBB2_3-.Ltmp0, $4  }
0x4a: {  	s28 =	simm.s32 $0x20;
	s29 =	simm.s32 $0x5;
	p0 =	sle.u32 s5, $0x3  }
0x4b: {  	s31 =	simm.s32 @!p0 $0x0;
	s8 =	sadd.s32 @!p0 $0x0, s6;
	s0 =	simm.s32 @!p0 $0x80  }
0x4c: {  	s9 =	sadd.s32 @!p0 $0x0, s7;
	s1 =	simm.s32 @!p0 $0x180;
	[sflag:s19] =	ssyncset.done $0x0  }
0x4d: {  	s8 =	sadd.s32 @!p0 $0x30, s8;
	s9 =	sadd.s32 @!p0 $0x30, s9;
	[sflag:s19] =	ssyncadd.s32 $0xFFFFC000  }
.LBB2_2:
0x4e: {  	[tilespmem:s0], [sflag:$0x2] =	stream.linear.gather @!p0 [hbm4b:s8+s31], $0x80, $0x38;
	[tilespmem:$0x1C200] =	vst v63  }
0x4f: {  	_ = 	snop  }
0x50: {  	[tilespmem:s1], [sflag:$0x4] =	stream.linear.gather @!p0 [hbm4b:s9+s31], $0x80, $0x38;
	[tilespmem:$0x1C200] =	vst v63  }
0x51: {  	s9 =	sadd.s32 $0xFFFFFFFD, s29;
	_ =	swait.ge [sflag:s22], $0x4000  }
0x52: {  	p0 =	sge.u32 s9, s12;
	[sflag:s22] =	ssyncset.done $0x0  }
0x53: {  	s0 =	simm.s32 @!p0 $0x2;
	[sflag:s22] =	ssyncadd.s32 $0xFFFFC000  }
0x54: {  	_ =	swait.ge @!p0 [sflag:s0], $0x80  }
0x55: {  	[sflag:s0] =	ssyncset.done @!p0 $0x0  }
0x56: {  	s1 =	simm.s32 @!p0 $0x4200;
	[sflag:s0] =	ssyncadd.s32 @!p0 $0xFFFFFF80;
	s0 =	simm.s32 @!p0 $0x80  }
0x57: {  	[tilespmem:s1], [sflag:$0x6] =	stream.indirect.gather @!p0 [hbm4b:s4+s0], $0x80, s0, s0, $0xb8;
	[tilespmem:$0x1C200] =	vst v63  }
0x58: {  	_ =	swait.ge [sflag:s23], $0x80  }
0x59: {  	[sflag:s23] =	ssyncset.done $0x0  }
0x5a: {  	[sflag:s23] =	ssyncadd.s32 $0xFFFFFF80  }
0x5b: {  	[spmem:s2] =	stream.indirect.scatter.add.f32 [tilespmem:s21], [sflag:$0x7], $0x80, s15, s16, $0xb8;
	[tilespmem:$0x1C200] =	vst v63  }
0x5c: {  	s10 =	sadd.s32 $0xFFFFFFFF, s29;
	_ =	swait.ge [sflag:s19], $0x4000  }
0x5d: {  	p0 =	sge.u32 s10, s5;
	[sflag:s19] =	ssyncset.done $0x0  }
0x5e: {  	s0 =	simm.s32 @p0 $0x6;
	[sflag:s19] =	ssyncadd.s32 $0xFFFFC000  }
0x5f: {  	s30 =	smov.u32 s28;
	_ =	swait.ge @p0 [sflag:s0], $0x4000  }
0x60: {  	s1 =	sadd.s32 @!p0 s30, s6;
	s8 =	sadd.s32 @!p0 s30, s7;
	[sflag:s0] =	ssyncset.done @p0 $0x0  }
0x61: {  	s1 =	sadd.s32 @!p0 $0x20, s1;
	[sflag:s0] =	ssyncadd.s32 @p0 $0xFFFFC000;
	s0 =	simm.s32 @!p0 $0x0  }
0x62: {  	[tilespmem:s0], [sflag:$0x1] =	stream.linear.gather @!p0 [hbm4b:s1+s0], $0x80, $0x38;
	[tilespmem:$0x1C200] =	vst v63  }
0x63: {  	s9 =	simm.s32 @!p0 $0x6;
	s8 =	sadd.s32 @!p0 $0x20, s8;
	s1 =	simm.s32 @!p0 $0x100  }
0x64: {  	[tilespmem:s1], [sflag:$0x3] =	stream.linear.gather @!p0 [hbm4b:s8+s0], $0x80, $0x38;
	[tilespmem:$0x1C200] =	vst v63  }
0x65: {  	_ =	swait.ge @!p0 [sflag:s9], $0x4000  }
0x66: {  	[sflag:s9] =	ssyncset.done @!p0 $0x0  }
0x67: {  	s1 =	simm.s32 @!p0 $0x1;
	[sflag:s9] =	ssyncadd.s32 @!p0 $0xFFFFC000  }
0x68: {  	_ =	swait.ge @!p0 [sflag:s1], $0x80  }
0x69: {  	[sflag:s1] =	ssyncset.done @!p0 $0x0  }
0x6a: {  	s8 =	simm.s32 @!p0 $0x200;
	[sflag:s1] =	ssyncadd.s32 @!p0 $0xFFFFFF80;
	s1 =	simm.s32 @!p0 $0x80  }
0x6b: {  	[tilespmem:s8], [sflag:$0x5] =	stream.indirect.gather @!p0 [hbm4b:s4+s1], $0x80, s0, s1, $0xb8;
	[tilespmem:$0x1C200] =	vst v63  }
0x6c: {  	_ =	swait.ge [sflag:s24], $0x80  }
0x6d: {  	[sflag:s24] =	ssyncset.done $0x0  }
0x6e: {  	[sflag:s24] =	ssyncadd.s32 $0xFFFFFF80  }
0x6f: {  	[spmem:s2] =	stream.indirect.scatter.add.f32 [tilespmem:s25], [sflag:$0x7], $0x80, s17, s16, $0xb8;
	[tilespmem:$0x1C200] =	vst v63  }
0x70: {  	_ =	swait.ge [sflag:s19], $0x4000  }
0x71: {  	s28 =	sadd.s32 $0x20, s28;
	s10 =	rddreg [dreg:$0x4]  }
0x72: {  	p1 =	sne.s32 s10, s28  }
.Ltmp1:
0x73: {  	_ = 	snop;
	(pc) =	sbr.rel @p1 .LBB2_2-.Ltmp1, $4  }
0x74: {  	p0 =	sge.u32 s29, s5;
	s29 =	sadd.s32 $0x2, s29  }
0x75: {  	s31 =	simm.s32 @!p0 $0x0;
	s1 =	sadd.s32 @!p0 s30, s6;
	s0 =	simm.s32 @!p0 $0x80  }
0x76: {  	s9 =	sadd.s32 @!p0 s30, s7;
	s8 =	sadd.s32 @!p0 $0x30, s1;
	[sflag:s19] =	ssyncset.done $0x0  }
0x77: {  	s1 =	simm.s32 @!p0 $0x180;
	s9 =	sadd.s32 @!p0 $0x30, s9;
	[sflag:s19] =	ssyncadd.s32 $0xFFFFC000  }
.LBB2_3:
0x78: {  	[tilespmem:s0], [sflag:$0x2] =	stream.linear.gather @!p0 [hbm4b:s8+s31], $0x80, $0x38;
	[tilespmem:$0x1C200] =	vst v63  }
0x79: {  	_ = 	snop  }
0x7a: {  	[tilespmem:s1], [sflag:$0x4] =	stream.linear.gather @!p0 [hbm4b:s9+s31], $0x80, $0x38;
	[tilespmem:$0x1C200] =	vst v63  }
0x7b: {  	s30 =	sadd.s32 $0xFFFFFFFD, s29;
	_ =	swait.ge [sflag:s22], $0x4000  }
0x7c: {  	p0 =	sge.u32 s30, s12;
	[sflag:s22] =	ssyncset.done $0x0  }
0x7d: {  	s0 =	simm.s32 @!p0 $0x2;
	[sflag:s22] =	ssyncadd.s32 $0xFFFFC000  }
0x7e: {  	_ =	swait.ge @!p0 [sflag:s0], $0x80  }
0x7f: {  	[sflag:s0] =	ssyncset.done @!p0 $0x0  }
0x80: {  	s1 =	simm.s32 @!p0 $0x4200;
	[sflag:s0] =	ssyncadd.s32 @!p0 $0xFFFFFF80;
	s0 =	simm.s32 @!p0 $0x80  }
0x81: {  	[tilespmem:s1], [sflag:$0x6] =	stream.indirect.gather @!p0 [hbm4b:s4+s0], $0x80, s0, s0, $0xb8;
	[tilespmem:$0x1C200] =	vst v63  }
0x82: {  	_ =	swait.ge [sflag:s23], $0x80  }
0x83: {  	[sflag:s23] =	ssyncset.done $0x0  }
0x84: {  	s31 =	sadd.s32 $0xFFFFFFFF, s29;
	[sflag:s23] =	ssyncadd.s32 $0xFFFFFF80  }
0x85: {  	[spmem:s2] =	stream.indirect.scatter.add.f32 [tilespmem:s21], [sflag:$0x7], $0x80, s15, s16, $0xb8;
	[tilespmem:$0x1C200] =	vst v63  }
0x86: {  	p0 =	slt.u32 s31, s5;
	_ =	swait.ge [sflag:s19], $0x4000  }
0x87: {  	s0 =	sadd.s32 @p0 s28, s6;
	[sflag:s19] =	ssyncset.done $0x0  }
0x88: {  	s1 =	simm.s32 @p0 $0x0;
	s0 =	sadd.s32 @p0 $0x20, s0;
	[sflag:s19] =	ssyncadd.s32 $0xFFFFC000  }
0x89: {  	[tilespmem:s1], [sflag:$0x1] =	stream.linear.gather @p0 [hbm4b:s0+s1], $0x80, $0x38;
	[tilespmem:$0x1C200] =	vst v63  }
0x8a: {  	s0 =	sadd.s32 @p0 s28, s7  }
0x8b: {  	s8 =	simm.s32 @p0 $0x100;
	s0 =	sadd.s32 @p0 $0x20, s0  }
0x8c: {  	[tilespmem:s8], [sflag:$0x3] =	stream.linear.gather @p0 [hbm4b:s0+s1], $0x80, $0x38;
	[tilespmem:$0x1C200] =	vst v63  }
0x8d: {  	s0 =	simm.s32 @p0 $0x6  }
0x8e: {  	_ =	swait.ge @p0 [sflag:s0], $0x4000  }
0x8f: {  	[sflag:s0] =	ssyncset.done @p0 $0x0  }
0x90: {  	[sflag:s0] =	ssyncadd.s32 @p0 $0xFFFFC000;
	s0 =	simm.s32 @p0 $0x1  }
0x91: {  	_ =	swait.ge @p0 [sflag:s0], $0x80  }
0x92: {  	[sflag:s0] =	ssyncset.done @p0 $0x0  }
0x93: {  	s8 =	simm.s32 @p0 $0x200;
	[sflag:s0] =	ssyncadd.s32 @p0 $0xFFFFFF80;
	s0 =	simm.s32 @p0 $0x80  }
0x94: {  	[tilespmem:s8], [sflag:$0x5] =	stream.indirect.gather @p0 [hbm4b:s4+s0], $0x80, s1, s0, $0xb8;
	[tilespmem:$0x1C200] =	vst v63  }
0x95: {  	s0 =	simm.s32 @!p0 $0x6  }
0x96: {  	_ =	swait.ge @!p0 [sflag:s0], $0x4000  }
0x97: {  	[sflag:s0] =	ssyncset.done @!p0 $0x0  }
0x98: {  	[sflag:s0] =	ssyncadd.s32 @!p0 $0xFFFFC000  }
0x99: {  	_ =	swait.ge [sflag:s24], $0x80  }
0x9a: {  	[sflag:s24] =	ssyncset.done $0x0  }
0x9b: {  	[sflag:s24] =	ssyncadd.s32 $0xFFFFFF80  }
0x9c: {  	[spmem:s2] =	stream.indirect.scatter.add.f32 [tilespmem:s25], [sflag:$0x7], $0x80, s17, s16, $0xb8;
	[tilespmem:$0x1C200] =	vst v63  }
0x9d: {  	p0 =	sge.u32 s29, s5;
	_ =	swait.ge [sflag:s19], $0x4000  }
0x9e: {  	s0 =	sadd.s32 @!p0 s28, s6;
	s1 =	simm.s32 @!p0 $0x0;
	[sflag:s19] =	ssyncset.done $0x0  }
0x9f: {  	s8 =	simm.s32 @!p0 $0x80;
	s0 =	sadd.s32 @!p0 $0x30, s0;
	[sflag:s19] =	ssyncadd.s32 $0xFFFFC000  }
0xa0: {  	[tilespmem:s8], [sflag:$0x2] =	stream.linear.gather @!p0 [hbm4b:s0+s1], $0x80, $0x38;
	[tilespmem:$0x1C200] =	vst v63  }
0xa1: {  	s0 =	sadd.s32 @!p0 s28, s7  }
0xa2: {  	s26 =	sadd.s32 $0x1, s26;
	s8 =	simm.s32 @!p0 $0x180;
	s0 =	sadd.s32 @!p0 $0x30, s0  }
0xa3: {  	[tilespmem:s8], [sflag:$0x4] =	stream.linear.gather @!p0 [hbm4b:s0+s1], $0x80, $0x38;
	[tilespmem:$0x1C200] =	vst v63  }
0xa4: {  	p0 =	sne.s32 s26, s14  }
.Ltmp2:
0xa5: {  	[bflag:$0x0] =	sbarrier.arrive $0xFFFF;
	(pc) =	sbr.rel @p0 .LBB2_1-.Ltmp2, $4  }
0xa6: {  	[hbm:s13], [sflag:s11] =	dma.local [spmem:s18], $0x2800  }
0xa7: {  	_ =	swait.ge [sflag:s19], $0x2800  }
0xa8: {  	[sflag:s19] =	ssyncset.done $0x0  }
0xa9: {  	[sflag:s19] =	ssyncadd.s32 $0xFFFFD800  }
0xaa: {  	_ =	sfence.sel $0x180000  }
0xab: {  	[bflag:$0x0] =	sbarrier.arrive $0xFFFF  }
0xac: {  	_ =	strace $0x9000004A  }
0xad: {  	s0 =	stileid.u32;
	[bflag:$0x2] =	sbarrier.arrive $0xFFFF  }
0xae: {  	p0 =	sne.s32 s0, $0x0;
	s0 =	rddreg [dreg:$0x3]  }
0xaf: {  	s0 =	sadd.s32 @!p0 $0x100000, s0  }
0xb0: {  	[sflag:s0] =	ssyncadd.tile.s32 @!p0 $0x1;
	_ =	shalt  }
.Lfunc_end2:
_tile_overlayer_lowered:
.L_overlay_start_2:
0xb1: {  	(tag) =	ssettag $0x2  }
0xb2: {  	s0 =	rddreg [dreg:$0x0];
	s2 =	stileid.u32  }
0xb3: {  	s1 =	rddreg [dreg:$0x1];
	p0 =	sne.s32 s2, $0x0  }
0xb4: {  	s3 =	rddreg [dreg:$0x2];
	[bflag:$0x3] =	sbarrier.arrive $0xFFFF;
	s2 =	simm.s32 @!p0 $0x1C07  }
0xb5: {  	[timem:s3], [sflag:s2] =	dma.local @!p0 [hbm:s0], s1  }
0xb6: {  	s0 =	simm.s32 @!p0 $0x7  }
0xb7: {  	_ =	swait.ge @!p0 [sflag:s0], s1  }
0xb8: {  	s1 =	ssub.s32 @!p0 $0x0, s1;
	[sflag:s0] =	ssyncset.done @!p0 $0x0  }
0xb9: {  	[sflag:s0] =	ssyncadd.s32 @!p0 s1  }
0xba: {  	[bflag:$0x3] =	sbarrier.arrive $0xFFFF  }
0xbb: {  	_ =	shalt  }

// kernel: kernel.14.cloned.1.call-start
scs
__scs_entry_jumppad:
0x0: {  	(pc) =	sbr.rel $0x88, $3  }
0x1: {  	(tag) =	ssettag $0x0;
	lr =	simm.s32 $0x1  }
0x2: {  	[smem:$0x3F90] =	sst lr;
	_ =	strace $0xD0000000  }
0x3: {  	_ = 	snop  }
0x4: {  	_ = 	snop  }
0x5: {  	_ = 	snop  }
0x6: {  	_ = 	snop  }
0x7: {  	_ = 	snop  }
__scs_overlays_trampoline_lowered:
0x8: {  	[smem:$0x3F9F] =	sst s0  }
0x9: {  	[smem:$0x3FA0] =	sst s1  }
0xa: {  	[smem:$0x3FA1] =	sst s2  }
0xb: {  	[smem:$0x3FA2] =	sst s3  }
0xc: {  	[smem:$0x3FA3] =	sst s4  }
0xd: {  	[smem:$0x3FA4] =	sst s5  }
0xe: {  	[smem:$0x3FA5] =	sst s6  }
0xf: {  	[smem:$0x3FA6] =	sst s7  }
0x10: {  	[smem:$0x3FA7] =	sst s8  }
0x11: {  	[smem:$0x3FA8] =	sst s9;
	s0 =	simm.s32 @!p0 $0x0  }
0x12: {  	s1 =	sld [smem:$0x3F8E];
	s0 =	simm.s32 @p0 $0x1  }
0x13: {  	[smem:$0x3FA9] =	sst s0;
	s0 =	simm.s32 @!p1 $0x0  }
0x14: {  	s2 =	sld [smem:$0x3F8D];
	s0 =	simm.s32 @p1 $0x1  }
0x15: {  	[smem:$0x3FAA] =	sst s0;
	s0 =	simm.s32 @!p2 $0x0  }
0x16: {  	s3 =	sld [smem:$0x3FDB];
	s0 =	simm.s32 @p2 $0x1  }
0x17: {  	s4 =	simm.s32 $0x1BF5;
	[smem:$0x3FAC] =	sst s0  }
0x18: {  	s0 =	sld [smem:$0x3F8F];
	_ =	swait.ge [sflag:s4], $0x0  }
0x19: {  	s7 =	sld [smem:$0x3F90]  }
0x1a: {  	s8 =	sadd.s32 $0xFFFFE003, lr  }
0x1b: {  	s9 =	sadd.s32 $0xFFFFFEF7, lr;
	s5 =	simm.s32 $0xFFFFFFFF;
	p2 =	slt.u32 s8, $0xFFFFF086  }
0x1c: {  	p1 =	slt.u32 s9, $0xF7A;
	s5 =	simm.s32 @!p2 $0x0  }
0x1d: {  	s5 =	simm.s32 @p1 $0x1;
	p0 =	seq.s32 s7, s2  }
0x1e: {  	s7 =	smul.u32 @!p0 $0xF7A, s2;
	p2 =	seq.s32 @!p0 s5, $0x0  }
0x1f: {  	s9 =	smul.u32 $0xF7A, s1;
	s8 =	simm.s32 @!p0 $0x1BF5;
	p2 =	por !p2, p0  }
0x20: {  	[sflag:s8] =	ssyncset.s32 @!p0 $0xFFFFF086;
	s6 =	sadd.s32 @!p0 s3, s7;
	s7 =	simm.s32 @!p0 $0x108  }
0x21: {  	s3 =	sadd.s32 s3, s9;
	s6 =	sadd.s32 @!p0 $0x88, s6;
	s7 =	simm.s32 @p2 $0x1082  }
0x22: {  	[simem:s7], [sflag:s8] =	dma.local @!p0 [hbm:s6], $0xF7A  }
0x23: {  	s9 =	sor.u32 $0xD0000000, s2;
	s6 =	simm.s32 $0x108;
	_ =	swait.ge @!p0 [sflag:s8], $0x0  }
0x24: {  	s3 =	sadd.s32 $0x88, s3;
	s6 =	simm.s32 @!p1 $0x1082;
	[sflag:s4] =	ssyncset.s32 $0xFFFFF086  }
0x25: {  	[simem:s6], [sflag:s4] =	dma.local [hbm:s3], $0xF7A  }
0x26: {  	[smem:$0x3F90] =	sst s1;
	(tag) =	ssettag s2;
	_ =	strace s9  }
0x27: {  	s1 =	sld [smem:$0x3FA0]  }
0x28: {  	s2 =	sld [smem:$0x3FA1]  }
0x29: {  	s4 =	sld [smem:$0x3FA3]  }
0x2a: {  	p0 =	seq.s32 s5, $0x0;
	s5 =	sld [smem:$0x3FA4]  }
0x2b: {  	s6 =	sld [smem:$0x3FA5]  }
0x2c: {  	s7 =	sld [smem:$0x3FA6]  }
0x2d: {  	s3 =	simm.s32 $0x108;
	s8 =	sld [smem:$0x3FA7]  }
0x2e: {  	s3 =	simm.s32 @!p0 $0x1082;
	s9 =	sld [smem:$0x3FA8]  }
0x2f: {  	lr =	sadd.s32 s0, s3;
	s0 =	sld [smem:$0x3F9F]  }
0x30: {  	s3 =	sld [smem:$0x3FA2]  }
0x31: {  	[smem:$0x3FAB] =	sst s10  }
0x32: {  	s10 =	sld [smem:$0x3FA9];
	_ =	sdelay $0x3  }
0x33: {  	p0 =	seq.s32 s10, $0x1;
	s10 =	sld [smem:$0x3FAB];
	_ =	sdelay $0x3  }
0x34: {  	[smem:$0x3FAB] =	sst s10  }
0x35: {  	s10 =	sld [smem:$0x3FAA];
	_ =	sdelay $0x3  }
0x36: {  	p1 =	seq.s32 s10, $0x1;
	s10 =	sld [smem:$0x3FAB];
	_ =	sdelay $0x3  }
0x37: {  	[smem:$0x3FAB] =	sst s10  }
0x38: {  	s10 =	sld [smem:$0x3FAC]  }
0x39: {  	_ = 	snop;
	(pc) =	sbr.ind lr, $3  }
0x3a: {  	_ = 	snop  }
0x3b: {  	_ = 	snop  }
0x3c: {  	p2 =	seq.s32 s10, $0x1;
	s10 =	sld [smem:$0x3FAB]  }
0x3d: {  	_ =	shalt  }
0x3e: {  	_ =	shalt  }
0x3f: {  	_ =	shalt  }
0x40: {  	_ =	shalt  }
0x41: {  	_ =	shalt  }
0x42: {  	_ =	shalt  }
0x43: {  	_ =	shalt  }
0x44: {  	_ =	shalt  }
0x45: {  	_ =	shalt  }
0x46: {  	_ =	shalt  }
0x47: {  	_ =	shalt  }
0x48: {  	_ =	shalt  }
0x49: {  	_ =	shalt  }
0x4a: {  	_ =	shalt  }
0x4b: {  	_ =	shalt  }
0x4c: {  	_ =	shalt  }
0x4d: {  	_ =	shalt  }
0x4e: {  	_ =	shalt  }
0x4f: {  	_ =	shalt  }
0x50: {  	_ =	shalt  }
0x51: {  	_ =	shalt  }
0x52: {  	_ =	shalt  }
0x53: {  	_ =	shalt  }
0x54: {  	_ =	shalt  }
0x55: {  	_ =	shalt  }
0x56: {  	_ =	shalt  }
0x57: {  	_ =	shalt  }
0x58: {  	_ =	shalt  }
0x59: {  	_ =	shalt  }
0x5a: {  	_ =	shalt  }
0x5b: {  	_ =	shalt  }
0x5c: {  	_ =	shalt  }
0x5d: {  	_ =	shalt  }
0x5e: {  	_ =	shalt  }
0x5f: {  	_ =	shalt  }
0x60: {  	_ =	shalt  }
0x61: {  	_ =	shalt  }
0x62: {  	_ =	shalt  }
0x63: {  	_ =	shalt  }
0x64: {  	_ =	shalt  }
0x65: {  	_ =	shalt  }
0x66: {  	_ =	shalt  }
0x67: {  	_ =	shalt  }
0x68: {  	_ =	shalt  }
0x69: {  	_ =	shalt  }
0x6a: {  	_ =	shalt  }
0x6b: {  	_ =	shalt  }
0x6c: {  	_ =	shalt  }
0x6d: {  	_ =	shalt  }
0x6e: {  	_ =	shalt  }
0x6f: {  	_ =	shalt  }
0x70: {  	_ =	shalt  }
0x71: {  	_ =	shalt  }
0x72: {  	_ =	shalt  }
0x73: {  	_ =	shalt  }
0x74: {  	_ =	shalt  }
0x75: {  	_ =	shalt  }
0x76: {  	_ =	shalt  }
0x77: {  	_ =	shalt  }
0x78: {  	_ =	shalt  }
0x79: {  	_ =	shalt  }
0x7a: {  	_ =	shalt  }
0x7b: {  	_ =	shalt  }
0x7c: {  	_ =	shalt  }
0x7d: {  	_ =	shalt  }
0x7e: {  	_ =	shalt  }
0x7f: {  	_ =	shalt  }
0x80: {  	_ =	shalt  }
0x81: {  	_ =	shalt  }
0x82: {  	_ =	shalt  }
0x83: {  	_ =	shalt  }
0x84: {  	_ =	shalt  }
0x85: {  	_ =	shalt  }
0x86: {  	_ =	shalt  }
0x87: {  	_ =	shalt  }
.Lfunc_end0:
.L_simem_size_0:
called_computation.2_lowered:
.L_overlay_start_0:
0x88: {  	s2 =	sld [smem:$0x3FD9]  }
0x89: {  	s3 =	sld [smem:$0x3FFE];
	_ =	sdelay $0x1  }
0x8a: {  	s1 =	srdreg.scid  }
0x8b: {  	s0 =	sand.u32 $0x1, s1  }
0x8c: {  	s17 =	sshll.u32 s0, $0xA;
	s2 =	sadd.s32 s3, s2  }
0x8d: {  	s2 =	sadd.s32 s2, s17  }
0x8e: {  	[smem:$0x3FB7] =	sst s2  }
0x8f: {  	_ = 	snop  }
0x90: {  	s2 =	sld [smem:$0x3FD0];
	(tm) =	ssettm $0x1  }
0x91: {  	s18 =	sld [smem:$0x3FFB];
	_ =	sdelay $0x3  }
0x92: {  	_ =	strace s18  }
0x93: {  	s3 =	sld [smem:$0x3FFC];
	_ =	sdelay $0x3  }
0x94: {  	_ =	strace s3  }
0x95: {  	s3 =	sld [smem:$0x3FFD];
	_ =	sdelay $0x3  }
0x96: {  	_ =	strace s3  }
0x97: {  	_ =	strace $0x8FFFFFFF  }
0x98: {  	s19 =	sld [smem:$0x3FDB];
	_ =	sdelay $0x1  }
0x99: {  	s4 =	simm.s32 $_scs_section_size  }
0x9a: {  	s5 =	simm.s32 $_size__tile_overlayer_lowered;
	s6 =	simm.s32 $_tile_overlayer_lowered  }
0x9b: {  	s22 =	simm.s32 $0x1BFF;
	s21 =	sshll.u32 s6, $0x1;
	s3 =	sadd.s32 s4, s19  }
0x9c: {  	s7 =	simm.s32 $0x0;
	s20 =	sshll.u32 s5, $0x1;
	s5 =	sadd.s32 s21, s3  }
0x9d: {  	[timem:s7], [sflag:s22] =	dma.local [hbm:s5], s20  }
0x9e: {  	_ =	swait.ge [sflag:s22], s20  }
0x9f: {  	s4 =	ssub.s32 $0x0, s20;
	[sflag:s22] =	ssyncset.done $0x0  }
0xa0: {  	[sflag:s22] =	ssyncadd.s32 s4;
	_ =	sdelay $0x1  }
0xa1: {  	s23 =	simm.s32 $0x1B8B  }
0xa2: {  	_ =	swait.ge [sflag:s23], $0x1  }
0xa3: {  	[sflag:s23] =	ssyncset.done $0x0  }
0xa4: {  	s25 =	simm.s32 $0x1B8E;
	s24 =	sld [smem:$0x3FFE];
	[sflag:s23] =	ssyncadd.s32 $0xFFFFFFFF  }
0xa5: {  	s26 =	simm.s32 $execute0_lowered;
	[smem:$0x3FD2] =	sst s25  }
0xa6: {  	s5 =	sshll.u32 s26, $0x1;
	_ =	strace $0x8000004C;
	[dreg:$0x1] =	wrdreg $0xFFFFFFFF  }
0xa7: {  	s28 =	simm.s32 $_size_execute0_lowered;
	s3 =	sadd.s32 s3, s5;
	[dreg:$0x0] =	wrdreg $0x0  }
0xa8: {  	s5 =	sshll.u32 s28, $0x1;
	[dreg:$0x2] =	wrdreg s3  }
0xa9: {  	[dreg:$0x3] =	wrdreg s5  }
0xaa: {  	[dreg:$0x4] =	wrdreg $0xC0  }
0xab: {  	_ =	task [dreg:s7], $0x5FFFF  }
0xac: {  	[dreg:$0x1] =	wrdreg $0xFFFFFFFF  }
0xad: {  	[dreg:$0x0] =	wrdreg $0x60  }
0xae: {  	[dreg:$0x2] =	wrdreg s24  }
0xaf: {  	[dreg:$0x3] =	wrdreg s2  }
0xb0: {  	[dreg:$0x4] =	wrdreg $0x42000  }
0xb1: {  	[dreg:$0x5] =	wrdreg $0x9  }
0xb2: {  	_ =	task.clear_ibuf [dreg:s7], $0x6FFFF;
	_ =	strace $0x9000004C  }
0xb3: {  	s29 =	simm.s32 $0x9;
	_ =	strace $0x8000004E  }
0xb4: {  	_ =	swait.ge [sflag:s29], $0x1  }
0xb5: {  	[sflag:s29] =	ssyncadd.s32 $0xFFFFFFFF  }
0xb6: {  	_ =	strace $0x9000004E  }
0xb7: {  	_ =	sfence  }
0xb8: {  	s30 =	sld [smem:$0x0];
	_ =	sdelay $0x2  }
0xb9: {  	s31 =	sshll.u32 s1, $0xD;
	s1 =	sshrl.u32 s1, $0x2  }
0xba: {  	s3 =	sand.u32 $0x4000, s31;
	s1 =	sadd.s32 s1, s30  }
0xbb: {  	s0 =	sor.u32 s3, s0;
	s1 =	sshll.u32 s1, $0x11  }
0xbc: {  	s0 =	sor.u32 s1, s0  }
0xbd: {  	s0 =	sadd.s32 $0x8F2B, s0  }
0xbe: {  	[sflag:s0] =	ssyncadd.remote.s32 $0x1  }
0xbf: {  	_ =	sfence.sel $0xFFFF  }
0xc0: {  	[dreg:$0x0] =	wrdreg $0xFFFFFFFF;
	(pc) =	sbr.abs _section_cstart, $3  }
0xc1: {  	[dreg:$0x1] =	wrdreg $0xFFFFFFFF  }
0xc2: {  	_ =	task.clear_ibuf [dreg:s7], $0x2FFFF;
	_ =	strace $0x9FFFFFFF  }
0xc3: {  	(tm) =	ssettm $0x7FFFFFFF  }
tec
execute0_lowered:
.L_overlay_start_1:
0x0: {  	(tag) =	ssettag $0x1  }
0x1: {  	s0 =	rddreg [dreg:$0x0]  }
0x2: {  	s1 =	rddreg [dreg:$0x1]  }
0x3: {  	s2 =	rddreg [dreg:$0x2]  }
0x4: {  	s13 =	stileid.u32;
	s4 =	srdreg.scid  }
0x5: {  	s3 =	simm.s32 $0x0;
	s15 =	simm.s32 $0x100;
	s16 =	simm.s32 $0x80  }
0x6: {  	s17 =	simm.s32 $0x180;
	s19 =	simm.s32 $0x7;
	s20 =	simm.s32 $0x1  }
0x7: {  	s21 =	simm.s32 $0x200;
	s22 =	simm.s32 $0x5;
	s23 =	simm.s32 $0x3  }
0x8: {  	s8 =	smul.u32 $0xA000, s13;
	s5 =	sand.u32 $0x1, s4;
	[smem:$0x7FF] =	sst s3  }
0x9: {  	s4 =	sadd.s32 $0x2200, s0;
	s9 =	sadd.s32 $0x81000, s0;
	s24 =	sshll.u32 s13, $0x4  }
0xa: {  	s29 =	sshll.u32 s13, $0x6;
	s6 =	smul.u32 $0xA0000, s5;
	_ =	strace $0x8000004D  }
0xb: {  	s11 =	ssub.s32 $0x2, s5;
	p0 =	seq.s32 s5, $0x0;
	s5 =	simm.s32 $0x90  }
0xc: {  	s7 =	sshrl.u32 s8, $0x3;
	s12 =	sshrl.u32 s11, $0x1;
	s5 =	simm.s32 @!p0 $0x10  }
0xd: {  	s26 =	sadd.s32 s8, s2;
	s6 =	sadd.s32 s8, s6;
	s10 =	sadd.s32 s7, s0  }
0xe: {  	s7 =	sor.u32 $0x900, s24;
	s14 =	ssub.s32 s11, s12;
	s6 =	sshrl.u32 s6, $0x3  }
0xf: {  	s30 =	sshll.u32 s5, $0x4;
	s0 =	sadd.s32 s6, s0;
	s6 =	smul.u32 $0x90, s13  }
0x10: {  	s12 =	sadd.s32 $0xFFFFFFFF, s5;
	s18 =	sshrl.u32 s26, $0x3;
	s24 =	simm.s32 $0x4  }
0x11: {  	s26 =	simm.s32 $0x0;
	s28 =	sadd.s32 $0x16200, s10;
	s7 =	smov.u32 @p0 s6  }
0x12: {  	s31 =	sadd.s32 $0xFFFFFFE0, s30;
	[dreg:$0x7] =	wrdreg s28;
	s25 =	sshll.u32 s7, $0x4  }
0x13: {  	s14 =	smax.u32 s14, $0x1;
	[dreg:$0x4] =	wrdreg s31;
	s11 =	sor.u32 $0x10, s25  }
0x14: {  	s13 =	sadd.s32 $0x2A200, s0;
	s6 =	sadd.s32 s9, s25;
	s9 =	sadd.s32 s9, s11  }
0x15: {  	s7 =	sadd.s32 s1, s25;
	s1 =	sadd.s32 s1, s11;
	[dreg:$0x5] =	wrdreg s9  }
0x16: {  	s25 =	simm.s32 $0x2200;
	s11 =	sor.u32 $0x1C07, s29;
	[dreg:$0x6] =	wrdreg s1  }
.LBB2_1:
0x17: {  	[tilespmem:s3], [sflag:$0x1] =	stream.linear.gather [hbm4b:s6+s3], $0x80, $0x38;
	[tilespmem:$0xE200] =	vst v63  }
0x18: {  	s0 =	rddreg [dreg:$0x5]  }
0x19: {  	[tilespmem:s15], [sflag:$0x3] =	stream.linear.gather [hbm4b:s7+s3], $0x80, $0x38;
	[tilespmem:$0xE200] =	vst v63  }
0x1a: {  	s9 =	rddreg [dreg:$0x6]  }
0x1b: {  	[tilespmem:s16], [sflag:$0x2] =	stream.linear.gather [hbm4b:s0+s3], $0x80, $0x38;
	[tilespmem:$0xE200] =	vst v63  }
0x1c: {  	s10 =	rddreg [dreg:$0x7]  }
0x1d: {  	[tilespmem:s17], [sflag:$0x4] =	stream.linear.gather [hbm4b:s9+s3], $0x80, $0x38;
	[tilespmem:$0xE200] =	vst v63  }
0x1e: {  	[spmem:s18], [sflag:s11] =	dma.local [hbm:s10], $0x1400  }
0x1f: {  	_ =	swait.ge [sflag:s19], $0x1400  }
0x20: {  	[sflag:s19] =	ssyncset.done $0x0  }
0x21: {  	[sflag:s19] =	ssyncadd.s32 $0xFFFFEC00  }
0x22: {  	[bflag:$0x0] =	sbarrier.arrive $0xFFFF  }
0x23: {  	_ =	swait.ge [sflag:s20], $0x80  }
0x24: {  	[sflag:s20] =	ssyncset.done $0x0  }
0x25: {  	[sflag:s20] =	ssyncadd.s32 $0xFFFFFF80  }
0x26: {  	[tilespmem:s21], [sflag:$0x5] =	stream.indirect.gather [hbm4b:s4+s16], $0x40, s3, s16, $0xb8;
	[tilespmem:$0xE200] =	vst v63  }
0x27: {  	_ =	swait.ge [sflag:s22], $0x2000  }
0x28: {  	p0 =	sle.u32 s12, $0x0;
	[sflag:s22] =	ssyncset.done $0x0  }
0x29: {  	s0 =	simm.s32 @!p0 $0x2;
	[sflag:s22] =	ssyncadd.s32 $0xFFFFE000  }
0x2a: {  	_ =	swait.ge @!p0 [sflag:s0], $0x80  }
0x2b: {  	[sflag:s0] =	ssyncset.done @!p0 $0x0  }
0x2c: {  	s1 =	simm.s32 @!p0 $0x2200;
	[sflag:s0] =	ssyncadd.s32 @!p0 $0xFFFFFF80;
	s0 =	simm.s32 @!p0 $0x80  }
0x2d: {  	[tilespmem:s1], [sflag:$0x6] =	stream.indirect.gather @!p0 [hbm4b:s4+s0], $0x40, s0, s0, $0xb8;
	[tilespmem:$0xE200] =	vst v63  }
0x2e: {  	_ =	swait.ge [sflag:s23], $0x80  }
0x2f: {  	[sflag:s23] =	ssyncset.done $0x0  }
0x30: {  	[sflag:s23] =	ssyncadd.s32 $0xFFFFFF80  }
0x31: {  	[spmem:s2] =	stream.indirect.scatter.add.f32 [tilespmem:s21], [sflag:$0x7], $0x40, s15, s16, $0xb8;
	[tilespmem:$0xE200] =	vst v63  }
0x32: {  	_ =	swait.ge [sflag:s19], $0x2000  }
0x33: {  	p0 =	sle.u32 s5, $0x2;
	[sflag:s19] =	ssyncset.done $0x0  }
0x34: {  	s0 =	simm.s32 @p0 $0x6;
	[sflag:s19] =	ssyncadd.s32 $0xFFFFE000  }
0x35: {  	_ =	swait.ge @p0 [sflag:s0], $0x2000  }
0x36: {  	s1 =	sadd.s32 @!p0 $0x0, s6;
	s8 =	sadd.s32 @!p0 $0x0, s7;
	[sflag:s0] =	ssyncset.done @p0 $0x0  }
0x37: {  	s1 =	sadd.s32 @!p0 $0x20, s1;
	[sflag:s0] =	ssyncadd.s32 @p0 $0xFFFFE000;
	s0 =	simm.s32 @!p0 $0x0  }
0x38: {  	[tilespmem:s0], [sflag:$0x1] =	stream.linear.gather @!p0 [hbm4b:s1+s0], $0x80, $0x38;
	[tilespmem:$0xE200] =	vst v63  }
0x39: {  	s9 =	simm.s32 @!p0 $0x6;
	s1 =	sadd.s32 @!p0 $0x20, s8;
	s8 =	simm.s32 @!p0 $0x100  }
0x3a: {  	[tilespmem:s8], [sflag:$0x3] =	stream.linear.gather @!p0 [hbm4b:s1+s0], $0x80, $0x38;
	[tilespmem:$0xE200] =	vst v63  }
0x3b: {  	_ =	swait.ge @!p0 [sflag:s9], $0x2000  }
0x3c: {  	[sflag:s9] =	ssyncset.done @!p0 $0x0  }
0x3d: {  	s1 =	simm.s32 @!p0 $0x1;
	[sflag:s9] =	ssyncadd.s32 @!p0 $0xFFFFE000  }
0x3e: {  	_ =	swait.ge @!p0 [sflag:s1], $0x80  }
0x3f: {  	[sflag:s1] =	ssyncset.done @!p0 $0x0  }
0x40: {  	s8 =	simm.s32 @!p0 $0x200;
	[sflag:s1] =	ssyncadd.s32 @!p0 $0xFFFFFF80;
	s1 =	simm.s32 @!p0 $0x80  }
0x41: {  	[tilespmem:s8], [sflag:$0x5] =	stream.indirect.gather @!p0 [hbm4b:s4+s1], $0x40, s0, s1, $0xb8;
	[tilespmem:$0xE200] =	vst v63  }
0x42: {  	_ =	swait.ge [sflag:s24], $0x80  }
0x43: {  	[sflag:s24] =	ssyncset.done $0x0  }
0x44: {  	[sflag:s24] =	ssyncadd.s32 $0xFFFFFF80  }
0x45: {  	[spmem:s2] =	stream.indirect.scatter.add.f32 [tilespmem:s25], [sflag:$0x7], $0x40, s17, s16, $0xb8;
	[tilespmem:$0xE200] =	vst v63  }
0x46: {  	_ =	swait.ge [sflag:s19], $0x2000  }
0x47: {  	s30 =	rddreg [dreg:$0x4]  }
0x48: {  	p1 =	sne.s32 s30, $0x20  }
.Ltmp0:
0x49: {  	_ = 	snop;
	(pc) =	sbr.rel @!p1 .LBB2_3-.Ltmp0, $4  }
0x4a: {  	s28 =	simm.s32 $0x20;
	s29 =	simm.s32 $0x5;
	p0 =	sle.u32 s5, $0x3  }
0x4b: {  	s31 =	simm.s32 @!p0 $0x0;
	s8 =	sadd.s32 @!p0 $0x0, s6;
	s0 =	simm.s32 @!p0 $0x80  }
0x4c: {  	s9 =	sadd.s32 @!p0 $0x0, s7;
	s1 =	simm.s32 @!p0 $0x180;
	[sflag:s19] =	ssyncset.done $0x0  }
0x4d: {  	s8 =	sadd.s32 @!p0 $0x30, s8;
	s9 =	sadd.s32 @!p0 $0x30, s9;
	[sflag:s19] =	ssyncadd.s32 $0xFFFFE000  }
.LBB2_2:
0x4e: {  	[tilespmem:s0], [sflag:$0x2] =	stream.linear.gather @!p0 [hbm4b:s8+s31], $0x80, $0x38;
	[tilespmem:$0xE200] =	vst v63  }
0x4f: {  	_ = 	snop  }
0x50: {  	[tilespmem:s1], [sflag:$0x4] =	stream.linear.gather @!p0 [hbm4b:s9+s31], $0x80, $0x38;
	[tilespmem:$0xE200] =	vst v63  }
0x51: {  	s9 =	sadd.s32 $0xFFFFFFFD, s29;
	_ =	swait.ge [sflag:s22], $0x2000  }
0x52: {  	p0 =	sge.u32 s9, s12;
	[sflag:s22] =	ssyncset.done $0x0  }
0x53: {  	s0 =	simm.s32 @!p0 $0x2;
	[sflag:s22] =	ssyncadd.s32 $0xFFFFE000  }
0x54: {  	_ =	swait.ge @!p0 [sflag:s0], $0x80  }
0x55: {  	[sflag:s0] =	ssyncset.done @!p0 $0x0  }
0x56: {  	s1 =	simm.s32 @!p0 $0x2200;
	[sflag:s0] =	ssyncadd.s32 @!p0 $0xFFFFFF80;
	s0 =	simm.s32 @!p0 $0x80  }
0x57: {  	[tilespmem:s1], [sflag:$0x6] =	stream.indirect.gather @!p0 [hbm4b:s4+s0], $0x40, s0, s0, $0xb8;
	[tilespmem:$0xE200] =	vst v63  }
0x58: {  	_ =	swait.ge [sflag:s23], $0x80  }
0x59: {  	[sflag:s23] =	ssyncset.done $0x0  }
0x5a: {  	[sflag:s23] =	ssyncadd.s32 $0xFFFFFF80  }
0x5b: {  	[spmem:s2] =	stream.indirect.scatter.add.f32 [tilespmem:s21], [sflag:$0x7], $0x40, s15, s16, $0xb8;
	[tilespmem:$0xE200] =	vst v63  }
0x5c: {  	s10 =	sadd.s32 $0xFFFFFFFF, s29;
	_ =	swait.ge [sflag:s19], $0x2000  }
0x5d: {  	p0 =	sge.u32 s10, s5;
	[sflag:s19] =	ssyncset.done $0x0  }
0x5e: {  	s0 =	simm.s32 @p0 $0x6;
	[sflag:s19] =	ssyncadd.s32 $0xFFFFE000  }
0x5f: {  	s30 =	smov.u32 s28;
	_ =	swait.ge @p0 [sflag:s0], $0x2000  }
0x60: {  	s1 =	sadd.s32 @!p0 s30, s6;
	s8 =	sadd.s32 @!p0 s30, s7;
	[sflag:s0] =	ssyncset.done @p0 $0x0  }
0x61: {  	s1 =	sadd.s32 @!p0 $0x20, s1;
	[sflag:s0] =	ssyncadd.s32 @p0 $0xFFFFE000;
	s0 =	simm.s32 @!p0 $0x0  }
0x62: {  	[tilespmem:s0], [sflag:$0x1] =	stream.linear.gather @!p0 [hbm4b:s1+s0], $0x80, $0x38;
	[tilespmem:$0xE200] =	vst v63  }
0x63: {  	s9 =	simm.s32 @!p0 $0x6;
	s8 =	sadd.s32 @!p0 $0x20, s8;
	s1 =	simm.s32 @!p0 $0x100  }
0x64: {  	[tilespmem:s1], [sflag:$0x3] =	stream.linear.gather @!p0 [hbm4b:s8+s0], $0x80, $0x38;
	[tilespmem:$0xE200] =	vst v63  }
0x65: {  	_ =	swait.ge @!p0 [sflag:s9], $0x2000  }
0x66: {  	[sflag:s9] =	ssyncset.done @!p0 $0x0  }
0x67: {  	s1 =	simm.s32 @!p0 $0x1;
	[sflag:s9] =	ssyncadd.s32 @!p0 $0xFFFFE000  }
0x68: {  	_ =	swait.ge @!p0 [sflag:s1], $0x80  }
0x69: {  	[sflag:s1] =	ssyncset.done @!p0 $0x0  }
0x6a: {  	s8 =	simm.s32 @!p0 $0x200;
	[sflag:s1] =	ssyncadd.s32 @!p0 $0xFFFFFF80;
	s1 =	simm.s32 @!p0 $0x80  }
0x6b: {  	[tilespmem:s8], [sflag:$0x5] =	stream.indirect.gather @!p0 [hbm4b:s4+s1], $0x40, s0, s1, $0xb8;
	[tilespmem:$0xE200] =	vst v63  }
0x6c: {  	_ =	swait.ge [sflag:s24], $0x80  }
0x6d: {  	[sflag:s24] =	ssyncset.done $0x0  }
0x6e: {  	[sflag:s24] =	ssyncadd.s32 $0xFFFFFF80  }
0x6f: {  	[spmem:s2] =	stream.indirect.scatter.add.f32 [tilespmem:s25], [sflag:$0x7], $0x40, s17, s16, $0xb8;
	[tilespmem:$0xE200] =	vst v63  }
0x70: {  	_ =	swait.ge [sflag:s19], $0x2000  }
0x71: {  	s28 =	sadd.s32 $0x20, s28;
	s10 =	rddreg [dreg:$0x4]  }
0x72: {  	p1 =	sne.s32 s10, s28  }
.Ltmp1:
0x73: {  	_ = 	snop;
	(pc) =	sbr.rel @p1 .LBB2_2-.Ltmp1, $4  }
0x74: {  	p0 =	sge.u32 s29, s5;
	s29 =	sadd.s32 $0x2, s29  }
0x75: {  	s31 =	simm.s32 @!p0 $0x0;
	s1 =	sadd.s32 @!p0 s30, s6;
	s0 =	simm.s32 @!p0 $0x80  }
0x76: {  	s9 =	sadd.s32 @!p0 s30, s7;
	s8 =	sadd.s32 @!p0 $0x30, s1;
	[sflag:s19] =	ssyncset.done $0x0  }
0x77: {  	s1 =	simm.s32 @!p0 $0x180;
	s9 =	sadd.s32 @!p0 $0x30, s9;
	[sflag:s19] =	ssyncadd.s32 $0xFFFFE000  }
.LBB2_3:
0x78: {  	[tilespmem:s0], [sflag:$0x2] =	stream.linear.gather @!p0 [hbm4b:s8+s31], $0x80, $0x38;
	[tilespmem:$0xE200] =	vst v63  }
0x79: {  	_ = 	snop  }
0x7a: {  	[tilespmem:s1], [sflag:$0x4] =	stream.linear.gather @!p0 [hbm4b:s9+s31], $0x80, $0x38;
	[tilespmem:$0xE200] =	vst v63  }
0x7b: {  	s30 =	sadd.s32 $0xFFFFFFFD, s29;
	_ =	swait.ge [sflag:s22], $0x2000  }
0x7c: {  	p0 =	sge.u32 s30, s12;
	[sflag:s22] =	ssyncset.done $0x0  }
0x7d: {  	s0 =	simm.s32 @!p0 $0x2;
	[sflag:s22] =	ssyncadd.s32 $0xFFFFE000  }
0x7e: {  	_ =	swait.ge @!p0 [sflag:s0], $0x80  }
0x7f: {  	[sflag:s0] =	ssyncset.done @!p0 $0x0  }
0x80: {  	s1 =	simm.s32 @!p0 $0x2200;
	[sflag:s0] =	ssyncadd.s32 @!p0 $0xFFFFFF80;
	s0 =	simm.s32 @!p0 $0x80  }
0x81: {  	[tilespmem:s1], [sflag:$0x6] =	stream.indirect.gather @!p0 [hbm4b:s4+s0], $0x40, s0, s0, $0xb8;
	[tilespmem:$0xE200] =	vst v63  }
0x82: {  	_ =	swait.ge [sflag:s23], $0x80  }
0x83: {  	[sflag:s23] =	ssyncset.done $0x0  }
0x84: {  	s31 =	sadd.s32 $0xFFFFFFFF, s29;
	[sflag:s23] =	ssyncadd.s32 $0xFFFFFF80  }
0x85: {  	[spmem:s2] =	stream.indirect.scatter.add.f32 [tilespmem:s21], [sflag:$0x7], $0x40, s15, s16, $0xb8;
	[tilespmem:$0xE200] =	vst v63  }
0x86: {  	p0 =	slt.u32 s31, s5;
	_ =	swait.ge [sflag:s19], $0x2000  }
0x87: {  	s0 =	sadd.s32 @p0 s28, s6;
	[sflag:s19] =	ssyncset.done $0x0  }
0x88: {  	s1 =	simm.s32 @p0 $0x0;
	s0 =	sadd.s32 @p0 $0x20, s0;
	[sflag:s19] =	ssyncadd.s32 $0xFFFFE000  }
0x89: {  	[tilespmem:s1], [sflag:$0x1] =	stream.linear.gather @p0 [hbm4b:s0+s1], $0x80, $0x38;
	[tilespmem:$0xE200] =	vst v63  }
0x8a: {  	s0 =	sadd.s32 @p0 s28, s7  }
0x8b: {  	s8 =	simm.s32 @p0 $0x100;
	s0 =	sadd.s32 @p0 $0x20, s0  }
0x8c: {  	[tilespmem:s8], [sflag:$0x3] =	stream.linear.gather @p0 [hbm4b:s0+s1], $0x80, $0x38;
	[tilespmem:$0xE200] =	vst v63  }
0x8d: {  	s0 =	simm.s32 @p0 $0x6  }
0x8e: {  	_ =	swait.ge @p0 [sflag:s0], $0x2000  }
0x8f: {  	[sflag:s0] =	ssyncset.done @p0 $0x0  }
0x90: {  	[sflag:s0] =	ssyncadd.s32 @p0 $0xFFFFE000;
	s0 =	simm.s32 @p0 $0x1  }
0x91: {  	_ =	swait.ge @p0 [sflag:s0], $0x80  }
0x92: {  	[sflag:s0] =	ssyncset.done @p0 $0x0  }
0x93: {  	s8 =	simm.s32 @p0 $0x200;
	[sflag:s0] =	ssyncadd.s32 @p0 $0xFFFFFF80;
	s0 =	simm.s32 @p0 $0x80  }
0x94: {  	[tilespmem:s8], [sflag:$0x5] =	stream.indirect.gather @p0 [hbm4b:s4+s0], $0x40, s1, s0, $0xb8;
	[tilespmem:$0xE200] =	vst v63  }
0x95: {  	s0 =	simm.s32 @!p0 $0x6  }
0x96: {  	_ =	swait.ge @!p0 [sflag:s0], $0x2000  }
0x97: {  	[sflag:s0] =	ssyncset.done @!p0 $0x0  }
0x98: {  	[sflag:s0] =	ssyncadd.s32 @!p0 $0xFFFFE000  }
0x99: {  	_ =	swait.ge [sflag:s24], $0x80  }
0x9a: {  	[sflag:s24] =	ssyncset.done $0x0  }
0x9b: {  	[sflag:s24] =	ssyncadd.s32 $0xFFFFFF80  }
0x9c: {  	[spmem:s2] =	stream.indirect.scatter.add.f32 [tilespmem:s25], [sflag:$0x7], $0x40, s17, s16, $0xb8;
	[tilespmem:$0xE200] =	vst v63  }
0x9d: {  	p0 =	sge.u32 s29, s5;
	_ =	swait.ge [sflag:s19], $0x2000  }
0x9e: {  	s0 =	sadd.s32 @!p0 s28, s6;
	s1 =	simm.s32 @!p0 $0x0;
	[sflag:s19] =	ssyncset.done $0x0  }
0x9f: {  	s8 =	simm.s32 @!p0 $0x80;
	s0 =	sadd.s32 @!p0 $0x30, s0;
	[sflag:s19] =	ssyncadd.s32 $0xFFFFE000  }
0xa0: {  	[tilespmem:s8], [sflag:$0x2] =	stream.linear.gather @!p0 [hbm4b:s0+s1], $0x80, $0x38;
	[tilespmem:$0xE200] =	vst v63  }
0xa1: {  	s0 =	sadd.s32 @!p0 s28, s7  }
0xa2: {  	s26 =	sadd.s32 $0x1, s26;
	s8 =	simm.s32 @!p0 $0x180;
	s0 =	sadd.s32 @!p0 $0x30, s0  }
0xa3: {  	[tilespmem:s8], [sflag:$0x4] =	stream.linear.gather @!p0 [hbm4b:s0+s1], $0x80, $0x38;
	[tilespmem:$0xE200] =	vst v63  }
0xa4: {  	p0 =	sne.s32 s26, s14  }
.Ltmp2:
0xa5: {  	[bflag:$0x0] =	sbarrier.arrive $0xFFFF;
	(pc) =	sbr.rel @p0 .LBB2_1-.Ltmp2, $4  }
0xa6: {  	[hbm:s13], [sflag:s11] =	dma.local [spmem:s18], $0x1400  }
0xa7: {  	_ =	swait.ge [sflag:s19], $0x1400  }
0xa8: {  	[sflag:s19] =	ssyncset.done $0x0  }
0xa9: {  	[sflag:s19] =	ssyncadd.s32 $0xFFFFEC00  }
0xaa: {  	_ =	sfence.sel $0x180000  }
0xab: {  	[bflag:$0x0] =	sbarrier.arrive $0xFFFF  }
0xac: {  	_ =	strace $0x9000004D  }
0xad: {  	s0 =	stileid.u32;
	[bflag:$0x2] =	sbarrier.arrive $0xFFFF  }
0xae: {  	p0 =	sne.s32 s0, $0x0;
	s0 =	rddreg [dreg:$0x3]  }
0xaf: {  	s0 =	sadd.s32 @!p0 $0x100000, s0  }
0xb0: {  	[sflag:s0] =	ssyncadd.tile.s32 @!p0 $0x1;
	_ =	shalt  }
.Lfunc_end2:
_tile_overlayer_lowered:
.L_overlay_start_2:
0xb1: {  	(tag) =	ssettag $0x2  }
0xb2: {  	s0 =	rddreg [dreg:$0x0];
	s2 =	stileid.u32  }
0xb3: {  	s1 =	rddreg [dreg:$0x1];
	p0 =	sne.s32 s2, $0x0  }
0xb4: {  	s3 =	rddreg [dreg:$0x2];
	[bflag:$0x3] =	sbarrier.arrive $0xFFFF;
	s2 =	simm.s32 @!p0 $0x1C07  }
0xb5: {  	[timem:s3], [sflag:s2] =	dma.local @!p0 [hbm:s0], s1  }
0xb6: {  	s0 =	simm.s32 @!p0 $0x7  }
0xb7: {  	_ =	swait.ge @!p0 [sflag:s0], s1  }
0xb8: {  	s1 =	ssub.s32 @!p0 $0x0, s1;
	[sflag:s0] =	ssyncset.done @!p0 $0x0  }
0xb9: {  	[sflag:s0] =	ssyncadd.s32 @!p0 s1  }
0xba: {  	[bflag:$0x3] =	sbarrier.arrive $0xFFFF  }
0xbb: {  	_ =	shalt  }

// kernel: kernel.8.cloned.1.call-start
scs
__scs_entry_jumppad:
0x0: {  	(pc) =	sbr.rel $0x88, $3  }
0x1: {  	(tag) =	ssettag $0x0;
	lr =	simm.s32 $0x1  }
0x2: {  	[smem:$0x3F90] =	sst lr;
	_ =	strace $0xD0000000  }
0x3: {  	_ = 	snop  }
0x4: {  	_ = 	snop  }
0x5: {  	_ = 	snop  }
0x6: {  	_ = 	snop  }
0x7: {  	_ = 	snop  }
__scs_overlays_trampoline_lowered:
0x8: {  	[smem:$0x3F9F] =	sst s0  }
0x9: {  	[smem:$0x3FA0] =	sst s1  }
0xa: {  	[smem:$0x3FA1] =	sst s2  }
0xb: {  	[smem:$0x3FA2] =	sst s3  }
0xc: {  	[smem:$0x3FA3] =	sst s4  }
0xd: {  	[smem:$0x3FA4] =	sst s5  }
0xe: {  	[smem:$0x3FA5] =	sst s6  }
0xf: {  	[smem:$0x3FA6] =	sst s7  }
0x10: {  	[smem:$0x3FA7] =	sst s8  }
0x11: {  	[smem:$0x3FA8] =	sst s9;
	s0 =	simm.s32 @!p0 $0x0  }
0x12: {  	s1 =	sld [smem:$0x3F8E];
	s0 =	simm.s32 @p0 $0x1  }
0x13: {  	[smem:$0x3FA9] =	sst s0;
	s0 =	simm.s32 @!p1 $0x0  }
0x14: {  	s2 =	sld [smem:$0x3F8D];
	s0 =	simm.s32 @p1 $0x1  }
0x15: {  	[smem:$0x3FAA] =	sst s0;
	s0 =	simm.s32 @!p2 $0x0  }
0x16: {  	s3 =	sld [smem:$0x3FDB];
	s0 =	simm.s32 @p2 $0x1  }
0x17: {  	s4 =	simm.s32 $0x1BF5;
	[smem:$0x3FAC] =	sst s0  }
0x18: {  	s0 =	sld [smem:$0x3F8F];
	_ =	swait.ge [sflag:s4], $0x0  }
0x19: {  	s7 =	sld [smem:$0x3F90]  }
0x1a: {  	s8 =	sadd.s32 $0xFFFFE003, lr  }
0x1b: {  	s9 =	sadd.s32 $0xFFFFFEF7, lr;
	s5 =	simm.s32 $0xFFFFFFFF;
	p2 =	slt.u32 s8, $0xFFFFF086  }
0x1c: {  	p1 =	slt.u32 s9, $0xF7A;
	s5 =	simm.s32 @!p2 $0x0  }
0x1d: {  	s5 =	simm.s32 @p1 $0x1;
	p0 =	seq.s32 s7, s2  }
0x1e: {  	s7 =	smul.u32 @!p0 $0xF7A, s2;
	p2 =	seq.s32 @!p0 s5, $0x0  }
0x1f: {  	s9 =	smul.u32 $0xF7A, s1;
	s8 =	simm.s32 @!p0 $0x1BF5;
	p2 =	por !p2, p0  }
0x20: {  	[sflag:s8] =	ssyncset.s32 @!p0 $0xFFFFF086;
	s6 =	sadd.s32 @!p0 s3, s7;
	s7 =	simm.s32 @!p0 $0x108  }
0x21: {  	s3 =	sadd.s32 s3, s9;
	s6 =	sadd.s32 @!p0 $0x88, s6;
	s7 =	simm.s32 @p2 $0x1082  }
0x22: {  	[simem:s7], [sflag:s8] =	dma.local @!p0 [hbm:s6], $0xF7A  }
0x23: {  	s9 =	sor.u32 $0xD0000000, s2;
	s6 =	simm.s32 $0x108;
	_ =	swait.ge @!p0 [sflag:s8], $0x0  }
0x24: {  	s3 =	sadd.s32 $0x88, s3;
	s6 =	simm.s32 @!p1 $0x1082;
	[sflag:s4] =	ssyncset.s32 $0xFFFFF086  }
0x25: {  	[simem:s6], [sflag:s4] =	dma.local [hbm:s3], $0xF7A  }
0x26: {  	[smem:$0x3F90] =	sst s1;
	(tag) =	ssettag s2;
	_ =	strace s9  }
0x27: {  	s1 =	sld [smem:$0x3FA0]  }
0x28: {  	s2 =	sld [smem:$0x3FA1]  }
0x29: {  	s4 =	sld [smem:$0x3FA3]  }
0x2a: {  	p0 =	seq.s32 s5, $0x0;
	s5 =	sld [smem:$0x3FA4]  }
0x2b: {  	s6 =	sld [smem:$0x3FA5]  }
0x2c: {  	s7 =	sld [smem:$0x3FA6]  }
0x2d: {  	s3 =	simm.s32 $0x108;
	s8 =	sld [smem:$0x3FA7]  }
0x2e: {  	s3 =	simm.s32 @!p0 $0x1082;
	s9 =	sld [smem:$0x3FA8]  }
0x2f: {  	lr =	sadd.s32 s0, s3;
	s0 =	sld [smem:$0x3F9F]  }
0x30: {  	s3 =	sld [smem:$0x3FA2]  }
0x31: {  	[smem:$0x3FAB] =	sst s10  }
0x32: {  	s10 =	sld [smem:$0x3FA9];
	_ =	sdelay $0x3  }
0x33: {  	p0 =	seq.s32 s10, $0x1;
	s10 =	sld [smem:$0x3FAB];
	_ =	sdelay $0x3  }
0x34: {  	[smem:$0x3FAB] =	sst s10  }
0x35: {  	s10 =	sld [smem:$0x3FAA];
	_ =	sdelay $0x3  }
0x36: {  	p1 =	seq.s32 s10, $0x1;
	s10 =	sld [smem:$0x3FAB];
	_ =	sdelay $0x3  }
0x37: {  	[smem:$0x3FAB] =	sst s10  }
0x38: {  	s10 =	sld [smem:$0x3FAC]  }
0x39: {  	_ = 	snop;
	(pc) =	sbr.ind lr, $3  }
0x3a: {  	_ = 	snop  }
0x3b: {  	_ = 	snop  }
0x3c: {  	p2 =	seq.s32 s10, $0x1;
	s10 =	sld [smem:$0x3FAB]  }
0x3d: {  	_ =	shalt  }
0x3e: {  	_ =	shalt  }
0x3f: {  	_ =	shalt  }
0x40: {  	_ =	shalt  }
0x41: {  	_ =	shalt  }
0x42: {  	_ =	shalt  }
0x43: {  	_ =	shalt  }
0x44: {  	_ =	shalt  }
0x45: {  	_ =	shalt  }
0x46: {  	_ =	shalt  }
0x47: {  	_ =	shalt  }
0x48: {  	_ =	shalt  }
0x49: {  	_ =	shalt  }
0x4a: {  	_ =	shalt  }
0x4b: {  	_ =	shalt  }
0x4c: {  	_ =	shalt  }
0x4d: {  	_ =	shalt  }
0x4e: {  	_ =	shalt  }
0x4f: {  	_ =	shalt  }
0x50: {  	_ =	shalt  }
0x51: {  	_ =	shalt  }
0x52: {  	_ =	shalt  }
0x53: {  	_ =	shalt  }
0x54: {  	_ =	shalt  }
0x55: {  	_ =	shalt  }
0x56: {  	_ =	shalt  }
0x57: {  	_ =	shalt  }
0x58: {  	_ =	shalt  }
0x59: {  	_ =	shalt  }
0x5a: {  	_ =	shalt  }
0x5b: {  	_ =	shalt  }
0x5c: {  	_ =	shalt  }
0x5d: {  	_ =	shalt  }
0x5e: {  	_ =	shalt  }
0x5f: {  	_ =	shalt  }
0x60: {  	_ =	shalt  }
0x61: {  	_ =	shalt  }
0x62: {  	_ =	shalt  }
0x63: {  	_ =	shalt  }
0x64: {  	_ =	shalt  }
0x65: {  	_ =	shalt  }
0x66: {  	_ =	shalt  }
0x67: {  	_ =	shalt  }
0x68: {  	_ =	shalt  }
0x69: {  	_ =	shalt  }
0x6a: {  	_ =	shalt  }
0x6b: {  	_ =	shalt  }
0x6c: {  	_ =	shalt  }
0x6d: {  	_ =	shalt  }
0x6e: {  	_ =	shalt  }
0x6f: {  	_ =	shalt  }
0x70: {  	_ =	shalt  }
0x71: {  	_ =	shalt  }
0x72: {  	_ =	shalt  }
0x73: {  	_ =	shalt  }
0x74: {  	_ =	shalt  }
0x75: {  	_ =	shalt  }
0x76: {  	_ =	shalt  }
0x77: {  	_ =	shalt  }
0x78: {  	_ =	shalt  }
0x79: {  	_ =	shalt  }
0x7a: {  	_ =	shalt  }
0x7b: {  	_ =	shalt  }
0x7c: {  	_ =	shalt  }
0x7d: {  	_ =	shalt  }
0x7e: {  	_ =	shalt  }
0x7f: {  	_ =	shalt  }
0x80: {  	_ =	shalt  }
0x81: {  	_ =	shalt  }
0x82: {  	_ =	shalt  }
0x83: {  	_ =	shalt  }
0x84: {  	_ =	shalt  }
0x85: {  	_ =	shalt  }
0x86: {  	_ =	shalt  }
0x87: {  	_ =	shalt  }
.Lfunc_end0:
.L_simem_size_0:
called_computation_lowered:
.L_overlay_start_0:
0x88: {  	s2 =	sld [smem:$0x3FD9]  }
0x89: {  	s3 =	sld [smem:$0x3FFE];
	_ =	sdelay $0x1  }
0x8a: {  	s1 =	srdreg.scid  }
0x8b: {  	s0 =	sand.u32 $0x1, s1  }
0x8c: {  	s17 =	sshll.u32 s0, $0xA;
	s2 =	sadd.s32 s3, s2  }
0x8d: {  	s2 =	sadd.s32 s2, s17  }
0x8e: {  	[smem:$0x3FB7] =	sst s2  }
0x8f: {  	_ = 	snop  }
0x90: {  	s2 =	sld [smem:$0x3FD0];
	(tm) =	ssettm $0x1  }
0x91: {  	s18 =	sld [smem:$0x3FFB];
	_ =	sdelay $0x3  }
0x92: {  	_ =	strace s18  }
0x93: {  	s3 =	sld [smem:$0x3FFC];
	_ =	sdelay $0x3  }
0x94: {  	_ =	strace s3  }
0x95: {  	s3 =	sld [smem:$0x3FFD];
	_ =	sdelay $0x3  }
0x96: {  	_ =	strace s3  }
0x97: {  	_ =	strace $0x8FFFFFFF  }
0x98: {  	s19 =	sld [smem:$0x3FDB];
	_ =	sdelay $0x1  }
0x99: {  	s4 =	simm.s32 $_scs_section_size  }
0x9a: {  	s5 =	simm.s32 $_size__tile_overlayer_lowered;
	s6 =	simm.s32 $_tile_overlayer_lowered  }
0x9b: {  	s22 =	simm.s32 $0x1BFF;
	s21 =	sshll.u32 s6, $0x1;
	s3 =	sadd.s32 s4, s19  }
0x9c: {  	s7 =	simm.s32 $0x0;
	s20 =	sshll.u32 s5, $0x1;
	s5 =	sadd.s32 s21, s3  }
0x9d: {  	[timem:s7], [sflag:s22] =	dma.local [hbm:s5], s20  }
0x9e: {  	_ =	swait.ge [sflag:s22], s20  }
0x9f: {  	s4 =	ssub.s32 $0x0, s20;
	[sflag:s22] =	ssyncset.done $0x0  }
0xa0: {  	[sflag:s22] =	ssyncadd.s32 s4;
	_ =	sdelay $0x1  }
0xa1: {  	s23 =	simm.s32 $0x1B8B  }
0xa2: {  	_ =	swait.ge [sflag:s23], $0x1  }
0xa3: {  	[sflag:s23] =	ssyncset.done $0x0  }
0xa4: {  	s25 =	simm.s32 $0x1B8E;
	s24 =	sld [smem:$0x3FFE];
	[sflag:s23] =	ssyncadd.s32 $0xFFFFFFFF  }
0xa5: {  	s26 =	simm.s32 $execute0_lowered;
	[smem:$0x3FD2] =	sst s25  }
0xa6: {  	s5 =	sshll.u32 s26, $0x1;
	_ =	strace $0x80000046;
	[dreg:$0x1] =	wrdreg $0xFFFFFFFF  }
0xa7: {  	s28 =	simm.s32 $_size_execute0_lowered;
	s3 =	sadd.s32 s3, s5;
	[dreg:$0x0] =	wrdreg $0x0  }
0xa8: {  	s5 =	sshll.u32 s28, $0x1;
	[dreg:$0x2] =	wrdreg s3  }
0xa9: {  	[dreg:$0x3] =	wrdreg s5  }
0xaa: {  	[dreg:$0x4] =	wrdreg $0xC0  }
0xab: {  	_ =	task [dreg:s7], $0x5FFFF  }
0xac: {  	[dreg:$0x1] =	wrdreg $0xFFFFFFFF  }
0xad: {  	[dreg:$0x0] =	wrdreg $0x60  }
0xae: {  	[dreg:$0x2] =	wrdreg s24  }
0xaf: {  	[dreg:$0x3] =	wrdreg s2  }
0xb0: {  	[dreg:$0x4] =	wrdreg $0x24400  }
0xb1: {  	[dreg:$0x5] =	wrdreg $0x9  }
0xb2: {  	_ =	task.clear_ibuf [dreg:s7], $0x6FFFF;
	_ =	strace $0x90000046  }
0xb3: {  	s29 =	simm.s32 $0x9;
	_ =	strace $0x80000048  }
0xb4: {  	_ =	swait.ge [sflag:s29], $0x1  }
0xb5: {  	[sflag:s29] =	ssyncadd.s32 $0xFFFFFFFF  }
0xb6: {  	_ =	strace $0x90000048  }
0xb7: {  	_ =	sfence  }
0xb8: {  	s30 =	sld [smem:$0x0];
	_ =	sdelay $0x2  }
0xb9: {  	s31 =	sshll.u32 s1, $0xD;
	s1 =	sshrl.u32 s1, $0x2  }
0xba: {  	s3 =	sand.u32 $0x4000, s31;
	s1 =	sadd.s32 s1, s30  }
0xbb: {  	s0 =	sor.u32 s3, s0;
	s1 =	sshll.u32 s1, $0x11  }
0xbc: {  	s0 =	sor.u32 s1, s0  }
0xbd: {  	s0 =	sadd.s32 $0x8F2B, s0  }
0xbe: {  	[sflag:s0] =	ssyncadd.remote.s32 $0x1  }
0xbf: {  	_ =	sfence.sel $0xFFFF  }
0xc0: {  	[dreg:$0x0] =	wrdreg $0xFFFFFFFF;
	(pc) =	sbr.abs _section_cstart, $3  }
0xc1: {  	[dreg:$0x1] =	wrdreg $0xFFFFFFFF  }
0xc2: {  	_ =	task.clear_ibuf [dreg:s7], $0x2FFFF;
	_ =	strace $0x9FFFFFFF  }
0xc3: {  	(tm) =	ssettm $0x7FFFFFFF  }
tec
execute0_lowered:
.L_overlay_start_1:
0x0: {  	(tag) =	ssettag $0x1  }
0x1: {  	s0 =	srdreg.scid;
	s1 =	rddreg [dreg:$0x0]  }
0x2: {  	s16 =	stileid.u32;
	s2 =	rddreg [dreg:$0x2];
	s3 =	simm.s32 $0x0  }
0x3: {  	s31 =	simm.s32 $0x1BC0;
	s29 =	simm.s32 $0x6;
	s5 =	smul.u32 $0x140, s16  }
0x4: {  	s6 =	sand.u32 $0x1, s0;
	s0 =	rddreg [dreg:$0x1];
	s7 =	smul.u32 $0x2800, s16  }
0x5: {  	s30 =	simm.s32 $0x8;
	[smem:$0x7FF] =	sst s3;
	s4 =	smul.u32 $0x1400, s6  }
0x6: {  	s14 =	sadd.s32 $0x8E00, s1;
	s21 =	sshll.u32 s16, $0x6;
	s9 =	smul.u32 $0xA000, s6  }
0x7: {  	_ =	strace $0x80000047;
	s10 =	smul.u32 $0x5000, s6;
	s17 =	sshll.u32 s6, $0x4  }
0x8: {  	s12 =	smul.u32 $0x28000, s6;
	[dreg:$0x4] =	wrdreg s14;
	s6 =	ssub.s32 $0x2, s6  }
0x9: {  	s14 =	smul.u32 $0xA00, s16;
	s11 =	sshrl.u32 s7, $0x3;
	s13 =	sor.u32 s16, s17  }
0xa: {  	s15 =	sshrl.u32 s6, $0x1;
	s4 =	sadd.s32 s5, s4;
	s5 =	sadd.s32 $0x2E00, s1  }
0xb: {  	s11 =	sadd.s32 s11, s1;
	s13 =	smul.u32 $0x2800, s13;
	s9 =	sadd.s32 s9, s1  }
0xc: {  	s10 =	sadd.s32 s10, s1;
	s12 =	sadd.s32 s7, s12;
	s6 =	ssub.s32 s6, s15  }
0xd: {  	s7 =	sadd.s32 s7, s2;
	s4 =	sshrl.u32 s4, $0x3;
	s18 =	sshrl.u32 s12, $0x3  }
0xe: {  	[dreg:$0x7] =	wrdreg s7;
	s20 =	sadd.s32 $0x3E00, s11;
	s22 =	smax.u32 s6, $0x1  }
0xf: {  	s23 =	sor.u32 $0x580, s12;
	s24 =	sor.u32 $0x500, s12;
	s25 =	sor.u32 $0x480, s12  }
0x10: {  	s11 =	smul.u32 $0x500, s16;
	s17 =	sor.u32 $0x300, s12;
	s8 =	sadd.s32 s4, s1  }
0x11: {  	s4 =	sadd.s32 $0x189800, s1;
	s13 =	sshrl.u32 s13, $0x3;
	[dreg:$0x8] =	wrdreg s20  }
0x12: {  	s1 =	sadd.s32 s18, s1;
	s18 =	sor.u32 $0x1C0E, s21;
	[dreg:$0xb] =	wrdreg s22  }
0x13: {  	s6 =	sshrl.u32 s24, $0x3;
	s7 =	sshrl.u32 s25, $0x3;
	s20 =	sor.u32 $0x280, s12  }
0x14: {  	s21 =	sor.u32 $0x200, s12;
	s13 =	sadd.s32 s0, s13;
	s1 =	sadd.s32 $0x9000, s1  }
0x15: {  	s26 =	sadd.s32 s6, s0;
	s28 =	sadd.s32 s7, s0;
	s6 =	sor.u32 $0x400, s12  }
0x16: {  	s7 =	sor.u32 $0x380, s12;
	s16 =	sadd.s32 s11, s10;
	[dreg:$0x9] =	wrdreg s18  }
0x17: {  	s11 =	simm.s32 $0x5;
	s12 =	simm.s32 $0x1BC0;
	[dreg:$0xa] =	wrdreg s1  }
0x18: {  	s19 =	sadd.s32 $0x10, s13;
	s1 =	sshrl.u32 s23, $0x3;
	[dreg:$0xd] =	wrdreg s26  }
0x19: {  	[dreg:$0xe] =	wrdreg s28;
	s23 =	sshrl.u32 s21, $0x3;
	s24 =	sadd.s32 $0x13000, s16  }
0x1a: {  	s26 =	sadd.s32 $0x20, s13;
	[dreg:$0x5] =	wrdreg s13;
	s28 =	sadd.s32 $0x30, s13  }
0x1b: {  	s21 =	simm.s32 $0x19C0;
	s13 =	simm.s32 $0xC;
	[dreg:$0x6] =	wrdreg s19  }
0x1c: {  	s16 =	simm.s32 $0x1;
	s1 =	sadd.s32 s1, s0;
	[dreg:$0x14] =	wrdreg s24  }
0x1d: {  	s19 =	sadd.s32 s14, s9;
	s9 =	sshrl.u32 s20, $0x3;
	[dreg:$0x16] =	wrdreg s26  }
0x1e: {  	s24 =	sadd.s32 $0x2800, s8;
	[dreg:$0x17] =	wrdreg s28;
	s20 =	simm.s32 $0x1940  }
0x1f: {  	s26 =	simm.s32 $0xA;
	s14 =	simm.s32 $0x9;
	[dreg:$0xc] =	wrdreg s1  }
0x20: {  	s1 =	sshrl.u32 s6, $0x3;
	s6 =	sshrl.u32 s7, $0x3;
	s22 =	sadd.s32 s9, s0  }
0x21: {  	s25 =	sadd.s32 $0x1D000, s19;
	s9 =	simm.s32 $0x80;
	s7 =	simm.s32 $0x4  }
0x22: {  	s1 =	sadd.s32 s1, s0;
	s15 =	sadd.s32 s6, s0;
	[dreg:$0x12] =	wrdreg s22  }
0x23: {  	s6 =	sshrl.u32 s17, $0x3;
	[dreg:$0x15] =	wrdreg s25;
	s25 =	sadd.s32 $0x2200, s8  }
0x24: {  	s22 =	simm.s32 $0xB;
	s17 =	simm.s32 $0x1040;
	[dreg:$0xf] =	wrdreg s1  }
0x25: {  	s8 =	simm.s32 $0x0;
	[dreg:$0x10] =	wrdreg s15;
	s6 =	sadd.s32 s6, s0  }
0x26: {  	s0 =	sadd.s32 s23, s0;
	s15 =	simm.s32 $0x40;
	[dreg:$0x11] =	wrdreg s6  }
0x27: {  	[dreg:$0x13] =	wrdreg s0;
	s0 =	simm.s32 $0xE;
	s6 =	simm.s32 $0x1C40  }
.LBB2_1:
0x28: {  	[dreg:$0x18] =	wrdreg s8  }
0x29: {  	s1 =	rddreg [dreg:$0x5]  }
0x2a: {  	s19 =	rddreg [dreg:$0x6]  }
0x2b: {  	s28 =	rddreg [dreg:$0x16]  }
0x2c: {  	s10 =	simm.s32 $0x1840;
	s8 =	rddreg [dreg:$0x17]  }
0x2d: {  	[tilespmem:s10], [sflag:$0x2] =	stream.linear.gather [hbm4b:s1+s3], $0x80, $0x38;
	[tilespmem:$0x4C40] =	vst v63  }
0x2e: {  	s23 =	simm.s32 $0x18C0;
	s10 =	rddreg [dreg:$0x7]  }
0x2f: {  	[tilespmem:s23], [sflag:$0x3] =	stream.linear.gather [hbm4b:s19+s3], $0x80, $0x38;
	[tilespmem:$0x4C40] =	vst v63  }
0x30: {  	s19 =	sshrl.u32 s10, $0x3;
	s23 =	rddreg [dreg:$0x8]  }
0x31: {  	[tilespmem:s20], [sflag:$0x4] =	stream.linear.gather [hbm4b:s28+s3], $0x80, $0x38;
	[tilespmem:$0x4C40] =	vst v63  }
0x32: {  	[dreg:$0x19] =	wrdreg s19  }
0x33: {  	[tilespmem:s21], [sflag:$0x5] =	stream.linear.gather [hbm4b:s8+s3], $0x80, $0x38;
	[tilespmem:$0x4C40] =	vst v63  }
0x34: {  	[spmem:s19], [sflag:s18] =	dma.local [hbm:s23], $0x500  }
0x35: {  	_ =	swait.ge [sflag:s0], $0x500  }
0x36: {  	[sflag:s0] =	ssyncset.done $0x0  }
0x37: {  	s28 =	rddreg [dreg:$0x4];
	[sflag:s0] =	ssyncadd.s32 $0xFFFFFB00  }
0x38: {  	[tilespmem:s6], [sflag:$0xE] =	stream.linear.gather [hbm4b:s28+s3], $0x800, $0x38;
	[tilespmem:$0x4C40] =	vst v63  }
0x39: {  	_ =	swait.ge [sflag:s0], $0x800  }
0x3a: {  	[sflag:s0] =	ssyncset.done $0x0  }
0x3b: {  	[sflag:s0] =	ssyncadd.s32 $0xFFFFF800  }
0x3c: {  	[bflag:$0x0] =	sbarrier.arrive $0xFFFF  }
0x3d: {  	s1 =	rddreg [dreg:$0xc]  }
0x3e: {  	s18 =	simm.s32 $0x0;
	s10 =	rddreg [dreg:$0xd]  }
.LBB2_2:
0x3f: {  	s8 =	simm.s32 $0x2  }
0x40: {  	_ =	swait.ge [sflag:s8], $0x80  }
0x41: {  	[sflag:s8] =	ssyncset.done $0x0  }
0x42: {  	s19 =	simm.s32 $0x1840;
	p0 =	seq.s32 s18, $0x0;
	[sflag:s8] =	ssyncadd.s32 $0xFFFFFF80  }
0x43: {  	[spmem:s2] =	stream.indirect.scatter.add.f32 [tilespmem:s6], [sflag:$0xA], $0x10, s19, s9, $0xb8;
	[tilespmem:$0x4C40] =	vst v63  }
0x44: {  	s19 =	simm.s32 @!p0 $0xC  }
0x45: {  	_ =	swait.ge @!p0 [sflag:s19], $0x800  }
0x46: {  	[sflag:s19] =	ssyncset.done @!p0 $0x0;
	s8 =	rddreg [dreg:$0x13]  }
0x47: {  	s23 =	simm.s32 $0x1A40;
	[sflag:s19] =	ssyncadd.s32 @!p0 $0xFFFFF800;
	s19 =	sadd.s32 s18, s8  }
0x48: {  	[tilespmem:s23], [sflag:$0x6] =	stream.linear.gather [hbm4b:s19+s3], $0x80, $0x38;
	[tilespmem:$0x4C40] =	vst v63  }
0x49: {  	s19 =	simm.s32 $0x3  }
0x4a: {  	_ =	swait.ge [sflag:s19], $0x80  }
0x4b: {  	[sflag:s19] =	ssyncset.done $0x0  }
0x4c: {  	s8 =	simm.s32 $0x18C0;
	[sflag:s19] =	ssyncadd.s32 $0xFFFFFF80;
	s19 =	simm.s32 @!p0 $0xD  }
0x4d: {  	[spmem:s2] =	stream.indirect.scatter.add.f32 [tilespmem:s6], [sflag:$0xB], $0x10, s8, s9, $0xb8;
	[tilespmem:$0x4C40] =	vst v63  }
0x4e: {  	_ =	swait.ge @!p0 [sflag:s19], $0x800  }
0x4f: {  	[sflag:s19] =	ssyncset.done @!p0 $0x0;
	s8 =	rddreg [dreg:$0x12]  }
0x50: {  	s28 =	simm.s32 $0x1AC0;
	[sflag:s19] =	ssyncadd.s32 @!p0 $0xFFFFF800;
	s19 =	sadd.s32 s18, s8  }
0x51: {  	[tilespmem:s28], [sflag:$0x7] =	stream.linear.gather [hbm4b:s19+s3], $0x80, $0x38;
	[tilespmem:$0x4C40] =	vst v63  }
0x52: {  	_ =	swait.ge [sflag:s7], $0x80  }
0x53: {  	[sflag:s7] =	ssyncset.done $0x0  }
0x54: {  	[sflag:s7] =	ssyncadd.s32 $0xFFFFFF80  }
0x55: {  	[spmem:s2] =	stream.indirect.scatter.add.f32 [tilespmem:s6], [sflag:$0xC], $0x10, s20, s9, $0xb8;
	[tilespmem:$0x4C40] =	vst v63  }
0x56: {  	_ =	swait.ge [sflag:s26], $0x800  }
0x57: {  	[sflag:s26] =	ssyncset.done $0x0;
	s20 =	rddreg [dreg:$0x11]  }
0x58: {  	s8 =	simm.s32 $0x1B40;
	[sflag:s26] =	ssyncadd.s32 $0xFFFFF800;
	s19 =	sadd.s32 s18, s20  }
0x59: {  	[tilespmem:s8], [sflag:$0x8] =	stream.linear.gather [hbm4b:s19+s3], $0x80, $0x38;
	[tilespmem:$0x4C40] =	vst v63  }
0x5a: {  	_ =	swait.ge [sflag:s11], $0x80  }
0x5b: {  	[sflag:s11] =	ssyncset.done $0x0  }
0x5c: {  	[sflag:s11] =	ssyncadd.s32 $0xFFFFFF80  }
0x5d: {  	[spmem:s2] =	stream.indirect.scatter.add.f32 [tilespmem:s6], [sflag:$0xD], $0x10, s21, s9, $0xb8;
	[tilespmem:$0x4C40] =	vst v63  }
0x5e: {  	_ =	swait.ge [sflag:s22], $0x800  }
0x5f: {  	[sflag:s22] =	ssyncset.done $0x0;
	s21 =	rddreg [dreg:$0x10]  }
0x60: {  	[sflag:s22] =	ssyncadd.s32 $0xFFFFF800;
	s19 =	sadd.s32 s18, s21  }
0x61: {  	[tilespmem:s31], [sflag:$0x9] =	stream.linear.gather [hbm4b:s19+s3], $0x80, $0x38;
	[tilespmem:$0x4C40] =	vst v63  }
0x62: {  	_ =	swait.ge [sflag:s29], $0x80  }
0x63: {  	[sflag:s29] =	ssyncset.done $0x0  }
0x64: {  	[sflag:s29] =	ssyncadd.s32 $0xFFFFFF80  }
0x65: {  	[spmem:s2] =	stream.indirect.scatter.add.f32 [tilespmem:s6], [sflag:$0xA], $0x10, s23, s9, $0xb8;
	[tilespmem:$0x4C40] =	vst v63  }
0x66: {  	_ =	swait.ge [sflag:s13], $0x800  }
0x67: {  	p0 =	seq.s32 s18, $0x480;
	[sflag:s13] =	ssyncset.done $0x0  }
0x68: {  	s19 =	simm.s32 @p0 $0x7;
	[sflag:s13] =	ssyncadd.s32 $0xFFFFF800  }
0x69: {  	_ =	swait.ge @p0 [sflag:s19], $0x80  }
0x6a: {  	s20 =	simm.s32 @p0 $0x1AC0;
	[sflag:s19] =	ssyncset.done @p0 $0x0  }
0x6b: {  	s21 =	simm.s32 @p0 $0x1C40;
	[sflag:s19] =	ssyncadd.s32 @p0 $0xFFFFFF80;
	s19 =	simm.s32 @p0 $0x80  }
0x6c: {  	[spmem:s2] =	stream.indirect.scatter.add.f32 @p0 [tilespmem:s21], [sflag:$0xB], $0x10, s20, s19, $0xb8;
	[tilespmem:$0x4C40] =	vst v63  }
0x6d: {  	s19 =	simm.s32 @p0 $0xD  }
0x6e: {  	_ =	swait.ge @p0 [sflag:s19], $0x800  }
0x6f: {  	[sflag:s19] =	ssyncset.done @p0 $0x0  }
0x70: {  	[sflag:s19] =	ssyncadd.s32 @p0 $0xFFFFF800;
	s19 =	rddreg [dreg:$0xf]  }
0x71: {  	s20 =	simm.s32 @!p0 $0x0;
	s21 =	simm.s32 @!p0 $0x1840;
	s19 =	sadd.s32 @!p0 s18, s19  }
0x72: {  	[tilespmem:s21], [sflag:$0x2] =	stream.linear.gather @!p0 [hbm4b:s19+s20], $0x80, $0x38;
	[tilespmem:$0x4C40] =	vst v63  }
0x73: {  	s19 =	simm.s32 @!p0 $0x7  }
0x74: {  	_ =	swait.ge @!p0 [sflag:s19], $0x80  }
0x75: {  	s31 =	simm.s32 @!p0 $0x1C40;
	[sflag:s19] =	ssyncset.done @!p0 $0x0  }
0x76: {  	s21 =	simm.s32 @!p0 $0x1AC0;
	[sflag:s19] =	ssyncadd.s32 @!p0 $0xFFFFFF80;
	s19 =	simm.s32 @!p0 $0x80  }
0x77: {  	[spmem:s2] =	stream.indirect.scatter.add.f32 @!p0 [tilespmem:s31], [sflag:$0xB], $0x10, s21, s19, $0xb8;
	[tilespmem:$0x4C40] =	vst v63  }
0x78: {  	s19 =	simm.s32 @!p0 $0xD  }
0x79: {  	_ =	swait.ge @!p0 [sflag:s19], $0x800  }
0x7a: {  	[sflag:s19] =	ssyncset.done @!p0 $0x0  }
0x7b: {  	[sflag:s19] =	ssyncadd.s32 @!p0 $0xFFFFF800;
	s19 =	rddreg [dreg:$0xe]  }
0x7c: {  	s21 =	simm.s32 @!p0 $0x18C0;
	s19 =	sadd.s32 @!p0 s18, s19  }
0x7d: {  	[tilespmem:s21], [sflag:$0x3] =	stream.linear.gather @!p0 [hbm4b:s19+s20], $0x80, $0x38;
	[tilespmem:$0x4C40] =	vst v63  }
0x7e: {  	_ =	swait.ge [sflag:s30], $0x80  }
0x7f: {  	[sflag:s30] =	ssyncset.done $0x0  }
.Ltmp0:
0x80: {  	[sflag:s30] =	ssyncadd.s32 $0xFFFFFF80;
	(pc) =	sbr.rel @p0 .LBB2_4-.Ltmp0, $4  }
0x81: {  	[spmem:s2] =	stream.indirect.scatter.add.f32 [tilespmem:s6], [sflag:$0xC], $0x10, s8, s9, $0xb8;
	[tilespmem:$0x4C40] =	vst v63  }
0x82: {  	_ =	swait.ge [sflag:s26], $0x800  }
0x83: {  	[sflag:s26] =	ssyncset.done $0x0  }
0x84: {  	s28 =	simm.s32 $0x1940;
	s23 =	simm.s32 $0x19C0;
	[sflag:s26] =	ssyncadd.s32 $0xFFFFF800  }
0x85: {  	s19 =	sadd.s32 s18, s10  }
0x86: {  	[tilespmem:s28], [sflag:$0x4] =	stream.linear.gather [hbm4b:s19+s3], $0x80, $0x38;
	[tilespmem:$0x4C40] =	vst v63  }
0x87: {  	_ =	swait.ge [sflag:s14], $0x80  }
0x88: {  	[sflag:s14] =	ssyncset.done $0x0  }
0x89: {  	[sflag:s14] =	ssyncadd.s32 $0xFFFFFF80  }
0x8a: {  	[spmem:s2] =	stream.indirect.scatter.add.f32 [tilespmem:s6], [sflag:$0xD], $0x10, s12, s9, $0xb8;
	[tilespmem:$0x4C40] =	vst v63  }
.Ltmp1:
0x8b: {  	_ = 	snop;
	(pc) =	sbr.rel .LBB2_2-.Ltmp1, $4  }
0x8c: {  	s20 =	simm.s32 $0x1940;
	_ =	swait.ge [sflag:s22], $0x800  }
0x8d: {  	s21 =	simm.s32 $0x19C0;
	s31 =	simm.s32 $0x1BC0;
	[sflag:s22] =	ssyncset.done $0x0  }
0x8e: {  	s28 =	sadd.s32 s18, s1;
	s18 =	sadd.s32 $0x80, s18;
	[sflag:s22] =	ssyncadd.s32 $0xFFFFF800  }
0x8f: {  	[tilespmem:s23], [sflag:$0x5] =	stream.linear.gather [hbm4b:s28+s3], $0x80, $0x38;
	[tilespmem:$0x4C40] =	vst v63  }
.LBB2_4:
0x90: {  	_ =	swait.ge [sflag:s14], $0x80  }
0x91: {  	[sflag:s14] =	ssyncset.done $0x0  }
0x92: {  	[sflag:s14] =	ssyncadd.s32 $0xFFFFFF80  }
0x93: {  	[spmem:s2] =	stream.indirect.scatter.add.f32 [tilespmem:s6], [sflag:$0xD], $0x10, s12, s9, $0xb8;
	[tilespmem:$0x4C40] =	vst v63  }
0x94: {  	_ =	swait.ge [sflag:s22], $0x800  }
0x95: {  	[sflag:s22] =	ssyncset.done $0x0  }
0x96: {  	[sflag:s22] =	ssyncadd.s32 $0xFFFFF800  }
0x97: {  	_ =	swait.ge [sflag:s13], $0x800  }
0x98: {  	[sflag:s13] =	ssyncset.done $0x0  }
0x99: {  	s1 =	simm.s32 $0xD;
	[sflag:s13] =	ssyncadd.s32 $0xFFFFF800  }
0x9a: {  	_ =	swait.ge [sflag:s1], $0x800  }
0x9b: {  	[sflag:s1] =	ssyncset.done $0x0  }
0x9c: {  	s18 =	sadd.s32 $0x0, s25;
	[sflag:s1] =	ssyncadd.s32 $0xFFFFF800  }
0x9d: {  	[tilespmem:s3], [sflag:$0xE] =	stream.linear.gather [hbm4b:s18+s3], $0x40, $0x38;
	[tilespmem:$0x4C40] =	vst v63  }
0x9e: {  	_ =	swait.ge [sflag:s0], $0x40  }
0x9f: {  	[sflag:s0] =	ssyncset.done $0x0  }
0xa0: {  	[sflag:s0] =	ssyncadd.s32 $0xFFFFFFC0  }
0xa1: {  	[tilespmem:s15], [sflag:$0x1] =	stream.indirect.gather [hbm4b:s4+s15], $0x40, s3, s15, $0xb8;
	[tilespmem:$0x4C40] =	vst v63  }
0xa2: {  	_ =	swait.ge [sflag:s16], $0x1000  }
0xa3: {  	[sflag:s16] =	ssyncset.done $0x0  }
0xa4: {  	s10 =	rddreg [dreg:$0x15];
	[sflag:s16] =	ssyncadd.s32 $0xFFFFF000  }
0xa5: {  	[hbm4b:s10+s3] =	stream.linear.scatter [tilespmem:s15], [sflag:$0xE], $0x1000, $0x38;
	[tilespmem:$0x4C40] =	vst v63  }
0xa6: {  	_ =	swait.ge [sflag:s0], $0x1000  }
0xa7: {  	[sflag:s0] =	ssyncset.done $0x0  }
0xa8: {  	s28 =	sadd.s32 $0x0, s24;
	[sflag:s0] =	ssyncadd.s32 $0xFFFFF000  }
0xa9: {  	[tilespmem:s3], [sflag:$0xE] =	stream.linear.gather [hbm4b:s28+s3], $0x40, $0x38;
	[tilespmem:$0x4C40] =	vst v63  }
0xaa: {  	_ =	swait.ge [sflag:s0], $0x40  }
0xab: {  	[sflag:s0] =	ssyncset.done $0x0  }
0xac: {  	[sflag:s0] =	ssyncadd.s32 $0xFFFFFFC0  }
0xad: {  	[tilespmem:s17], [sflag:$0x1] =	stream.indirect.gather [hbm4b:s5+s15], $0x20, s3, s15, $0xb8;
	[tilespmem:$0x4C40] =	vst v63  }
0xae: {  	_ =	swait.ge [sflag:s16], $0x800  }
0xaf: {  	[sflag:s16] =	ssyncset.done $0x0  }
0xb0: {  	s19 =	simm.s32 $0x8;
	s31 =	rddreg [dreg:$0x14];
	[sflag:s16] =	ssyncadd.s32 $0xFFFFF800  }
0xb1: {  	[hbm4b:s31+s3] =	stream.linear.scatter [tilespmem:s17], [sflag:$0xE], $0x800, $0x38;
	[tilespmem:$0x4C40] =	vst v63  }
0xb2: {  	s21 =	simm.s32 $0x10;
	s20 =	sadd.s32 $0x200, s10;
	_ =	swait.ge [sflag:s0], $0x800  }
0xb3: {  	s18 =	sadd.s32 $0x100, s31;
	[sflag:s0] =	ssyncset.done $0x0;
	s8 =	rddreg [dreg:$0x18]  }
.LBB2_5:
0xb4: {  	s31 =	sadd.s32 s19, s25  }
0xb5: {  	[sflag:s0] =	ssyncadd.s32 $0xFFFFF800;
	s1 =	smov.u32 s21;
	s10 =	sadd.s32 $0x8, s21  }
0xb6: {  	[tilespmem:s3], [sflag:$0xE] =	stream.linear.gather [hbm4b:s31+s3], $0x40, $0x38;
	[tilespmem:$0x4C40] =	vst v63  }
0xb7: {  	p0 =	sne.s32 s21, $0x20;
	_ =	swait.ge [sflag:s0], $0x40  }
0xb8: {  	[sflag:s0] =	ssyncset.done $0x0  }
0xb9: {  	[sflag:s0] =	ssyncadd.s32 $0xFFFFFFC0  }
0xba: {  	[tilespmem:s15], [sflag:$0x1] =	stream.indirect.gather [hbm4b:s4+s15], $0x40, s3, s15, $0xb8;
	[tilespmem:$0x4C40] =	vst v63  }
0xbb: {  	_ =	swait.ge [sflag:s16], $0x1000  }
0xbc: {  	[sflag:s16] =	ssyncset.done $0x0  }
0xbd: {  	[sflag:s16] =	ssyncadd.s32 $0xFFFFF000  }
0xbe: {  	[hbm4b:s20+s3] =	stream.linear.scatter [tilespmem:s15], [sflag:$0xE], $0x1000, $0x38;
	[tilespmem:$0x4C40] =	vst v63  }
0xbf: {  	_ =	swait.ge [sflag:s0], $0x1000  }
0xc0: {  	[sflag:s0] =	ssyncset.done $0x0  }
0xc1: {  	s21 =	sadd.s32 s19, s24;
	s19 =	smov.u32 s1;
	[sflag:s0] =	ssyncadd.s32 $0xFFFFF000  }
0xc2: {  	[tilespmem:s3], [sflag:$0xE] =	stream.linear.gather [hbm4b:s21+s3], $0x40, $0x38;
	[tilespmem:$0x4C40] =	vst v63  }
0xc3: {  	_ =	swait.ge [sflag:s0], $0x40  }
0xc4: {  	[sflag:s0] =	ssyncset.done $0x0  }
0xc5: {  	[sflag:s0] =	ssyncadd.s32 $0xFFFFFFC0  }
0xc6: {  	[tilespmem:s17], [sflag:$0x1] =	stream.indirect.gather [hbm4b:s5+s15], $0x20, s3, s15, $0xb8;
	[tilespmem:$0x4C40] =	vst v63  }
0xc7: {  	_ =	swait.ge [sflag:s16], $0x800  }
.Ltmp2:
0xc8: {  	[sflag:s16] =	ssyncset.done $0x0;
	(pc) =	sbr.rel @p0 .LBB2_5-.Ltmp2, $4  }
0xc9: {  	[sflag:s16] =	ssyncadd.s32 $0xFFFFF800  }
0xca: {  	[hbm4b:s18+s3] =	stream.linear.scatter [tilespmem:s17], [sflag:$0xE], $0x800, $0x38;
	[tilespmem:$0x4C40] =	vst v63  }
0xcb: {  	s20 =	sadd.s32 $0x200, s20;
	_ =	swait.ge [sflag:s0], $0x800  }
0xcc: {  	s21 =	smov.u32 s10;
	s18 =	sadd.s32 $0x100, s18;
	[sflag:s0] =	ssyncset.done $0x0  }
0xcd: {  	s1 =	sadd.s32 s19, s25;
	[sflag:s0] =	ssyncadd.s32 $0xFFFFF800  }
0xce: {  	[tilespmem:s3], [sflag:$0xE] =	stream.linear.gather [hbm4b:s1+s3], $0x40, $0x38;
	[tilespmem:$0x4C40] =	vst v63  }
0xcf: {  	_ =	swait.ge [sflag:s0], $0x40  }
0xd0: {  	[sflag:s0] =	ssyncset.done $0x0  }
0xd1: {  	[sflag:s0] =	ssyncadd.s32 $0xFFFFFFC0  }
0xd2: {  	[tilespmem:s15], [sflag:$0x1] =	stream.indirect.gather [hbm4b:s4+s15], $0x40, s3, s15, $0xb8;
	[tilespmem:$0x4C40] =	vst v63  }
0xd3: {  	_ =	swait.ge [sflag:s16], $0x1000  }
0xd4: {  	[sflag:s16] =	ssyncset.done $0x0  }
0xd5: {  	[sflag:s16] =	ssyncadd.s32 $0xFFFFF000  }
0xd6: {  	[hbm4b:s20+s3] =	stream.linear.scatter [tilespmem:s15], [sflag:$0xE], $0x1000, $0x38;
	[tilespmem:$0x4C40] =	vst v63  }
0xd7: {  	_ =	swait.ge [sflag:s0], $0x1000  }
0xd8: {  	[sflag:s0] =	ssyncset.done $0x0  }
0xd9: {  	s21 =	sadd.s32 s19, s24;
	[sflag:s0] =	ssyncadd.s32 $0xFFFFF000  }
0xda: {  	[tilespmem:s3], [sflag:$0xE] =	stream.linear.gather [hbm4b:s21+s3], $0x40, $0x38;
	[tilespmem:$0x4C40] =	vst v63  }
0xdb: {  	_ =	swait.ge [sflag:s0], $0x40  }
0xdc: {  	[sflag:s0] =	ssyncset.done $0x0  }
0xdd: {  	[sflag:s0] =	ssyncadd.s32 $0xFFFFFFC0  }
0xde: {  	[tilespmem:s17], [sflag:$0x1] =	stream.indirect.gather [hbm4b:s5+s15], $0x20, s3, s15, $0xb8;
	[tilespmem:$0x4C40] =	vst v63  }
0xdf: {  	_ =	swait.ge [sflag:s16], $0x800  }
0xe0: {  	[sflag:s16] =	ssyncset.done $0x0  }
0xe1: {  	[sflag:s16] =	ssyncadd.s32 $0xFFFFF800  }
0xe2: {  	[hbm4b:s18+s3] =	stream.linear.scatter [tilespmem:s17], [sflag:$0xE], $0x800, $0x38;
	[tilespmem:$0x4C40] =	vst v63  }
0xe3: {  	_ =	swait.ge [sflag:s0], $0x800  }
0xe4: {  	[sflag:s0] =	ssyncset.done $0x0  }
0xe5: {  	[sflag:s0] =	ssyncadd.s32 $0xFFFFF800  }
0xe6: {  	[bflag:$0x0] =	sbarrier.arrive $0xFFFF  }
0xe7: {  	s18 =	rddreg [dreg:$0x9]  }
0xe8: {  	s23 =	rddreg [dreg:$0xa]  }
0xe9: {  	s10 =	rddreg [dreg:$0x19]  }
0xea: {  	[hbm:s23], [sflag:s18] =	dma.local [spmem:s10], $0x500  }
0xeb: {  	_ =	swait.ge [sflag:s0], $0x500  }
0xec: {  	s8 =	sadd.s32 $0x1, s8;
	s28 =	rddreg [dreg:$0xb]  }
0xed: {  	p0 =	sne.s32 s8, s28  }
.Ltmp3:
0xee: {  	_ = 	snop;
	(pc) =	sbr.rel @p0 .LBB2_1-.Ltmp3, $3  }
0xef: {  	_ =	sdelay $0x1  }
0xf0: {  	s31 =	simm.s32 $0x1BC0;
	[sflag:s0] =	ssyncset.done $0x0  }
0xf1: {  	s20 =	simm.s32 $0x1940;
	s21 =	simm.s32 $0x19C0;
	[sflag:s0] =	ssyncadd.s32 $0xFFFFFB00  }
0xf2: {  	_ =	sfence.sel $0x180000  }
0xf3: {  	[bflag:$0x0] =	sbarrier.arrive $0xFFFF  }
0xf4: {  	_ =	strace $0x90000047  }
0xf5: {  	s0 =	stileid.u32;
	[bflag:$0x2] =	sbarrier.arrive $0xFFFF  }
0xf6: {  	p0 =	sne.s32 s0, $0x0;
	s0 =	rddreg [dreg:$0x3]  }
0xf7: {  	s0 =	sadd.s32 @!p0 $0x100000, s0  }
0xf8: {  	[sflag:s0] =	ssyncadd.tile.s32 @!p0 $0x1;
	_ =	shalt  }
.Lfunc_end2:
_tile_overlayer_lowered:
.L_overlay_start_2:
0xf9: {  	(tag) =	ssettag $0x2  }
0xfa: {  	s0 =	rddreg [dreg:$0x0];
	s2 =	stileid.u32  }
0xfb: {  	s1 =	rddreg [dreg:$0x1];
	p0 =	sne.s32 s2, $0x0  }
0xfc: {  	s3 =	rddreg [dreg:$0x2];
	[bflag:$0x3] =	sbarrier.arrive $0xFFFF;
	s2 =	simm.s32 @!p0 $0x1C0E  }
0xfd: {  	[timem:s3], [sflag:s2] =	dma.local @!p0 [hbm:s0], s1  }
0xfe: {  	s0 =	simm.s32 @!p0 $0xE  }
0xff: {  	_ =	swait.ge @!p0 [sflag:s0], s1  }
0x100: {  	s1 =	ssub.s32 @!p0 $0x0, s1;
	[sflag:s0] =	ssyncset.done @!p0 $0x0  }
0x101: {  	[sflag:s0] =	ssyncadd.s32 @!p0 s1  }
0x102: {  	[bflag:$0x3] =	sbarrier.arrive $0xFFFF  }
0x103: {  	_ =	shalt  }

</sc_bundles>
